<compile_context>
chip_gen: v7x
topology: tpu7x:2x2x1
jax: 0.10.2.dev20260603
libtpu: 0.0.44.dev20260713+nightly
codegen_flags: <defaults>
</compile_context>

<pallas_src>
import functools

import numpy as np
import jax
import jax.numpy as jnp
from jax import lax
from jax.experimental import pallas as pl
from jax.experimental.pallas import tpu as pltpu
from jax.experimental.pallas import tpu_sc as plsc

H_FFT = 384
W_FFT = 193
NUM_BANDS = 6
HIDDEN = 128
F = H_FFT * W_FFT
ROWS = 4 * 96
NC, NS = 2, 16
NW = NC * NS
ROWS_PER_W = ROWS // NW
PIECES = 4
PW = F // PIECES
PAIRS = PW // 32
NBANKS = 8
ACCW = NBANKS * 96
TCB = 4096


def _band_tables():
    yy = np.arange(H_FFT, dtype=np.float32).reshape(-1, 1)
    xx = np.arange(W_FFT, dtype=np.float32).reshape(1, -1)
    ry = yy / max(H_FFT - 1, 1)
    rx = xx / max(W_FFT - 1, 1)
    r = np.sqrt(ry ** 2 + rx ** 2)
    r = r / (r.max() + 1e-8)
    band = np.minimum(np.floor(r * NUM_BANDS), NUM_BANDS - 1)
    band = band.astype(np.int32).reshape(-1)
    counts = np.zeros(NUM_BANDS, dtype=np.float32)
    for b in range(NUM_BANDS):
        counts[b] = max(float((band == b).sum()), 1.0)
    inv = np.float32(1.0) / (counts + np.float32(1e-6))
    sidx = band * 16 + (np.arange(F, dtype=np.int32) % 16)
    s = sidx.reshape(-1, 2, 16)
    spk = (s[:, 0, :] | (s[:, 1, :] << 16)).reshape(-1).astype(np.int32)
    onehot = np.zeros((16, F), dtype=np.float32)
    onehot[band, np.arange(F)] = 1.0
    return spk, [float(v) for v in inv], onehot


_SPK_NP, _INV_COUNTS, _ONEHOT_NP = _band_tables()

_MESH = plsc.VectorSubcoreMesh(core_axis_name="c", subcore_axis_name="s")


@functools.partial(
    pl.kernel,
    out_type=jax.ShapeDtypeStruct((ROWS * 16,), jnp.float32),
    mesh=_MESH,
    compiler_params=pltpu.CompilerParams(
        use_tc_tiling_on_sc=False, needs_layout_passes=False),
    scratch_types=[
        pltpu.VMEM((F // 2,), jnp.int32),
        pltpu.VMEM((PW,), jnp.float32),
        pltpu.VMEM((PW,), jnp.float32),
        pltpu.VMEM((ACCW,), jnp.float32),
        pltpu.VMEM((ROWS_PER_W * 16,), jnp.float32),
        pltpu.VMEM((NUM_BANDS * HIDDEN,), jnp.float32),
        pltpu.VMEM((HIDDEN,), jnp.float32),
        pltpu.VMEM((HIDDEN * 16,), jnp.float32),
        pltpu.VMEM((16,), jnp.float32),
        pltpu.SemaphoreType.DMA,
        pltpu.SemaphoreType.DMA,
    ],
)
def _rbg(feat_hbm, spk_hbm, w1_hbm, b1_hbm, w2_hbm, b2_hbm, gate_hbm,
         spk_v, fb0, fb1, acc_v, gflat, w1v, b1v, w2v, b2v, semf0, semf1):
    wid = lax.axis_index("s") * NC + lax.axis_index("c")

    ih = [pltpu.async_copy(spk_hbm, spk_v, semf0),
          pltpu.async_copy(w1_hbm, w1v, semf0),
          pltpu.async_copy(b1_hbm, b1v, semf0),
          pltpu.async_copy(w2_hbm, w2v, semf0),
          pltpu.async_copy(b2_hbm, b2v, semf0)]
    for h in ih:
        h.wait()

    zero16 = jnp.zeros((16,), jnp.float32)
    fbufs = (fb0, fb1)
    fsems = (semf0, semf1)

    for w in range(ACCW // 16):
        acc_v[pl.ds(w * 16, 16)] = zero16

    def hsum(v):
        s = v[0]
        for l in range(1, 16):
            s = s + v[l]
        return s

    base = wid * ROWS_PER_W

    def mlp_gate(sums):
        means = [sums[k] * _INV_COUNTS[k] for k in range(NUM_BANDS)]
        h_chunks = []
        for c8 in range(HIDDEN // 16):
            hv = b1v[pl.ds(c8 * 16, 16)]
            for k in range(NUM_BANDS):
                hv = hv + means[k] * w1v[pl.ds(k * HIDDEN + c8 * 16, 16)]
            h_chunks.append(jnp.maximum(hv, 0.0))
        parts = [b2v[...], zero16, zero16, zero16]
        for c8 in range(HIDDEN // 16):
            for l in range(16):
                j = c8 * 16 + l
                parts[l % 4] = (
                    parts[l % 4] + h_chunks[c8][l] * w2v[pl.ds(j * 16, 16)])
        av = (parts[0] + parts[1]) + (parts[2] + parts[3])
        return 1.0 / (1.0 + jnp.exp(-av))

    def collect_sums():
        sums = []
        for k in range(NUM_BANDS):
            a = acc_v[pl.ds(k * 16, 16)]
            for b in range(1, NBANKS):
                a = a + acc_v[pl.ds(b * 96 + k * 16, 16)]
            sums.append(hsum(a))
        for w in range(ACCW // 16):
            acc_v[pl.ds(w * 16, 16)] = zero16
        return sums

    def row_body(r, carry):
        row = base + r
        for p in range(PIECES):
            pltpu.make_async_copy(
                feat_hbm.at[row, pl.ds(p * PW, PW)],
                fbufs[p % 2], fsems[p % 2]).wait()
            fb = fbufs[p % 2]

            def pair_body(i, _p=p, _fb=fb):
                off = i * 32
                pk = spk_v[pl.ds(_p * (PW // 2) + i * 16, 16)]
                s0 = pk & 0xFFFF
                s1 = lax.shift_right_logical(pk, 16)
                fv0 = _fb[pl.ds(off, 16)]
                fv1 = _fb[pl.ds(off + 16, 16)]
                b0 = (i & 3) * 192
                plsc.addupdate_scatter(acc_v, [s0 + b0], fv0)
                plsc.addupdate_scatter(acc_v, [s1 + (b0 + 96)], fv1)

            plsc.parallel_loop(0, PAIRS, unroll=4)(pair_body)

            if p + 2 < PIECES:
                pltpu.async_copy(
                    feat_hbm.at[row, pl.ds((p + 2) * PW, PW)],
                    fbufs[p % 2], fsems[p % 2])
            else:

                @pl.when(r < ROWS_PER_W - 1)
                def _issue_next(_p=p, _row=row):
                    q = _p + 2 - PIECES
                    pltpu.async_copy(
                        feat_hbm.at[_row + 1, pl.ds(q * PW, PW)],
                        fbufs[q % 2], fsems[q % 2])

        gflat[pl.ds(r * 16, 16)] = mlp_gate(collect_sums())
        return carry

    pltpu.async_copy(feat_hbm.at[base, pl.ds(0, PW)], fbufs[0], fsems[0])
    pltpu.async_copy(feat_hbm.at[base, pl.ds(PW, PW)], fbufs[1], fsems[1])
    lax.fori_loop(0, ROWS_PER_W, row_body, 0)
    pltpu.sync_copy(gflat, gate_hbm.at[pl.ds(wid * (ROWS_PER_W * 16),
                                             ROWS_PER_W * 16)])


def _expand_body(g_ref, m_ref, o_ref):
    o_ref[...] = jnp.dot(g_ref[...], m_ref[...],
                         preferred_element_type=jnp.float32)


_expand_tc = pl.pallas_call(
    _expand_body,
    grid=(pl.cdiv(F, TCB),),
    in_specs=[
        pl.BlockSpec((ROWS, 16), lambda i: (0, 0)),
        pl.BlockSpec((16, TCB), lambda i: (0, i)),
    ],
    out_specs=pl.BlockSpec((ROWS, TCB), lambda i: (0, i)),
    out_shape=jax.ShapeDtypeStruct((ROWS, F), jnp.float32),
)


def kernel(feat_flat, W1, b1, W2, b2):
    B, C, Fdim = feat_flat.shape
    feat2 = feat_flat.reshape(B * C, Fdim)
    w2p = jnp.zeros((HIDDEN, 16), W2.dtype).at[:, :NUM_BANDS].set(W2)
    b2p = jnp.zeros((16,), b2.dtype).at[:NUM_BANDS].set(b2)
    gates = _rbg(feat2, jnp.asarray(_SPK_NP), W1.reshape(-1), b1,
                 w2p.reshape(-1), b2p)
    out = _expand_tc(gates.reshape(ROWS, 16), jnp.asarray(_ONEHOT_NP))
    return out.reshape(B, C, Fdim)

# --- scband reference (transcript-rebuilt; emitter-appended) ---
"""Pipeline reference for scband-radial-band-gate-77240691851287 (READ-ONLY COPY).

The authoritative reference and input builder live on the scoring server;
editing this copy changes nothing except your own understanding.
"""

import jax, jax.numpy as jnp
import numpy as np

H_FFT = 384
W_FFT = 193
NUM_BANDS = 6
HIDDEN = 128


def _band_info():
    yy = np.arange(H_FFT, dtype=np.float32).reshape(-1, 1)
    xx = np.arange(W_FFT, dtype=np.float32).reshape(1, -1)
    ry = yy / max(H_FFT - 1, 1)
    rx = xx / max(W_FFT - 1, 1)
    r = np.sqrt(ry ** 2 + rx ** 2)
    r = r / (r.max() + 1e-8)
    band_id = np.minimum(np.floor(r * NUM_BANDS), NUM_BANDS - 1).astype(np.int32).reshape(-1)
    counts = np.zeros(NUM_BANDS, dtype=np.float32)
    for b in range(NUM_BANDS):
        counts[b] = max(float((band_id == b).sum()), 1.0)
    return jnp.asarray(band_id), jnp.asarray(counts)


BAND_ID, BAND_COUNTS = _band_info()


def setup_inputs(seed: int = 0):
    key = jax.random.key(seed)
    k1, k2, k3, k4, k5 = jax.random.split(key, 5)
    B, C = 4, 96
    F = H_FFT * W_FFT
    feat_flat = jax.random.normal(k1, (B, C, F), dtype=jnp.float32)
    lim1 = 1.0 / np.sqrt(NUM_BANDS)
    W1 = jax.random.uniform(k2, (NUM_BANDS, HIDDEN), minval=-lim1, maxval=lim1, dtype=jnp.float32)
    b1 = jax.random.uniform(k3, (HIDDEN,), minval=-lim1, maxval=lim1, dtype=jnp.float32)
    lim2 = 1.0 / np.sqrt(HIDDEN)
    W2 = jax.random.uniform(k4, (HIDDEN, NUM_BANDS), minval=-lim2, maxval=lim2, dtype=jnp.float32)
    b2 = jax.random.uniform(k5, (NUM_BANDS,), minval=-lim2, maxval=lim2, dtype=jnp.float32)
    return {"feat_flat": feat_flat, "W1": W1, "b1": b1, "W2": W2, "b2": b2}


def reference(feat_flat, W1, b1, W2, b2):
    B, C, F = feat_flat.shape
    idx = BAND_ID
    # scatter-add feat into radial bands: (F, B, C) segment_sum -> (num_bands, B, C)
    feat_t = jnp.transpose(feat_flat, (2, 0, 1))
    sums = jax.ops.segment_sum(feat_t, idx, num_segments=NUM_BANDS)
    sums = jnp.transpose(sums, (1, 2, 0))  # (B, C, num_bands)
    means = sums / (BAND_COUNTS.reshape(1, 1, -1) + 1e-6)
    h = jax.nn.relu(means.reshape(B * C, NUM_BANDS) @ W1 + b1)
    alpha_band = jax.nn.sigmoid(h @ W2 + b2).reshape(B, C, NUM_BANDS)
    # gather band weight back to every frequency point
    alpha_flat = jnp.take(alpha_band, idx, axis=2)
    return alpha_flat

if __name__ == "__main__":
    import jax
    _d = setup_inputs()
    print(jax.jit(kernel)(*tuple(_d.values())))

</pallas_src>

<mosaic_0001>
#map = affine_map<(d0, d1) -> (0, 0)>
#map1 = affine_map<(d0, d1) -> (0)>
module attributes {stable_mosaic.version = 14 : i64} {
  func.func @_rbg(%arg0: i32, %arg1: i32, %arg2: memref<384x74112xf32, #tpu.memory_space<hbm>>, %arg3: memref<37056xi32, #tpu.memory_space<hbm>>, %arg4: memref<768xf32, #tpu.memory_space<hbm>>, %arg5: memref<128xf32, #tpu.memory_space<hbm>>, %arg6: memref<2048xf32, #tpu.memory_space<hbm>>, %arg7: memref<16xf32, #tpu.memory_space<hbm>>, %arg8: memref<6144xf32, #tpu.memory_space<hbm>>, %arg9: memref<37056xi32, #tpu.memory_space<vmem>>, %arg10: memref<18528xf32, #tpu.memory_space<vmem>>, %arg11: memref<18528xf32, #tpu.memory_space<vmem>>, %arg12: memref<768xf32, #tpu.memory_space<vmem>>, %arg13: memref<192xf32, #tpu.memory_space<vmem>>, %arg14: memref<768xf32, #tpu.memory_space<vmem>>, %arg15: memref<128xf32, #tpu.memory_space<vmem>>, %arg16: memref<2048xf32, #tpu.memory_space<vmem>>, %arg17: memref<16xf32, #tpu.memory_space<vmem>>, %arg18: memref<!tpu.dma_semaphore, #tpu.memory_space<semaphore_mem>>, %arg19: memref<!tpu.dma_semaphore, #tpu.memory_space<semaphore_mem>>) attributes {dimension_semantics = [#tpu.dimension_semantics<core_parallel>, #tpu.dimension_semantics<subcore_parallel>], iteration_bounds = array<i64: 2, 16>, scalar_prefetch = 0 : i64, scratch_operands = 11 : i64, tpu.core_type = #tpu.core_type<sc_vector_subcore>, window_params = [{transform_indices = #map}, {transform_indices = #map1}, {transform_indices = #map1}, {transform_indices = #map1}, {transform_indices = #map1}, {transform_indices = #map1}, {transform_indices = #map1}]} {
    %mul3A = arith.constant 2 : i32
    %mul3A_0 = arith.muli %arg1, %mul3A : i32
    %add3A = arith.addi %mul3A_0, %arg0 : i32
    tpu.enqueue_dma source(%arg3 : memref<37056xi32, #tpu.memory_space<hbm>>) target(%arg9 : memref<37056xi32, #tpu.memory_space<vmem>>) target_semaphore(%arg18 : memref<!tpu.dma_semaphore, #tpu.memory_space<semaphore_mem>>)
    tpu.enqueue_dma source(%arg4 : memref<768xf32, #tpu.memory_space<hbm>>) target(%arg14 : memref<768xf32, #tpu.memory_space<vmem>>) target_semaphore(%arg18 : memref<!tpu.dma_semaphore, #tpu.memory_space<semaphore_mem>>)
    tpu.enqueue_dma source(%arg5 : memref<128xf32, #tpu.memory_space<hbm>>) target(%arg15 : memref<128xf32, #tpu.memory_space<vmem>>) target_semaphore(%arg18 : memref<!tpu.dma_semaphore, #tpu.memory_space<semaphore_mem>>)
    tpu.enqueue_dma source(%arg6 : memref<2048xf32, #tpu.memory_space<hbm>>) target(%arg16 : memref<2048xf32, #tpu.memory_space<vmem>>) target_semaphore(%arg18 : memref<!tpu.dma_semaphore, #tpu.memory_space<semaphore_mem>>)
    tpu.enqueue_dma source(%arg7 : memref<16xf32, #tpu.memory_space<hbm>>) target(%arg17 : memref<16xf32, #tpu.memory_space<vmem>>) target_semaphore(%arg18 : memref<!tpu.dma_semaphore, #tpu.memory_space<semaphore_mem>>)
    tpu.wait_dma2 semaphore(%arg18 : memref<!tpu.dma_semaphore, #tpu.memory_space<semaphore_mem>>) src(%arg3 : memref<37056xi32, #tpu.memory_space<hbm>>) dst(%arg9 : memref<37056xi32, #tpu.memory_space<vmem>>)
    tpu.wait_dma2 semaphore(%arg18 : memref<!tpu.dma_semaphore, #tpu.memory_space<semaphore_mem>>) src(%arg4 : memref<768xf32, #tpu.memory_space<hbm>>) dst(%arg14 : memref<768xf32, #tpu.memory_space<vmem>>)
    tpu.wait_dma2 semaphore(%arg18 : memref<!tpu.dma_semaphore, #tpu.memory_space<semaphore_mem>>) src(%arg5 : memref<128xf32, #tpu.memory_space<hbm>>) dst(%arg15 : memref<128xf32, #tpu.memory_space<vmem>>)
    tpu.wait_dma2 semaphore(%arg18 : memref<!tpu.dma_semaphore, #tpu.memory_space<semaphore_mem>>) src(%arg6 : memref<2048xf32, #tpu.memory_space<hbm>>) dst(%arg16 : memref<2048xf32, #tpu.memory_space<vmem>>)
    tpu.wait_dma2 semaphore(%arg18 : memref<!tpu.dma_semaphore, #tpu.memory_space<semaphore_mem>>) src(%arg7 : memref<16xf32, #tpu.memory_space<hbm>>) dst(%arg17 : memref<16xf32, #tpu.memory_space<vmem>>)
    %broadcast_in_dim3A = arith.constant 0.000000e+00 : f32
    %broadcast_in_dim3A_1 = vector.broadcast %broadcast_in_dim3A : f32 to vector<16xf32>
    %swap3A = arith.constant 0 : index
    %swap3A_2 = tpu.vector_load %arg12[%swap3A] {strides = array<i32>} : memref<768xf32, #tpu.memory_space<vmem>>, vector<16xf32>,
    tpu.vector_store %arg12[%swap3A], %broadcast_in_dim3A_1 {strides = array<i32>} : memref<768xf32, #tpu.memory_space<vmem>>, vector<16xf32>,
    %swap3A_3 = arith.constant 16 : index
    %swap3A_4 = tpu.vector_load %arg12[%swap3A_3] {strides = array<i32>} : memref<768xf32, #tpu.memory_space<vmem>>, vector<16xf32>,
    tpu.vector_store %arg12[%swap3A_3], %broadcast_in_dim3A_1 {strides = array<i32>} : memref<768xf32, #tpu.memory_space<vmem>>, vector<16xf32>,
    %swap3A_5 = arith.constant 32 : index
    %swap3A_6 = tpu.vector_load %arg12[%swap3A_5] {strides = array<i32>} : memref<768xf32, #tpu.memory_space<vmem>>, vector<16xf32>,
    tpu.vector_store %arg12[%swap3A_5], %broadcast_in_dim3A_1 {strides = array<i32>} : memref<768xf32, #tpu.memory_space<vmem>>, vector<16xf32>,
    %swap3A_7 = arith.constant 48 : index
    %swap3A_8 = tpu.vector_load %arg12[%swap3A_7] {strides = array<i32>} : memref<768xf32, #tpu.memory_space<vmem>>, vector<16xf32>,
    tpu.vector_store %arg12[%swap3A_7], %broadcast_in_dim3A_1 {strides = array<i32>} : memref<768xf32, #tpu.memory_space<vmem>>, vector<16xf32>,
    %swap3A_9 = arith.constant 64 : index
    %swap3A_10 = tpu.vector_load %arg12[%swap3A_9] {strides = array<i32>} : memref<768xf32, #tpu.memory_space<vmem>>, vector<16xf32>,
    tpu.vector_store %arg12[%swap3A_9], %broadcast_in_dim3A_1 {strides = array<i32>} : memref<768xf32, #tpu.memory_space<vmem>>, vector<16xf32>,
    %swap3A_11 = arith.constant 80 : index
    %swap3A_12 = tpu.vector_load %arg12[%swap3A_11] {strides = array<i32>} : memref<768xf32, #tpu.memory_space<vmem>>, vector<16xf32>,
    tpu.vector_store %arg12[%swap3A_11], %broadcast_in_dim3A_1 {strides = array<i32>} : memref<768xf32, #tpu.memory_space<vmem>>, vector<16xf32>,
    %swap3A_13 = arith.constant 96 : index
    %swap3A_14 = tpu.vector_load %arg12[%swap3A_13] {strides = array<i32>} : memref<768xf32, #tpu.memory_space<vmem>>, vector<16xf32>,
    tpu.vector_store %arg12[%swap3A_13], %broadcast_in_dim3A_1 {strides = array<i32>} : memref<768xf32, #tpu.memory_space<vmem>>, vector<16xf32>,
    %swap3A_15 = arith.constant 112 : index
    %swap3A_16 = tpu.vector_load %arg12[%swap3A_15] {strides = array<i32>} : memref<768xf32, #tpu.memory_space<vmem>>, vector<16xf32>,
    tpu.vector_store %arg12[%swap3A_15], %broadcast_in_dim3A_1 {strides = array<i32>} : memref<768xf32, #tpu.memory_space<vmem>>, vector<16xf32>,
    %swap3A_17 = arith.constant 128 : index
    %swap3A_18 = tpu.vector_load %arg12[%swap3A_17] {strides = array<i32>} : memref<768xf32, #tpu.memory_space<vmem>>, vector<16xf32>,
    tpu.vector_store %arg12[%swap3A_17], %broadcast_in_dim3A_1 {strides = array<i32>} : memref<768xf32, #tpu.memory_space<vmem>>, vector<16xf32>,
    %swap3A_19 = arith.constant 144 : index
    %swap3A_20 = tpu.vector_load %arg12[%swap3A_19] {strides = array<i32>} : memref<768xf32, #tpu.memory_space<vmem>>, vector<16xf32>,
    tpu.vector_store %arg12[%swap3A_19], %broadcast_in_dim3A_1 {strides = array<i32>} : memref<768xf32, #tpu.memory_space<vmem>>, vector<16xf32>,
    %swap3A_21 = arith.constant 160 : index
    %swap3A_22 = tpu.vector_load %arg12[%swap3A_21] {strides = array<i32>} : memref<768xf32, #tpu.memory_space<vmem>>, vector<16xf32>,
    tpu.vector_store %arg12[%swap3A_21], %broadcast_in_dim3A_1 {strides = array<i32>} : memref<768xf32, #tpu.memory_space<vmem>>, vector<16xf32>,
    %swap3A_23 = arith.constant 176 : index
    %swap3A_24 = tpu.vector_load %arg12[%swap3A_23] {strides = array<i32>} : memref<768xf32, #tpu.memory_space<vmem>>, vector<16xf32>,
    tpu.vector_store %arg12[%swap3A_23], %broadcast_in_dim3A_1 {strides = array<i32>} : memref<768xf32, #tpu.memory_space<vmem>>, vector<16xf32>,
    %swap3A_25 = arith.constant 192 : index
    %swap3A_26 = tpu.vector_load %arg12[%swap3A_25] {strides = array<i32>} : memref<768xf32, #tpu.memory_space<vmem>>, vector<16xf32>,
    tpu.vector_store %arg12[%swap3A_25], %broadcast_in_dim3A_1 {strides = array<i32>} : memref<768xf32, #tpu.memory_space<vmem>>, vector<16xf32>,
    %swap3A_27 = arith.constant 208 : index
    %swap3A_28 = tpu.vector_load %arg12[%swap3A_27] {strides = array<i32>} : memref<768xf32, #tpu.memory_space<vmem>>, vector<16xf32>,
    tpu.vector_store %arg12[%swap3A_27], %broadcast_in_dim3A_1 {strides = array<i32>} : memref<768xf32, #tpu.memory_space<vmem>>, vector<16xf32>,
    %swap3A_29 = arith.constant 224 : index
    %swap3A_30 = tpu.vector_load %arg12[%swap3A_29] {strides = array<i32>} : memref<768xf32, #tpu.memory_space<vmem>>, vector<16xf32>,
    tpu.vector_store %arg12[%swap3A_29], %broadcast_in_dim3A_1 {strides = array<i32>} : memref<768xf32, #tpu.memory_space<vmem>>, vector<16xf32>,
    %swap3A_31 = arith.constant 240 : index
    %swap3A_32 = tpu.vector_load %arg12[%swap3A_31] {strides = array<i32>} : memref<768xf32, #tpu.memory_space<vmem>>, vector<16xf32>,
    tpu.vector_store %arg12[%swap3A_31], %broadcast_in_dim3A_1 {strides = array<i32>} : memref<768xf32, #tpu.memory_space<vmem>>, vector<16xf32>,
    %swap3A_33 = arith.constant 256 : index
    %swap3A_34 = tpu.vector_load %arg12[%swap3A_33] {strides = array<i32>} : memref<768xf32, #tpu.memory_space<vmem>>, vector<16xf32>,
    tpu.vector_store %arg12[%swap3A_33], %broadcast_in_dim3A_1 {strides = array<i32>} : memref<768xf32, #tpu.memory_space<vmem>>, vector<16xf32>,
    %swap3A_35 = arith.constant 272 : index
    %swap3A_36 = tpu.vector_load %arg12[%swap3A_35] {strides = array<i32>} : memref<768xf32, #tpu.memory_space<vmem>>, vector<16xf32>,
    tpu.vector_store %arg12[%swap3A_35], %broadcast_in_dim3A_1 {strides = array<i32>} : memref<768xf32, #tpu.memory_space<vmem>>, vector<16xf32>,
    %swap3A_37 = arith.constant 288 : index
    %swap3A_38 = tpu.vector_load %arg12[%swap3A_37] {strides = array<i32>} : memref<768xf32, #tpu.memory_space<vmem>>, vector<16xf32>,
    tpu.vector_store %arg12[%swap3A_37], %broadcast_in_dim3A_1 {strides = array<i32>} : memref<768xf32, #tpu.memory_space<vmem>>, vector<16xf32>,
    %swap3A_39 = arith.constant 304 : index
    %swap3A_40 = tpu.vector_load %arg12[%swap3A_39] {strides = array<i32>} : memref<768xf32, #tpu.memory_space<vmem>>, vector<16xf32>,
    tpu.vector_store %arg12[%swap3A_39], %broadcast_in_dim3A_1 {strides = array<i32>} : memref<768xf32, #tpu.memory_space<vmem>>, vector<16xf32>,
    %swap3A_41 = arith.constant 320 : index
    %swap3A_42 = tpu.vector_load %arg12[%swap3A_41] {strides = array<i32>} : memref<768xf32, #tpu.memory_space<vmem>>, vector<16xf32>,
    tpu.vector_store %arg12[%swap3A_41], %broadcast_in_dim3A_1 {strides = array<i32>} : memref<768xf32, #tpu.memory_space<vmem>>, vector<16xf32>,
    %swap3A_43 = arith.constant 336 : index
    %swap3A_44 = tpu.vector_load %arg12[%swap3A_43] {strides = array<i32>} : memref<768xf32, #tpu.memory_space<vmem>>, vector<16xf32>,
    tpu.vector_store %arg12[%swap3A_43], %broadcast_in_dim3A_1 {strides = array<i32>} : memref<768xf32, #tpu.memory_space<vmem>>, vector<16xf32>,
    %swap3A_45 = arith.constant 352 : index
    %swap3A_46 = tpu.vector_load %arg12[%swap3A_45] {strides = array<i32>} : memref<768xf32, #tpu.memory_space<vmem>>, vector<16xf32>,
    tpu.vector_store %arg12[%swap3A_45], %broadcast_in_dim3A_1 {strides = array<i32>} : memref<768xf32, #tpu.memory_space<vmem>>, vector<16xf32>,
    %swap3A_47 = arith.constant 368 : index
    %swap3A_48 = tpu.vector_load %arg12[%swap3A_47] {strides = array<i32>} : memref<768xf32, #tpu.memory_space<vmem>>, vector<16xf32>,
    tpu.vector_store %arg12[%swap3A_47], %broadcast_in_dim3A_1 {strides = array<i32>} : memref<768xf32, #tpu.memory_space<vmem>>, vector<16xf32>,
    %swap3A_49 = arith.constant 384 : index
    %swap3A_50 = tpu.vector_load %arg12[%swap3A_49] {strides = array<i32>} : memref<768xf32, #tpu.memory_space<vmem>>, vector<16xf32>,
    tpu.vector_store %arg12[%swap3A_49], %broadcast_in_dim3A_1 {strides = array<i32>} : memref<768xf32, #tpu.memory_space<vmem>>, vector<16xf32>,
    %swap3A_51 = arith.constant 400 : index
    %swap3A_52 = tpu.vector_load %arg12[%swap3A_51] {strides = array<i32>} : memref<768xf32, #tpu.memory_space<vmem>>, vector<16xf32>,
    tpu.vector_store %arg12[%swap3A_51], %broadcast_in_dim3A_1 {strides = array<i32>} : memref<768xf32, #tpu.memory_space<vmem>>, vector<16xf32>,
    %swap3A_53 = arith.constant 416 : index
    %swap3A_54 = tpu.vector_load %arg12[%swap3A_53] {strides = array<i32>} : memref<768xf32, #tpu.memory_space<vmem>>, vector<16xf32>,
    tpu.vector_store %arg12[%swap3A_53], %broadcast_in_dim3A_1 {strides = array<i32>} : memref<768xf32, #tpu.memory_space<vmem>>, vector<16xf32>,
    %swap3A_55 = arith.constant 432 : index
    %swap3A_56 = tpu.vector_load %arg12[%swap3A_55] {strides = array<i32>} : memref<768xf32, #tpu.memory_space<vmem>>, vector<16xf32>,
    tpu.vector_store %arg12[%swap3A_55], %broadcast_in_dim3A_1 {strides = array<i32>} : memref<768xf32, #tpu.memory_space<vmem>>, vector<16xf32>,
    %swap3A_57 = arith.constant 448 : index
    %swap3A_58 = tpu.vector_load %arg12[%swap3A_57] {strides = array<i32>} : memref<768xf32, #tpu.memory_space<vmem>>, vector<16xf32>,
    tpu.vector_store %arg12[%swap3A_57], %broadcast_in_dim3A_1 {strides = array<i32>} : memref<768xf32, #tpu.memory_space<vmem>>, vector<16xf32>,
    %swap3A_59 = arith.constant 464 : index
    %swap3A_60 = tpu.vector_load %arg12[%swap3A_59] {strides = array<i32>} : memref<768xf32, #tpu.memory_space<vmem>>, vector<16xf32>,
    tpu.vector_store %arg12[%swap3A_59], %broadcast_in_dim3A_1 {strides = array<i32>} : memref<768xf32, #tpu.memory_space<vmem>>, vector<16xf32>,
    %swap3A_61 = arith.constant 480 : index
    %swap3A_62 = tpu.vector_load %arg12[%swap3A_61] {strides = array<i32>} : memref<768xf32, #tpu.memory_space<vmem>>, vector<16xf32>,
    tpu.vector_store %arg12[%swap3A_61], %broadcast_in_dim3A_1 {strides = array<i32>} : memref<768xf32, #tpu.memory_space<vmem>>, vector<16xf32>,
    %swap3A_63 = arith.constant 496 : index
    %swap3A_64 = tpu.vector_load %arg12[%swap3A_63] {strides = array<i32>} : memref<768xf32, #tpu.memory_space<vmem>>, vector<16xf32>,
    tpu.vector_store %arg12[%swap3A_63], %broadcast_in_dim3A_1 {strides = array<i32>} : memref<768xf32, #tpu.memory_space<vmem>>, vector<16xf32>,
    %swap3A_65 = arith.constant 512 : index
    %swap3A_66 = tpu.vector_load %arg12[%swap3A_65] {strides = array<i32>} : memref<768xf32, #tpu.memory_space<vmem>>, vector<16xf32>,
    tpu.vector_store %arg12[%swap3A_65], %broadcast_in_dim3A_1 {strides = array<i32>} : memref<768xf32, #tpu.memory_space<vmem>>, vector<16xf32>,
    %swap3A_67 = arith.constant 528 : index
    %swap3A_68 = tpu.vector_load %arg12[%swap3A_67] {strides = array<i32>} : memref<768xf32, #tpu.memory_space<vmem>>, vector<16xf32>,
    tpu.vector_store %arg12[%swap3A_67], %broadcast_in_dim3A_1 {strides = array<i32>} : memref<768xf32, #tpu.memory_space<vmem>>, vector<16xf32>,
    %swap3A_69 = arith.constant 544 : index
    %swap3A_70 = tpu.vector_load %arg12[%swap3A_69] {strides = array<i32>} : memref<768xf32, #tpu.memory_space<vmem>>, vector<16xf32>,
    tpu.vector_store %arg12[%swap3A_69], %broadcast_in_dim3A_1 {strides = array<i32>} : memref<768xf32, #tpu.memory_space<vmem>>, vector<16xf32>,
    %swap3A_71 = arith.constant 560 : index
    %swap3A_72 = tpu.vector_load %arg12[%swap3A_71] {strides = array<i32>} : memref<768xf32, #tpu.memory_space<vmem>>, vector<16xf32>,
    tpu.vector_store %arg12[%swap3A_71], %broadcast_in_dim3A_1 {strides = array<i32>} : memref<768xf32, #tpu.memory_space<vmem>>, vector<16xf32>,
    %swap3A_73 = arith.constant 576 : index
    %swap3A_74 = tpu.vector_load %arg12[%swap3A_73] {strides = array<i32>} : memref<768xf32, #tpu.memory_space<vmem>>, vector<16xf32>,
    tpu.vector_store %arg12[%swap3A_73], %broadcast_in_dim3A_1 {strides = array<i32>} : memref<768xf32, #tpu.memory_space<vmem>>, vector<16xf32>,
    %swap3A_75 = arith.constant 592 : index
    %swap3A_76 = tpu.vector_load %arg12[%swap3A_75] {strides = array<i32>} : memref<768xf32, #tpu.memory_space<vmem>>, vector<16xf32>,
    tpu.vector_store %arg12[%swap3A_75], %broadcast_in_dim3A_1 {strides = array<i32>} : memref<768xf32, #tpu.memory_space<vmem>>, vector<16xf32>,
    %swap3A_77 = arith.constant 608 : index
    %swap3A_78 = tpu.vector_load %arg12[%swap3A_77] {strides = array<i32>} : memref<768xf32, #tpu.memory_space<vmem>>, vector<16xf32>,
    tpu.vector_store %arg12[%swap3A_77], %broadcast_in_dim3A_1 {strides = array<i32>} : memref<768xf32, #tpu.memory_space<vmem>>, vector<16xf32>,
    %swap3A_79 = arith.constant 624 : index
    %swap3A_80 = tpu.vector_load %arg12[%swap3A_79] {strides = array<i32>} : memref<768xf32, #tpu.memory_space<vmem>>, vector<16xf32>,
    tpu.vector_store %arg12[%swap3A_79], %broadcast_in_dim3A_1 {strides = array<i32>} : memref<768xf32, #tpu.memory_space<vmem>>, vector<16xf32>,
    %swap3A_81 = arith.constant 640 : index
    %swap3A_82 = tpu.vector_load %arg12[%swap3A_81] {strides = array<i32>} : memref<768xf32, #tpu.memory_space<vmem>>, vector<16xf32>,
    tpu.vector_store %arg12[%swap3A_81], %broadcast_in_dim3A_1 {strides = array<i32>} : memref<768xf32, #tpu.memory_space<vmem>>, vector<16xf32>,
    %swap3A_83 = arith.constant 656 : index
    %swap3A_84 = tpu.vector_load %arg12[%swap3A_83] {strides = array<i32>} : memref<768xf32, #tpu.memory_space<vmem>>, vector<16xf32>,
    tpu.vector_store %arg12[%swap3A_83], %broadcast_in_dim3A_1 {strides = array<i32>} : memref<768xf32, #tpu.memory_space<vmem>>, vector<16xf32>,
    %swap3A_85 = arith.constant 672 : index
    %swap3A_86 = tpu.vector_load %arg12[%swap3A_85] {strides = array<i32>} : memref<768xf32, #tpu.memory_space<vmem>>, vector<16xf32>,
    tpu.vector_store %arg12[%swap3A_85], %broadcast_in_dim3A_1 {strides = array<i32>} : memref<768xf32, #tpu.memory_space<vmem>>, vector<16xf32>,
    %swap3A_87 = arith.constant 688 : index
    %swap3A_88 = tpu.vector_load %arg12[%swap3A_87] {strides = array<i32>} : memref<768xf32, #tpu.memory_space<vmem>>, vector<16xf32>,
    tpu.vector_store %arg12[%swap3A_87], %broadcast_in_dim3A_1 {strides = array<i32>} : memref<768xf32, #tpu.memory_space<vmem>>, vector<16xf32>,
    %swap3A_89 = arith.constant 704 : index
    %swap3A_90 = tpu.vector_load %arg12[%swap3A_89] {strides = array<i32>} : memref<768xf32, #tpu.memory_space<vmem>>, vector<16xf32>,
    tpu.vector_store %arg12[%swap3A_89], %broadcast_in_dim3A_1 {strides = array<i32>} : memref<768xf32, #tpu.memory_space<vmem>>, vector<16xf32>,
    %swap3A_91 = arith.constant 720 : index
    %swap3A_92 = tpu.vector_load %arg12[%swap3A_91] {strides = array<i32>} : memref<768xf32, #tpu.memory_space<vmem>>, vector<16xf32>,
    tpu.vector_store %arg12[%swap3A_91], %broadcast_in_dim3A_1 {strides = array<i32>} : memref<768xf32, #tpu.memory_space<vmem>>, vector<16xf32>,
    %swap3A_93 = arith.constant 736 : index
    %swap3A_94 = tpu.vector_load %arg12[%swap3A_93] {strides = array<i32>} : memref<768xf32, #tpu.memory_space<vmem>>, vector<16xf32>,
    tpu.vector_store %arg12[%swap3A_93], %broadcast_in_dim3A_1 {strides = array<i32>} : memref<768xf32, #tpu.memory_space<vmem>>, vector<16xf32>,
    %swap3A_95 = arith.constant 752 : index
    %swap3A_96 = tpu.vector_load %arg12[%swap3A_95] {strides = array<i32>} : memref<768xf32, #tpu.memory_space<vmem>>, vector<16xf32>,
    tpu.vector_store %arg12[%swap3A_95], %broadcast_in_dim3A_1 {strides = array<i32>} : memref<768xf32, #tpu.memory_space<vmem>>, vector<16xf32>,
    %mul3A_97 = arith.constant 12 : i32
    %mul3A_98 = arith.muli %add3A, %mul3A_97 : i32
    %dma_start3A = arith.constant 0 : i32
    %dma_start3A_99 = tpu.memref_slice %arg2[%mul3A_98, %dma_start3A] : memref<384x74112xf32, #tpu.memory_space<hbm>> -> memref<1x18528xf32, #tpu.memory_space<hbm>>
    %dma_start3A_100 = tpu.memref_squeeze %dma_start3A_99 : memref<1x18528xf32, #tpu.memory_space<hbm>> -> memref<18528xf32, #tpu.memory_space<hbm>>
    %dma_start3A_101 = arith.constant 0 : i32
    %dma_start3A_102 = tpu.memref_slice %arg2[%mul3A_98, %dma_start3A_101] : memref<384x74112xf32, #tpu.memory_space<hbm>> -> memref<1x18528xf32, #tpu.memory_space<hbm>>
    %dma_start3A_103 = tpu.memref_squeeze %dma_start3A_102 : memref<1x18528xf32, #tpu.memory_space<hbm>> -> memref<18528xf32, #tpu.memory_space<hbm>>
    tpu.enqueue_dma source(%dma_start3A_103 : memref<18528xf32, #tpu.memory_space<hbm>>) target(%arg10 : memref<18528xf32, #tpu.memory_space<vmem>>) target_semaphore(%arg18 : memref<!tpu.dma_semaphore, #tpu.memory_space<semaphore_mem>>)
    %dma_start3A_104 = arith.constant 18528 : i32
    %dma_start3A_105 = tpu.memref_slice %arg2[%mul3A_98, %dma_start3A_104] : memref<384x74112xf32, #tpu.memory_space<hbm>> -> memref<1x18528xf32, #tpu.memory_space<hbm>>
    %dma_start3A_106 = tpu.memref_squeeze %dma_start3A_105 : memref<1x18528xf32, #tpu.memory_space<hbm>> -> memref<18528xf32, #tpu.memory_space<hbm>>
    %dma_start3A_107 = arith.constant 18528 : i32
    %dma_start3A_108 = tpu.memref_slice %arg2[%mul3A_98, %dma_start3A_107] : memref<384x74112xf32, #tpu.memory_space<hbm>> -> memref<1x18528xf32, #tpu.memory_space<hbm>>
    %dma_start3A_109 = tpu.memref_squeeze %dma_start3A_108 : memref<1x18528xf32, #tpu.memory_space<hbm>> -> memref<18528xf32, #tpu.memory_space<hbm>>
    tpu.enqueue_dma source(%dma_start3A_109 : memref<18528xf32, #tpu.memory_space<hbm>>) target(%arg11 : memref<18528xf32, #tpu.memory_space<vmem>>) target_semaphore(%arg19 : memref<!tpu.dma_semaphore, #tpu.memory_space<semaphore_mem>>)
    %scan3A = arith.constant 0 : i32
    %scan3A_110 = arith.constant 0 : i32
    %scan3A_111 = arith.constant 12 : i32
    %scan3A_112 = arith.addi %scan3A_110, %scan3A_111 : i32
    %scan3A_113 = arith.constant 1 : i32
    scf.for %scan3A_117 = %scan3A_110 to %scan3A_112 step %scan3A_113  : i32 {
      %add3A_118 = arith.addi %mul3A_98, %scan3A_117 : i32
      %dma_wait3A = arith.constant 0 : i32
      %dma_wait3A_119 = tpu.memref_slice %arg2[%add3A_118, %dma_wait3A] : memref<384x74112xf32, #tpu.memory_space<hbm>> -> memref<1x18528xf32, #tpu.memory_space<hbm>>
      %dma_wait3A_120 = tpu.memref_squeeze %dma_wait3A_119 : memref<1x18528xf32, #tpu.memory_space<hbm>> -> memref<18528xf32, #tpu.memory_space<hbm>>
      %dma_wait3A_121 = arith.constant 0 : i32
      %dma_wait3A_122 = tpu.memref_slice %arg2[%add3A_118, %dma_wait3A_121] : memref<384x74112xf32, #tpu.memory_space<hbm>> -> memref<1x18528xf32, #tpu.memory_space<hbm>>
      %dma_wait3A_123 = tpu.memref_squeeze %dma_wait3A_122 : memref<1x18528xf32, #tpu.memory_space<hbm>> -> memref<18528xf32, #tpu.memory_space<hbm>>
      tpu.wait_dma2 semaphore(%arg18 : memref<!tpu.dma_semaphore, #tpu.memory_space<semaphore_mem>>) src(%dma_wait3A_123 : memref<18528xf32, #tpu.memory_space<hbm>>) dst(%arg10 : memref<18528xf32, #tpu.memory_space<vmem>>)
      %parallel_loop3A = arith.constant 0 : i32
      %parallel_loop3A_124 = arith.constant 579 : i32
      %parallel_loop3A_125 = arith.constant 1 : i32
      scf.for %parallel_loop3A_1888 = %parallel_loop3A to %parallel_loop3A_124 step %parallel_loop3A_125  : i32 {
        %parallel_loop3A_1889 = arith.constant 32 : i32
        %parallel_loop3A_1890 = arith.muli %parallel_loop3A_1888, %parallel_loop3A_1889 : i32
        %parallel_loop3A_1891 = arith.constant 16 : i32
        %parallel_loop3A_1892 = arith.muli %parallel_loop3A_1888, %parallel_loop3A_1891 : i32
        %parallel_loop3A_1893 = arith.constant 0 : i32
        %parallel_loop3A_1894 = arith.addi %parallel_loop3A_1893, %parallel_loop3A_1892 : i32
        %parallel_loop3A_1895 = arith.index_cast %parallel_loop3A_1894 : i32 to index
        %parallel_loop3A_1896 = tpu.vector_load %arg9[%parallel_loop3A_1895] {strides = array<i32>} : memref<37056xi32, #tpu.memory_space<vmem>>, vector<16xi32>,
        %parallel_loop3A_1897 = arith.constant 65535 : i32
        %parallel_loop3A_1898 = vector.broadcast %parallel_loop3A_1897 : i32 to vector<16xi32>
        %parallel_loop3A_1899 = arith.andi %parallel_loop3A_1896, %parallel_loop3A_1898 : vector<16xi32>
        %parallel_loop3A_1900 = arith.constant 16 : i32
        %parallel_loop3A_1901 = vector.broadcast %parallel_loop3A_1900 : i32 to vector<16xi32>
        %parallel_loop3A_1902 = arith.shrui %parallel_loop3A_1896, %parallel_loop3A_1901 : vector<16xi32>
        %parallel_loop3A_1903 = arith.index_cast %parallel_loop3A_1890 : i32 to index
        %parallel_loop3A_1904 = tpu.vector_load %arg10[%parallel_loop3A_1903] {strides = array<i32>} : memref<18528xf32, #tpu.memory_space<vmem>>, vector<16xf32>,
        %parallel_loop3A_1905 = arith.constant 16 : i32
        %parallel_loop3A_1906 = arith.addi %parallel_loop3A_1890, %parallel_loop3A_1905 : i32
        %parallel_loop3A_1907 = arith.index_cast %parallel_loop3A_1906 : i32 to index
        %parallel_loop3A_1908 = tpu.vector_load %arg10[%parallel_loop3A_1907] {strides = array<i32>} : memref<18528xf32, #tpu.memory_space<vmem>>, vector<16xf32>,
        %parallel_loop3A_1909 = arith.constant 3 : i32
        %parallel_loop3A_1910 = arith.andi %parallel_loop3A_1888, %parallel_loop3A_1909 : i32
        %parallel_loop3A_1911 = arith.constant 192 : i32
        %parallel_loop3A_1912 = arith.muli %parallel_loop3A_1910, %parallel_loop3A_1911 : i32
        %parallel_loop3A_1913 = vector.broadcast %parallel_loop3A_1912 : i32 to vector<16xi32>
        %parallel_loop3A_1914 = arith.addi %parallel_loop3A_1899, %parallel_loop3A_1913 : vector<16xi32>
        tpu.vector_store_idx %arg12[%parallel_loop3A_1914], %parallel_loop3A_1904 {add = true} : memref<768xf32, #tpu.memory_space<vmem>>[vector<16xi32>], vector<16xf32>,
        %parallel_loop3A_1915 = arith.constant 96 : i32
        %parallel_loop3A_1916 = arith.addi %parallel_loop3A_1912, %parallel_loop3A_1915 : i32
        %parallel_loop3A_1917 = vector.broadcast %parallel_loop3A_1916 : i32 to vector<16xi32>
        %parallel_loop3A_1918 = arith.addi %parallel_loop3A_1902, %parallel_loop3A_1917 : vector<16xi32>
        tpu.vector_store_idx %arg12[%parallel_loop3A_1918], %parallel_loop3A_1908 {add = true} : memref<768xf32, #tpu.memory_space<vmem>>[vector<16xi32>], vector<16xf32>,
      } {sc.loop_unroll_factor = 4 : i64, sc.parallel_access}
      %dma_start3A_126 = arith.constant 37056 : i32
      %dma_start3A_127 = tpu.memref_slice %arg2[%add3A_118, %dma_start3A_126] : memref<384x74112xf32, #tpu.memory_space<hbm>> -> memref<1x18528xf32, #tpu.memory_space<hbm>>
      %dma_start3A_128 = tpu.memref_squeeze %dma_start3A_127 : memref<1x18528xf32, #tpu.memory_space<hbm>> -> memref<18528xf32, #tpu.memory_space<hbm>>
      %dma_start3A_129 = arith.constant 37056 : i32
      %dma_start3A_130 = tpu.memref_slice %arg2[%add3A_118, %dma_start3A_129] : memref<384x74112xf32, #tpu.memory_space<hbm>> -> memref<1x18528xf32, #tpu.memory_space<hbm>>
      %dma_start3A_131 = tpu.memref_squeeze %dma_start3A_130 : memref<1x18528xf32, #tpu.memory_space<hbm>> -> memref<18528xf32, #tpu.memory_space<hbm>>
      tpu.enqueue_dma source(%dma_start3A_131 : memref<18528xf32, #tpu.memory_space<hbm>>) target(%arg10 : memref<18528xf32, #tpu.memory_space<vmem>>) target_semaphore(%arg18 : memref<!tpu.dma_semaphore, #tpu.memory_space<semaphore_mem>>)
      %dma_wait3A_132 = arith.constant 18528 : i32
      %dma_wait3A_133 = tpu.memref_slice %arg2[%add3A_118, %dma_wait3A_132] : memref<384x74112xf32, #tpu.memory_space<hbm>> -> memref<1x18528xf32, #tpu.memory_space<hbm>>
      %dma_wait3A_134 = tpu.memref_squeeze %dma_wait3A_133 : memref<1x18528xf32, #tpu.memory_space<hbm>> -> memref<18528xf32, #tpu.memory_space<hbm>>
      %dma_wait3A_135 = arith.constant 18528 : i32
      %dma_wait3A_136 = tpu.memref_slice %arg2[%add3A_118, %dma_wait3A_135] : memref<384x74112xf32, #tpu.memory_space<hbm>> -> memref<1x18528xf32, #tpu.memory_space<hbm>>
      %dma_wait3A_137 = tpu.memref_squeeze %dma_wait3A_136 : memref<1x18528xf32, #tpu.memory_space<hbm>> -> memref<18528xf32, #tpu.memory_space<hbm>>
      tpu.wait_dma2 semaphore(%arg19 : memref<!tpu.dma_semaphore, #tpu.memory_space<semaphore_mem>>) src(%dma_wait3A_137 : memref<18528xf32, #tpu.memory_space<hbm>>) dst(%arg11 : memref<18528xf32, #tpu.memory_space<vmem>>)
      %parallel_loop3A_138 = arith.constant 0 : i32
      %parallel_loop3A_139 = arith.constant 579 : i32
      %parallel_loop3A_140 = arith.constant 1 : i32
      scf.for %parallel_loop3A_1888 = %parallel_loop3A_138 to %parallel_loop3A_139 step %parallel_loop3A_140  : i32 {
        %parallel_loop3A_1889 = arith.constant 32 : i32
        %parallel_loop3A_1890 = arith.muli %parallel_loop3A_1888, %parallel_loop3A_1889 : i32
        %parallel_loop3A_1891 = arith.constant 16 : i32
        %parallel_loop3A_1892 = arith.muli %parallel_loop3A_1888, %parallel_loop3A_1891 : i32
        %parallel_loop3A_1893 = arith.constant 9264 : i32
        %parallel_loop3A_1894 = arith.addi %parallel_loop3A_1893, %parallel_loop3A_1892 : i32
        %parallel_loop3A_1895 = arith.index_cast %parallel_loop3A_1894 : i32 to index
        %parallel_loop3A_1896 = tpu.vector_load %arg9[%parallel_loop3A_1895] {strides = array<i32>} : memref<37056xi32, #tpu.memory_space<vmem>>, vector<16xi32>,
        %parallel_loop3A_1897 = arith.constant 65535 : i32
        %parallel_loop3A_1898 = vector.broadcast %parallel_loop3A_1897 : i32 to vector<16xi32>
        %parallel_loop3A_1899 = arith.andi %parallel_loop3A_1896, %parallel_loop3A_1898 : vector<16xi32>
        %parallel_loop3A_1900 = arith.constant 16 : i32
        %parallel_loop3A_1901 = vector.broadcast %parallel_loop3A_1900 : i32 to vector<16xi32>
        %parallel_loop3A_1902 = arith.shrui %parallel_loop3A_1896, %parallel_loop3A_1901 : vector<16xi32>
        %parallel_loop3A_1903 = arith.index_cast %parallel_loop3A_1890 : i32 to index
        %parallel_loop3A_1904 = tpu.vector_load %arg11[%parallel_loop3A_1903] {strides = array<i32>} : memref<18528xf32, #tpu.memory_space<vmem>>, vector<16xf32>,
        %parallel_loop3A_1905 = arith.constant 16 : i32
        %parallel_loop3A_1906 = arith.addi %parallel_loop3A_1890, %parallel_loop3A_1905 : i32
        %parallel_loop3A_1907 = arith.index_cast %parallel_loop3A_1906 : i32 to index
        %parallel_loop3A_1908 = tpu.vector_load %arg11[%parallel_loop3A_1907] {strides = array<i32>} : memref<18528xf32, #tpu.memory_space<vmem>>, vector<16xf32>,
        %parallel_loop3A_1909 = arith.constant 3 : i32
        %parallel_loop3A_1910 = arith.andi %parallel_loop3A_1888, %parallel_loop3A_1909 : i32
        %parallel_loop3A_1911 = arith.constant 192 : i32
        %parallel_loop3A_1912 = arith.muli %parallel_loop3A_1910, %parallel_loop3A_1911 : i32
        %parallel_loop3A_1913 = vector.broadcast %parallel_loop3A_1912 : i32 to vector<16xi32>
        %parallel_loop3A_1914 = arith.addi %parallel_loop3A_1899, %parallel_loop3A_1913 : vector<16xi32>
        tpu.vector_store_idx %arg12[%parallel_loop3A_1914], %parallel_loop3A_1904 {add = true} : memref<768xf32, #tpu.memory_space<vmem>>[vector<16xi32>], vector<16xf32>,
        %parallel_loop3A_1915 = arith.constant 96 : i32
        %parallel_loop3A_1916 = arith.addi %parallel_loop3A_1912, %parallel_loop3A_1915 : i32
        %parallel_loop3A_1917 = vector.broadcast %parallel_loop3A_1916 : i32 to vector<16xi32>
        %parallel_loop3A_1918 = arith.addi %parallel_loop3A_1902, %parallel_loop3A_1917 : vector<16xi32>
        tpu.vector_store_idx %arg12[%parallel_loop3A_1918], %parallel_loop3A_1908 {add = true} : memref<768xf32, #tpu.memory_space<vmem>>[vector<16xi32>], vector<16xf32>,
      } {sc.loop_unroll_factor = 4 : i64, sc.parallel_access}
      %dma_start3A_141 = arith.constant 55584 : i32
      %dma_start3A_142 = tpu.memref_slice %arg2[%add3A_118, %dma_start3A_141] : memref<384x74112xf32, #tpu.memory_space<hbm>> -> memref<1x18528xf32, #tpu.memory_space<hbm>>
      %dma_start3A_143 = tpu.memref_squeeze %dma_start3A_142 : memref<1x18528xf32, #tpu.memory_space<hbm>> -> memref<18528xf32, #tpu.memory_space<hbm>>
      %dma_start3A_144 = arith.constant 55584 : i32
      %dma_start3A_145 = tpu.memref_slice %arg2[%add3A_118, %dma_start3A_144] : memref<384x74112xf32, #tpu.memory_space<hbm>> -> memref<1x18528xf32, #tpu.memory_space<hbm>>
      %dma_start3A_146 = tpu.memref_squeeze %dma_start3A_145 : memref<1x18528xf32, #tpu.memory_space<hbm>> -> memref<18528xf32, #tpu.memory_space<hbm>>
      tpu.enqueue_dma source(%dma_start3A_146 : memref<18528xf32, #tpu.memory_space<hbm>>) target(%arg11 : memref<18528xf32, #tpu.memory_space<vmem>>) target_semaphore(%arg19 : memref<!tpu.dma_semaphore, #tpu.memory_space<semaphore_mem>>)
      %dma_wait3A_147 = arith.constant 37056 : i32
      %dma_wait3A_148 = tpu.memref_slice %arg2[%add3A_118, %dma_wait3A_147] : memref<384x74112xf32, #tpu.memory_space<hbm>> -> memref<1x18528xf32, #tpu.memory_space<hbm>>
      %dma_wait3A_149 = tpu.memref_squeeze %dma_wait3A_148 : memref<1x18528xf32, #tpu.memory_space<hbm>> -> memref<18528xf32, #tpu.memory_space<hbm>>
      %dma_wait3A_150 = arith.constant 37056 : i32
      %dma_wait3A_151 = tpu.memref_slice %arg2[%add3A_118, %dma_wait3A_150] : memref<384x74112xf32, #tpu.memory_space<hbm>> -> memref<1x18528xf32, #tpu.memory_space<hbm>>
      %dma_wait3A_152 = tpu.memref_squeeze %dma_wait3A_151 : memref<1x18528xf32, #tpu.memory_space<hbm>> -> memref<18528xf32, #tpu.memory_space<hbm>>
      tpu.wait_dma2 semaphore(%arg18 : memref<!tpu.dma_semaphore, #tpu.memory_space<semaphore_mem>>) src(%dma_wait3A_152 : memref<18528xf32, #tpu.memory_space<hbm>>) dst(%arg10 : memref<18528xf32, #tpu.memory_space<vmem>>)
      %parallel_loop3A_153 = arith.constant 0 : i32
      %parallel_loop3A_154 = arith.constant 579 : i32
      %parallel_loop3A_155 = arith.constant 1 : i32
      scf.for %parallel_loop3A_1888 = %parallel_loop3A_153 to %parallel_loop3A_154 step %parallel_loop3A_155  : i32 {
        %parallel_loop3A_1889 = arith.constant 32 : i32
        %parallel_loop3A_1890 = arith.muli %parallel_loop3A_1888, %parallel_loop3A_1889 : i32
        %parallel_loop3A_1891 = arith.constant 16 : i32
        %parallel_loop3A_1892 = arith.muli %parallel_loop3A_1888, %parallel_loop3A_1891 : i32
        %parallel_loop3A_1893 = arith.constant 18528 : i32
        %parallel_loop3A_1894 = arith.addi %parallel_loop3A_1893, %parallel_loop3A_1892 : i32
        %parallel_loop3A_1895 = arith.index_cast %parallel_loop3A_1894 : i32 to index
        %parallel_loop3A_1896 = tpu.vector_load %arg9[%parallel_loop3A_1895] {strides = array<i32>} : memref<37056xi32, #tpu.memory_space<vmem>>, vector<16xi32>,
        %parallel_loop3A_1897 = arith.constant 65535 : i32
        %parallel_loop3A_1898 = vector.broadcast %parallel_loop3A_1897 : i32 to vector<16xi32>
        %parallel_loop3A_1899 = arith.andi %parallel_loop3A_1896, %parallel_loop3A_1898 : vector<16xi32>
        %parallel_loop3A_1900 = arith.constant 16 : i32
        %parallel_loop3A_1901 = vector.broadcast %parallel_loop3A_1900 : i32 to vector<16xi32>
        %parallel_loop3A_1902 = arith.shrui %parallel_loop3A_1896, %parallel_loop3A_1901 : vector<16xi32>
        %parallel_loop3A_1903 = arith.index_cast %parallel_loop3A_1890 : i32 to index
        %parallel_loop3A_1904 = tpu.vector_load %arg10[%parallel_loop3A_1903] {strides = array<i32>} : memref<18528xf32, #tpu.memory_space<vmem>>, vector<16xf32>,
        %parallel_loop3A_1905 = arith.constant 16 : i32
        %parallel_loop3A_1906 = arith.addi %parallel_loop3A_1890, %parallel_loop3A_1905 : i32
        %parallel_loop3A_1907 = arith.index_cast %parallel_loop3A_1906 : i32 to index
        %parallel_loop3A_1908 = tpu.vector_load %arg10[%parallel_loop3A_1907] {strides = array<i32>} : memref<18528xf32, #tpu.memory_space<vmem>>, vector<16xf32>,
        %parallel_loop3A_1909 = arith.constant 3 : i32
        %parallel_loop3A_1910 = arith.andi %parallel_loop3A_1888, %parallel_loop3A_1909 : i32
        %parallel_loop3A_1911 = arith.constant 192 : i32
        %parallel_loop3A_1912 = arith.muli %parallel_loop3A_1910, %parallel_loop3A_1911 : i32
        %parallel_loop3A_1913 = vector.broadcast %parallel_loop3A_1912 : i32 to vector<16xi32>
        %parallel_loop3A_1914 = arith.addi %parallel_loop3A_1899, %parallel_loop3A_1913 : vector<16xi32>
        tpu.vector_store_idx %arg12[%parallel_loop3A_1914], %parallel_loop3A_1904 {add = true} : memref<768xf32, #tpu.memory_space<vmem>>[vector<16xi32>], vector<16xf32>,
        %parallel_loop3A_1915 = arith.constant 96 : i32
        %parallel_loop3A_1916 = arith.addi %parallel_loop3A_1912, %parallel_loop3A_1915 : i32
        %parallel_loop3A_1917 = vector.broadcast %parallel_loop3A_1916 : i32 to vector<16xi32>
        %parallel_loop3A_1918 = arith.addi %parallel_loop3A_1902, %parallel_loop3A_1917 : vector<16xi32>
        tpu.vector_store_idx %arg12[%parallel_loop3A_1918], %parallel_loop3A_1908 {add = true} : memref<768xf32, #tpu.memory_space<vmem>>[vector<16xi32>], vector<16xf32>,
      } {sc.loop_unroll_factor = 4 : i64, sc.parallel_access}
      %lt3A = arith.constant 11 : i32
      %lt3A_156 = arith.cmpi slt, %scan3A_117, %lt3A : i32
      %convert_element_type3A = arith.extui %lt3A_156 : i1 to i32
      %cond3A = arith.constant 0 : i32
      %cond3A_157 = arith.cmpi ne, %convert_element_type3A, %cond3A : i32
      scf.if %cond3A_157 {
        %add3A_1888 = arith.constant 1 : i32
        %add3A_1889 = arith.addi %add3A_118, %add3A_1888 : i32
        %dma_start3A_1890 = arith.constant 0 : i32
        %dma_start3A_1891 = tpu.memref_slice %arg2[%add3A_1889, %dma_start3A_1890] : memref<384x74112xf32, #tpu.memory_space<hbm>> -> memref<1x18528xf32, #tpu.memory_space<hbm>>
        %dma_start3A_1892 = tpu.memref_squeeze %dma_start3A_1891 : memref<1x18528xf32, #tpu.memory_space<hbm>> -> memref<18528xf32, #tpu.memory_space<hbm>>
        %dma_start3A_1893 = arith.constant 0 : i32
        %dma_start3A_1894 = tpu.memref_slice %arg2[%add3A_1889, %dma_start3A_1893] : memref<384x74112xf32, #tpu.memory_space<hbm>> -> memref<1x18528xf32, #tpu.memory_space<hbm>>
        %dma_start3A_1895 = tpu.memref_squeeze %dma_start3A_1894 : memref<1x18528xf32, #tpu.memory_space<hbm>> -> memref<18528xf32, #tpu.memory_space<hbm>>
        tpu.enqueue_dma source(%dma_start3A_1895 : memref<18528xf32, #tpu.memory_space<hbm>>) target(%arg10 : memref<18528xf32, #tpu.memory_space<vmem>>) target_semaphore(%arg18 : memref<!tpu.dma_semaphore, #tpu.memory_space<semaphore_mem>>)
      } else {
      }
      %dma_wait3A_158 = arith.constant 55584 : i32
      %dma_wait3A_159 = tpu.memref_slice %arg2[%add3A_118, %dma_wait3A_158] : memref<384x74112xf32, #tpu.memory_space<hbm>> -> memref<1x18528xf32, #tpu.memory_space<hbm>>
      %dma_wait3A_160 = tpu.memref_squeeze %dma_wait3A_159 : memref<1x18528xf32, #tpu.memory_space<hbm>> -> memref<18528xf32, #tpu.memory_space<hbm>>
      %dma_wait3A_161 = arith.constant 55584 : i32
      %dma_wait3A_162 = tpu.memref_slice %arg2[%add3A_118, %dma_wait3A_161] : memref<384x74112xf32, #tpu.memory_space<hbm>> -> memref<1x18528xf32, #tpu.memory_space<hbm>>
      %dma_wait3A_163 = tpu.memref_squeeze %dma_wait3A_162 : memref<1x18528xf32, #tpu.memory_space<hbm>> -> memref<18528xf32, #tpu.memory_space<hbm>>
      tpu.wait_dma2 semaphore(%arg19 : memref<!tpu.dma_semaphore, #tpu.memory_space<semaphore_mem>>) src(%dma_wait3A_163 : memref<18528xf32, #tpu.memory_space<hbm>>) dst(%arg11 : memref<18528xf32, #tpu.memory_space<vmem>>)
      %parallel_loop3A_164 = arith.constant 0 : i32
      %parallel_loop3A_165 = arith.constant 579 : i32
      %parallel_loop3A_166 = arith.constant 1 : i32
      scf.for %parallel_loop3A_1888 = %parallel_loop3A_164 to %parallel_loop3A_165 step %parallel_loop3A_166  : i32 {
        %parallel_loop3A_1889 = arith.constant 32 : i32
        %parallel_loop3A_1890 = arith.muli %parallel_loop3A_1888, %parallel_loop3A_1889 : i32
        %parallel_loop3A_1891 = arith.constant 16 : i32
        %parallel_loop3A_1892 = arith.muli %parallel_loop3A_1888, %parallel_loop3A_1891 : i32
        %parallel_loop3A_1893 = arith.constant 27792 : i32
        %parallel_loop3A_1894 = arith.addi %parallel_loop3A_1893, %parallel_loop3A_1892 : i32
        %parallel_loop3A_1895 = arith.index_cast %parallel_loop3A_1894 : i32 to index
        %parallel_loop3A_1896 = tpu.vector_load %arg9[%parallel_loop3A_1895] {strides = array<i32>} : memref<37056xi32, #tpu.memory_space<vmem>>, vector<16xi32>,
        %parallel_loop3A_1897 = arith.constant 65535 : i32
        %parallel_loop3A_1898 = vector.broadcast %parallel_loop3A_1897 : i32 to vector<16xi32>
        %parallel_loop3A_1899 = arith.andi %parallel_loop3A_1896, %parallel_loop3A_1898 : vector<16xi32>
        %parallel_loop3A_1900 = arith.constant 16 : i32
        %parallel_loop3A_1901 = vector.broadcast %parallel_loop3A_1900 : i32 to vector<16xi32>
        %parallel_loop3A_1902 = arith.shrui %parallel_loop3A_1896, %parallel_loop3A_1901 : vector<16xi32>
        %parallel_loop3A_1903 = arith.index_cast %parallel_loop3A_1890 : i32 to index
        %parallel_loop3A_1904 = tpu.vector_load %arg11[%parallel_loop3A_1903] {strides = array<i32>} : memref<18528xf32, #tpu.memory_space<vmem>>, vector<16xf32>,
        %parallel_loop3A_1905 = arith.constant 16 : i32
        %parallel_loop3A_1906 = arith.addi %parallel_loop3A_1890, %parallel_loop3A_1905 : i32
        %parallel_loop3A_1907 = arith.index_cast %parallel_loop3A_1906 : i32 to index
        %parallel_loop3A_1908 = tpu.vector_load %arg11[%parallel_loop3A_1907] {strides = array<i32>} : memref<18528xf32, #tpu.memory_space<vmem>>, vector<16xf32>,
        %parallel_loop3A_1909 = arith.constant 3 : i32
        %parallel_loop3A_1910 = arith.andi %parallel_loop3A_1888, %parallel_loop3A_1909 : i32
        %parallel_loop3A_1911 = arith.constant 192 : i32
        %parallel_loop3A_1912 = arith.muli %parallel_loop3A_1910, %parallel_loop3A_1911 : i32
        %parallel_loop3A_1913 = vector.broadcast %parallel_loop3A_1912 : i32 to vector<16xi32>
        %parallel_loop3A_1914 = arith.addi %parallel_loop3A_1899, %parallel_loop3A_1913 : vector<16xi32>
        tpu.vector_store_idx %arg12[%parallel_loop3A_1914], %parallel_loop3A_1904 {add = true} : memref<768xf32, #tpu.memory_space<vmem>>[vector<16xi32>], vector<16xf32>,
        %parallel_loop3A_1915 = arith.constant 96 : i32
        %parallel_loop3A_1916 = arith.addi %parallel_loop3A_1912, %parallel_loop3A_1915 : i32
        %parallel_loop3A_1917 = vector.broadcast %parallel_loop3A_1916 : i32 to vector<16xi32>
        %parallel_loop3A_1918 = arith.addi %parallel_loop3A_1902, %parallel_loop3A_1917 : vector<16xi32>
        tpu.vector_store_idx %arg12[%parallel_loop3A_1918], %parallel_loop3A_1908 {add = true} : memref<768xf32, #tpu.memory_space<vmem>>[vector<16xi32>], vector<16xf32>,
      } {sc.loop_unroll_factor = 4 : i64, sc.parallel_access}
      %lt3A_167 = arith.constant 11 : i32
      %lt3A_168 = arith.cmpi slt, %scan3A_117, %lt3A_167 : i32
      %convert_element_type3A_169 = arith.extui %lt3A_168 : i1 to i32
      %cond3A_170 = arith.constant 0 : i32
      %cond3A_171 = arith.cmpi ne, %convert_element_type3A_169, %cond3A_170 : i32
      scf.if %cond3A_171 {
        %add3A_1888 = arith.constant 1 : i32
        %add3A_1889 = arith.addi %add3A_118, %add3A_1888 : i32
        %dma_start3A_1890 = arith.constant 18528 : i32
        %dma_start3A_1891 = tpu.memref_slice %arg2[%add3A_1889, %dma_start3A_1890] : memref<384x74112xf32, #tpu.memory_space<hbm>> -> memref<1x18528xf32, #tpu.memory_space<hbm>>
        %dma_start3A_1892 = tpu.memref_squeeze %dma_start3A_1891 : memref<1x18528xf32, #tpu.memory_space<hbm>> -> memref<18528xf32, #tpu.memory_space<hbm>>
        %dma_start3A_1893 = arith.constant 18528 : i32
        %dma_start3A_1894 = tpu.memref_slice %arg2[%add3A_1889, %dma_start3A_1893] : memref<384x74112xf32, #tpu.memory_space<hbm>> -> memref<1x18528xf32, #tpu.memory_space<hbm>>
        %dma_start3A_1895 = tpu.memref_squeeze %dma_start3A_1894 : memref<1x18528xf32, #tpu.memory_space<hbm>> -> memref<18528xf32, #tpu.memory_space<hbm>>
        tpu.enqueue_dma source(%dma_start3A_1895 : memref<18528xf32, #tpu.memory_space<hbm>>) target(%arg11 : memref<18528xf32, #tpu.memory_space<vmem>>) target_semaphore(%arg19 : memref<!tpu.dma_semaphore, #tpu.memory_space<semaphore_mem>>)
      } else {
      }
      %get3A = arith.constant 0 : index
      %get3A_172 = tpu.vector_load %arg12[%get3A] {strides = array<i32>} : memref<768xf32, #tpu.memory_space<vmem>>, vector<16xf32>,
      %get3A_173 = arith.constant 96 : index
      %get3A_174 = tpu.vector_load %arg12[%get3A_173] {strides = array<i32>} : memref<768xf32, #tpu.memory_space<vmem>>, vector<16xf32>,
      %add3A_175 = arith.addf %get3A_172, %get3A_174 : vector<16xf32>
      %get3A_176 = arith.constant 192 : index
      %get3A_177 = tpu.vector_load %arg12[%get3A_176] {strides = array<i32>} : memref<768xf32, #tpu.memory_space<vmem>>, vector<16xf32>,
      %add3A_178 = arith.addf %add3A_175, %get3A_177 : vector<16xf32>
      %get3A_179 = arith.constant 288 : index
      %get3A_180 = tpu.vector_load %arg12[%get3A_179] {strides = array<i32>} : memref<768xf32, #tpu.memory_space<vmem>>, vector<16xf32>,
      %add3A_181 = arith.addf %add3A_178, %get3A_180 : vector<16xf32>
      %get3A_182 = arith.constant 384 : index
      %get3A_183 = tpu.vector_load %arg12[%get3A_182] {strides = array<i32>} : memref<768xf32, #tpu.memory_space<vmem>>, vector<16xf32>,
      %add3A_184 = arith.addf %add3A_181, %get3A_183 : vector<16xf32>
      %get3A_185 = arith.constant 480 : index
      %get3A_186 = tpu.vector_load %arg12[%get3A_185] {strides = array<i32>} : memref<768xf32, #tpu.memory_space<vmem>>, vector<16xf32>,
      %add3A_187 = arith.addf %add3A_184, %get3A_186 : vector<16xf32>
      %get3A_188 = arith.constant 576 : index
      %get3A_189 = tpu.vector_load %arg12[%get3A_188] {strides = array<i32>} : memref<768xf32, #tpu.memory_space<vmem>>, vector<16xf32>,
      %add3A_190 = arith.addf %add3A_187, %get3A_189 : vector<16xf32>
      %get3A_191 = arith.constant 672 : index
      %get3A_192 = tpu.vector_load %arg12[%get3A_191] {strides = array<i32>} : memref<768xf32, #tpu.memory_space<vmem>>, vector<16xf32>,
      %add3A_193 = arith.addf %add3A_190, %get3A_192 : vector<16xf32>
      %slice3A = vector.extract_strided_slice %add3A_193 {offsets = [0], sizes = [1], strides = [1]} : vector<16xf32> to vector<1xf32>
      %squeeze3A = vector.extract %slice3A[0] : f32 from vector<1xf32>
      %slice3A_194 = vector.extract_strided_slice %add3A_193 {offsets = [1], sizes = [1], strides = [1]} : vector<16xf32> to vector<1xf32>
      %squeeze3A_195 = vector.extract %slice3A_194[0] : f32 from vector<1xf32>
      %add3A_196 = arith.addf %squeeze3A, %squeeze3A_195 : f32
      %slice3A_197 = vector.extract_strided_slice %add3A_193 {offsets = [2], sizes = [1], strides = [1]} : vector<16xf32> to vector<1xf32>
      %squeeze3A_198 = vector.extract %slice3A_197[0] : f32 from vector<1xf32>
      %add3A_199 = arith.addf %add3A_196, %squeeze3A_198 : f32
      %slice3A_200 = vector.extract_strided_slice %add3A_193 {offsets = [3], sizes = [1], strides = [1]} : vector<16xf32> to vector<1xf32>
      %squeeze3A_201 = vector.extract %slice3A_200[0] : f32 from vector<1xf32>
      %add3A_202 = arith.addf %add3A_199, %squeeze3A_201 : f32
      %slice3A_203 = vector.extract_strided_slice %add3A_193 {offsets = [4], sizes = [1], strides = [1]} : vector<16xf32> to vector<1xf32>
      %squeeze3A_204 = vector.extract %slice3A_203[0] : f32 from vector<1xf32>
      %add3A_205 = arith.addf %add3A_202, %squeeze3A_204 : f32
      %slice3A_206 = vector.extract_strided_slice %add3A_193 {offsets = [5], sizes = [1], strides = [1]} : vector<16xf32> to vector<1xf32>
      %squeeze3A_207 = vector.extract %slice3A_206[0] : f32 from vector<1xf32>
      %add3A_208 = arith.addf %add3A_205, %squeeze3A_207 : f32
      %slice3A_209 = vector.extract_strided_slice %add3A_193 {offsets = [6], sizes = [1], strides = [1]} : vector<16xf32> to vector<1xf32>
      %squeeze3A_210 = vector.extract %slice3A_209[0] : f32 from vector<1xf32>
      %add3A_211 = arith.addf %add3A_208, %squeeze3A_210 : f32
      %slice3A_212 = vector.extract_strided_slice %add3A_193 {offsets = [7], sizes = [1], strides = [1]} : vector<16xf32> to vector<1xf32>
      %squeeze3A_213 = vector.extract %slice3A_212[0] : f32 from vector<1xf32>
      %add3A_214 = arith.addf %add3A_211, %squeeze3A_213 : f32
      %slice3A_215 = vector.extract_strided_slice %add3A_193 {offsets = [8], sizes = [1], strides = [1]} : vector<16xf32> to vector<1xf32>
      %squeeze3A_216 = vector.extract %slice3A_215[0] : f32 from vector<1xf32>
      %add3A_217 = arith.addf %add3A_214, %squeeze3A_216 : f32
      %slice3A_218 = vector.extract_strided_slice %add3A_193 {offsets = [9], sizes = [1], strides = [1]} : vector<16xf32> to vector<1xf32>
      %squeeze3A_219 = vector.extract %slice3A_218[0] : f32 from vector<1xf32>
      %add3A_220 = arith.addf %add3A_217, %squeeze3A_219 : f32
      %slice3A_221 = vector.extract_strided_slice %add3A_193 {offsets = [10], sizes = [1], strides = [1]} : vector<16xf32> to vector<1xf32>
      %squeeze3A_222 = vector.extract %slice3A_221[0] : f32 from vector<1xf32>
      %add3A_223 = arith.addf %add3A_220, %squeeze3A_222 : f32
      %slice3A_224 = vector.extract_strided_slice %add3A_193 {offsets = [11], sizes = [1], strides = [1]} : vector<16xf32> to vector<1xf32>
      %squeeze3A_225 = vector.extract %slice3A_224[0] : f32 from vector<1xf32>
      %add3A_226 = arith.addf %add3A_223, %squeeze3A_225 : f32
      %slice3A_227 = vector.extract_strided_slice %add3A_193 {offsets = [12], sizes = [1], strides = [1]} : vector<16xf32> to vector<1xf32>
      %squeeze3A_228 = vector.extract %slice3A_227[0] : f32 from vector<1xf32>
      %add3A_229 = arith.addf %add3A_226, %squeeze3A_228 : f32
      %slice3A_230 = vector.extract_strided_slice %add3A_193 {offsets = [13], sizes = [1], strides = [1]} : vector<16xf32> to vector<1xf32>
      %squeeze3A_231 = vector.extract %slice3A_230[0] : f32 from vector<1xf32>
      %add3A_232 = arith.addf %add3A_229, %squeeze3A_231 : f32
      %slice3A_233 = vector.extract_strided_slice %add3A_193 {offsets = [14], sizes = [1], strides = [1]} : vector<16xf32> to vector<1xf32>
      %squeeze3A_234 = vector.extract %slice3A_233[0] : f32 from vector<1xf32>
      %add3A_235 = arith.addf %add3A_232, %squeeze3A_234 : f32
      %slice3A_236 = vector.extract_strided_slice %add3A_193 {offsets = [15], sizes = [1], strides = [1]} : vector<16xf32> to vector<1xf32>
      %squeeze3A_237 = vector.extract %slice3A_236[0] : f32 from vector<1xf32>
      %add3A_238 = arith.addf %add3A_235, %squeeze3A_237 : f32
      %get3A_239 = arith.constant 16 : index
      %get3A_240 = tpu.vector_load %arg12[%get3A_239] {strides = array<i32>} : memref<768xf32, #tpu.memory_space<vmem>>, vector<16xf32>,
      %get3A_241 = arith.constant 112 : index
      %get3A_242 = tpu.vector_load %arg12[%get3A_241] {strides = array<i32>} : memref<768xf32, #tpu.memory_space<vmem>>, vector<16xf32>,
      %add3A_243 = arith.addf %get3A_240, %get3A_242 : vector<16xf32>
      %get3A_244 = arith.constant 208 : index
      %get3A_245 = tpu.vector_load %arg12[%get3A_244] {strides = array<i32>} : memref<768xf32, #tpu.memory_space<vmem>>, vector<16xf32>,
      %add3A_246 = arith.addf %add3A_243, %get3A_245 : vector<16xf32>
      %get3A_247 = arith.constant 304 : index
      %get3A_248 = tpu.vector_load %arg12[%get3A_247] {strides = array<i32>} : memref<768xf32, #tpu.memory_space<vmem>>, vector<16xf32>,
      %add3A_249 = arith.addf %add3A_246, %get3A_248 : vector<16xf32>
      %get3A_250 = arith.constant 400 : index
      %get3A_251 = tpu.vector_load %arg12[%get3A_250] {strides = array<i32>} : memref<768xf32, #tpu.memory_space<vmem>>, vector<16xf32>,
      %add3A_252 = arith.addf %add3A_249, %get3A_251 : vector<16xf32>
      %get3A_253 = arith.constant 496 : index
      %get3A_254 = tpu.vector_load %arg12[%get3A_253] {strides = array<i32>} : memref<768xf32, #tpu.memory_space<vmem>>, vector<16xf32>,
      %add3A_255 = arith.addf %add3A_252, %get3A_254 : vector<16xf32>
      %get3A_256 = arith.constant 592 : index
      %get3A_257 = tpu.vector_load %arg12[%get3A_256] {strides = array<i32>} : memref<768xf32, #tpu.memory_space<vmem>>, vector<16xf32>,
      %add3A_258 = arith.addf %add3A_255, %get3A_257 : vector<16xf32>
      %get3A_259 = arith.constant 688 : index
      %get3A_260 = tpu.vector_load %arg12[%get3A_259] {strides = array<i32>} : memref<768xf32, #tpu.memory_space<vmem>>, vector<16xf32>,
      %add3A_261 = arith.addf %add3A_258, %get3A_260 : vector<16xf32>
      %slice3A_262 = vector.extract_strided_slice %add3A_261 {offsets = [0], sizes = [1], strides = [1]} : vector<16xf32> to vector<1xf32>
      %squeeze3A_263 = vector.extract %slice3A_262[0] : f32 from vector<1xf32>
      %slice3A_264 = vector.extract_strided_slice %add3A_261 {offsets = [1], sizes = [1], strides = [1]} : vector<16xf32> to vector<1xf32>
      %squeeze3A_265 = vector.extract %slice3A_264[0] : f32 from vector<1xf32>
      %add3A_266 = arith.addf %squeeze3A_263, %squeeze3A_265 : f32
      %slice3A_267 = vector.extract_strided_slice %add3A_261 {offsets = [2], sizes = [1], strides = [1]} : vector<16xf32> to vector<1xf32>
      %squeeze3A_268 = vector.extract %slice3A_267[0] : f32 from vector<1xf32>
      %add3A_269 = arith.addf %add3A_266, %squeeze3A_268 : f32
      %slice3A_270 = vector.extract_strided_slice %add3A_261 {offsets = [3], sizes = [1], strides = [1]} : vector<16xf32> to vector<1xf32>
      %squeeze3A_271 = vector.extract %slice3A_270[0] : f32 from vector<1xf32>
      %add3A_272 = arith.addf %add3A_269, %squeeze3A_271 : f32
      %slice3A_273 = vector.extract_strided_slice %add3A_261 {offsets = [4], sizes = [1], strides = [1]} : vector<16xf32> to vector<1xf32>
      %squeeze3A_274 = vector.extract %slice3A_273[0] : f32 from vector<1xf32>
      %add3A_275 = arith.addf %add3A_272, %squeeze3A_274 : f32
      %slice3A_276 = vector.extract_strided_slice %add3A_261 {offsets = [5], sizes = [1], strides = [1]} : vector<16xf32> to vector<1xf32>
      %squeeze3A_277 = vector.extract %slice3A_276[0] : f32 from vector<1xf32>
      %add3A_278 = arith.addf %add3A_275, %squeeze3A_277 : f32
      %slice3A_279 = vector.extract_strided_slice %add3A_261 {offsets = [6], sizes = [1], strides = [1]} : vector<16xf32> to vector<1xf32>
      %squeeze3A_280 = vector.extract %slice3A_279[0] : f32 from vector<1xf32>
      %add3A_281 = arith.addf %add3A_278, %squeeze3A_280 : f32
      %slice3A_282 = vector.extract_strided_slice %add3A_261 {offsets = [7], sizes = [1], strides = [1]} : vector<16xf32> to vector<1xf32>
      %squeeze3A_283 = vector.extract %slice3A_282[0] : f32 from vector<1xf32>
      %add3A_284 = arith.addf %add3A_281, %squeeze3A_283 : f32
      %slice3A_285 = vector.extract_strided_slice %add3A_261 {offsets = [8], sizes = [1], strides = [1]} : vector<16xf32> to vector<1xf32>
      %squeeze3A_286 = vector.extract %slice3A_285[0] : f32 from vector<1xf32>
      %add3A_287 = arith.addf %add3A_284, %squeeze3A_286 : f32
      %slice3A_288 = vector.extract_strided_slice %add3A_261 {offsets = [9], sizes = [1], strides = [1]} : vector<16xf32> to vector<1xf32>
      %squeeze3A_289 = vector.extract %slice3A_288[0] : f32 from vector<1xf32>
      %add3A_290 = arith.addf %add3A_287, %squeeze3A_289 : f32
      %slice3A_291 = vector.extract_strided_slice %add3A_261 {offsets = [10], sizes = [1], strides = [1]} : vector<16xf32> to vector<1xf32>
      %squeeze3A_292 = vector.extract %slice3A_291[0] : f32 from vector<1xf32>
      %add3A_293 = arith.addf %add3A_290, %squeeze3A_292 : f32
      %slice3A_294 = vector.extract_strided_slice %add3A_261 {offsets = [11], sizes = [1], strides = [1]} : vector<16xf32> to vector<1xf32>
      %squeeze3A_295 = vector.extract %slice3A_294[0] : f32 from vector<1xf32>
      %add3A_296 = arith.addf %add3A_293, %squeeze3A_295 : f32
      %slice3A_297 = vector.extract_strided_slice %add3A_261 {offsets = [12], sizes = [1], strides = [1]} : vector<16xf32> to vector<1xf32>
      %squeeze3A_298 = vector.extract %slice3A_297[0] : f32 from vector<1xf32>
      %add3A_299 = arith.addf %add3A_296, %squeeze3A_298 : f32
      %slice3A_300 = vector.extract_strided_slice %add3A_261 {offsets = [13], sizes = [1], strides = [1]} : vector<16xf32> to vector<1xf32>
      %squeeze3A_301 = vector.extract %slice3A_300[0] : f32 from vector<1xf32>
      %add3A_302 = arith.addf %add3A_299, %squeeze3A_301 : f32
      %slice3A_303 = vector.extract_strided_slice %add3A_261 {offsets = [14], sizes = [1], strides = [1]} : vector<16xf32> to vector<1xf32>
      %squeeze3A_304 = vector.extract %slice3A_303[0] : f32 from vector<1xf32>
      %add3A_305 = arith.addf %add3A_302, %squeeze3A_304 : f32
      %slice3A_306 = vector.extract_strided_slice %add3A_261 {offsets = [15], sizes = [1], strides = [1]} : vector<16xf32> to vector<1xf32>
      %squeeze3A_307 = vector.extract %slice3A_306[0] : f32 from vector<1xf32>
      %add3A_308 = arith.addf %add3A_305, %squeeze3A_307 : f32
      %get3A_309 = arith.constant 32 : index
      %get3A_310 = tpu.vector_load %arg12[%get3A_309] {strides = array<i32>} : memref<768xf32, #tpu.memory_space<vmem>>, vector<16xf32>,
      %get3A_311 = arith.constant 128 : index
      %get3A_312 = tpu.vector_load %arg12[%get3A_311] {strides = array<i32>} : memref<768xf32, #tpu.memory_space<vmem>>, vector<16xf32>,
      %add3A_313 = arith.addf %get3A_310, %get3A_312 : vector<16xf32>
      %get3A_314 = arith.constant 224 : index
      %get3A_315 = tpu.vector_load %arg12[%get3A_314] {strides = array<i32>} : memref<768xf32, #tpu.memory_space<vmem>>, vector<16xf32>,
      %add3A_316 = arith.addf %add3A_313, %get3A_315 : vector<16xf32>
      %get3A_317 = arith.constant 320 : index
      %get3A_318 = tpu.vector_load %arg12[%get3A_317] {strides = array<i32>} : memref<768xf32, #tpu.memory_space<vmem>>, vector<16xf32>,
      %add3A_319 = arith.addf %add3A_316, %get3A_318 : vector<16xf32>
      %get3A_320 = arith.constant 416 : index
      %get3A_321 = tpu.vector_load %arg12[%get3A_320] {strides = array<i32>} : memref<768xf32, #tpu.memory_space<vmem>>, vector<16xf32>,
      %add3A_322 = arith.addf %add3A_319, %get3A_321 : vector<16xf32>
      %get3A_323 = arith.constant 512 : index
      %get3A_324 = tpu.vector_load %arg12[%get3A_323] {strides = array<i32>} : memref<768xf32, #tpu.memory_space<vmem>>, vector<16xf32>,
      %add3A_325 = arith.addf %add3A_322, %get3A_324 : vector<16xf32>
      %get3A_326 = arith.constant 608 : index
      %get3A_327 = tpu.vector_load %arg12[%get3A_326] {strides = array<i32>} : memref<768xf32, #tpu.memory_space<vmem>>, vector<16xf32>,
      %add3A_328 = arith.addf %add3A_325, %get3A_327 : vector<16xf32>
      %get3A_329 = arith.constant 704 : index
      %get3A_330 = tpu.vector_load %arg12[%get3A_329] {strides = array<i32>} : memref<768xf32, #tpu.memory_space<vmem>>, vector<16xf32>,
      %add3A_331 = arith.addf %add3A_328, %get3A_330 : vector<16xf32>
      %slice3A_332 = vector.extract_strided_slice %add3A_331 {offsets = [0], sizes = [1], strides = [1]} : vector<16xf32> to vector<1xf32>
      %squeeze3A_333 = vector.extract %slice3A_332[0] : f32 from vector<1xf32>
      %slice3A_334 = vector.extract_strided_slice %add3A_331 {offsets = [1], sizes = [1], strides = [1]} : vector<16xf32> to vector<1xf32>
      %squeeze3A_335 = vector.extract %slice3A_334[0] : f32 from vector<1xf32>
      %add3A_336 = arith.addf %squeeze3A_333, %squeeze3A_335 : f32
      %slice3A_337 = vector.extract_strided_slice %add3A_331 {offsets = [2], sizes = [1], strides = [1]} : vector<16xf32> to vector<1xf32>
      %squeeze3A_338 = vector.extract %slice3A_337[0] : f32 from vector<1xf32>
      %add3A_339 = arith.addf %add3A_336, %squeeze3A_338 : f32
      %slice3A_340 = vector.extract_strided_slice %add3A_331 {offsets = [3], sizes = [1], strides = [1]} : vector<16xf32> to vector<1xf32>
      %squeeze3A_341 = vector.extract %slice3A_340[0] : f32 from vector<1xf32>
      %add3A_342 = arith.addf %add3A_339, %squeeze3A_341 : f32
      %slice3A_343 = vector.extract_strided_slice %add3A_331 {offsets = [4], sizes = [1], strides = [1]} : vector<16xf32> to vector<1xf32>
      %squeeze3A_344 = vector.extract %slice3A_343[0] : f32 from vector<1xf32>
      %add3A_345 = arith.addf %add3A_342, %squeeze3A_344 : f32
      %slice3A_346 = vector.extract_strided_slice %add3A_331 {offsets = [5], sizes = [1], strides = [1]} : vector<16xf32> to vector<1xf32>
      %squeeze3A_347 = vector.extract %slice3A_346[0] : f32 from vector<1xf32>
      %add3A_348 = arith.addf %add3A_345, %squeeze3A_347 : f32
      %slice3A_349 = vector.extract_strided_slice %add3A_331 {offsets = [6], sizes = [1], strides = [1]} : vector<16xf32> to vector<1xf32>
      %squeeze3A_350 = vector.extract %slice3A_349[0] : f32 from vector<1xf32>
      %add3A_351 = arith.addf %add3A_348, %squeeze3A_350 : f32
      %slice3A_352 = vector.extract_strided_slice %add3A_331 {offsets = [7], sizes = [1], strides = [1]} : vector<16xf32> to vector<1xf32>
      %squeeze3A_353 = vector.extract %slice3A_352[0] : f32 from vector<1xf32>
      %add3A_354 = arith.addf %add3A_351, %squeeze3A_353 : f32
      %slice3A_355 = vector.extract_strided_slice %add3A_331 {offsets = [8], sizes = [1], strides = [1]} : vector<16xf32> to vector<1xf32>
      %squeeze3A_356 = vector.extract %slice3A_355[0] : f32 from vector<1xf32>
      %add3A_357 = arith.addf %add3A_354, %squeeze3A_356 : f32
      %slice3A_358 = vector.extract_strided_slice %add3A_331 {offsets = [9], sizes = [1], strides = [1]} : vector<16xf32> to vector<1xf32>
      %squeeze3A_359 = vector.extract %slice3A_358[0] : f32 from vector<1xf32>
      %add3A_360 = arith.addf %add3A_357, %squeeze3A_359 : f32
      %slice3A_361 = vector.extract_strided_slice %add3A_331 {offsets = [10], sizes = [1], strides = [1]} : vector<16xf32> to vector<1xf32>
      %squeeze3A_362 = vector.extract %slice3A_361[0] : f32 from vector<1xf32>
      %add3A_363 = arith.addf %add3A_360, %squeeze3A_362 : f32
      %slice3A_364 = vector.extract_strided_slice %add3A_331 {offsets = [11], sizes = [1], strides = [1]} : vector<16xf32> to vector<1xf32>
      %squeeze3A_365 = vector.extract %slice3A_364[0] : f32 from vector<1xf32>
      %add3A_366 = arith.addf %add3A_363, %squeeze3A_365 : f32
      %slice3A_367 = vector.extract_strided_slice %add3A_331 {offsets = [12], sizes = [1], strides = [1]} : vector<16xf32> to vector<1xf32>
      %squeeze3A_368 = vector.extract %slice3A_367[0] : f32 from vector<1xf32>
      %add3A_369 = arith.addf %add3A_366, %squeeze3A_368 : f32
      %slice3A_370 = vector.extract_strided_slice %add3A_331 {offsets = [13], sizes = [1], strides = [1]} : vector<16xf32> to vector<1xf32>
      %squeeze3A_371 = vector.extract %slice3A_370[0] : f32 from vector<1xf32>
      %add3A_372 = arith.addf %add3A_369, %squeeze3A_371 : f32
      %slice3A_373 = vector.extract_strided_slice %add3A_331 {offsets = [14], sizes = [1], strides = [1]} : vector<16xf32> to vector<1xf32>
      %squeeze3A_374 = vector.extract %slice3A_373[0] : f32 from vector<1xf32>
      %add3A_375 = arith.addf %add3A_372, %squeeze3A_374 : f32
      %slice3A_376 = vector.extract_strided_slice %add3A_331 {offsets = [15], sizes = [1], strides = [1]} : vector<16xf32> to vector<1xf32>
      %squeeze3A_377 = vector.extract %slice3A_376[0] : f32 from vector<1xf32>
      %add3A_378 = arith.addf %add3A_375, %squeeze3A_377 : f32
      %get3A_379 = arith.constant 48 : index
      %get3A_380 = tpu.vector_load %arg12[%get3A_379] {strides = array<i32>} : memref<768xf32, #tpu.memory_space<vmem>>, vector<16xf32>,
      %get3A_381 = arith.constant 144 : index
      %get3A_382 = tpu.vector_load %arg12[%get3A_381] {strides = array<i32>} : memref<768xf32, #tpu.memory_space<vmem>>, vector<16xf32>,
      %add3A_383 = arith.addf %get3A_380, %get3A_382 : vector<16xf32>
      %get3A_384 = arith.constant 240 : index
      %get3A_385 = tpu.vector_load %arg12[%get3A_384] {strides = array<i32>} : memref<768xf32, #tpu.memory_space<vmem>>, vector<16xf32>,
      %add3A_386 = arith.addf %add3A_383, %get3A_385 : vector<16xf32>
      %get3A_387 = arith.constant 336 : index
      %get3A_388 = tpu.vector_load %arg12[%get3A_387] {strides = array<i32>} : memref<768xf32, #tpu.memory_space<vmem>>, vector<16xf32>,
      %add3A_389 = arith.addf %add3A_386, %get3A_388 : vector<16xf32>
      %get3A_390 = arith.constant 432 : index
      %get3A_391 = tpu.vector_load %arg12[%get3A_390] {strides = array<i32>} : memref<768xf32, #tpu.memory_space<vmem>>, vector<16xf32>,
      %add3A_392 = arith.addf %add3A_389, %get3A_391 : vector<16xf32>
      %get3A_393 = arith.constant 528 : index
      %get3A_394 = tpu.vector_load %arg12[%get3A_393] {strides = array<i32>} : memref<768xf32, #tpu.memory_space<vmem>>, vector<16xf32>,
      %add3A_395 = arith.addf %add3A_392, %get3A_394 : vector<16xf32>
      %get3A_396 = arith.constant 624 : index
      %get3A_397 = tpu.vector_load %arg12[%get3A_396] {strides = array<i32>} : memref<768xf32, #tpu.memory_space<vmem>>, vector<16xf32>,
      %add3A_398 = arith.addf %add3A_395, %get3A_397 : vector<16xf32>
      %get3A_399 = arith.constant 720 : index
      %get3A_400 = tpu.vector_load %arg12[%get3A_399] {strides = array<i32>} : memref<768xf32, #tpu.memory_space<vmem>>, vector<16xf32>,
      %add3A_401 = arith.addf %add3A_398, %get3A_400 : vector<16xf32>
      %slice3A_402 = vector.extract_strided_slice %add3A_401 {offsets = [0], sizes = [1], strides = [1]} : vector<16xf32> to vector<1xf32>
      %squeeze3A_403 = vector.extract %slice3A_402[0] : f32 from vector<1xf32>
      %slice3A_404 = vector.extract_strided_slice %add3A_401 {offsets = [1], sizes = [1], strides = [1]} : vector<16xf32> to vector<1xf32>
      %squeeze3A_405 = vector.extract %slice3A_404[0] : f32 from vector<1xf32>
      %add3A_406 = arith.addf %squeeze3A_403, %squeeze3A_405 : f32
      %slice3A_407 = vector.extract_strided_slice %add3A_401 {offsets = [2], sizes = [1], strides = [1]} : vector<16xf32> to vector<1xf32>
      %squeeze3A_408 = vector.extract %slice3A_407[0] : f32 from vector<1xf32>
      %add3A_409 = arith.addf %add3A_406, %squeeze3A_408 : f32
      %slice3A_410 = vector.extract_strided_slice %add3A_401 {offsets = [3], sizes = [1], strides = [1]} : vector<16xf32> to vector<1xf32>
      %squeeze3A_411 = vector.extract %slice3A_410[0] : f32 from vector<1xf32>
      %add3A_412 = arith.addf %add3A_409, %squeeze3A_411 : f32
      %slice3A_413 = vector.extract_strided_slice %add3A_401 {offsets = [4], sizes = [1], strides = [1]} : vector<16xf32> to vector<1xf32>
      %squeeze3A_414 = vector.extract %slice3A_413[0] : f32 from vector<1xf32>
      %add3A_415 = arith.addf %add3A_412, %squeeze3A_414 : f32
      %slice3A_416 = vector.extract_strided_slice %add3A_401 {offsets = [5], sizes = [1], strides = [1]} : vector<16xf32> to vector<1xf32>
      %squeeze3A_417 = vector.extract %slice3A_416[0] : f32 from vector<1xf32>
      %add3A_418 = arith.addf %add3A_415, %squeeze3A_417 : f32
      %slice3A_419 = vector.extract_strided_slice %add3A_401 {offsets = [6], sizes = [1], strides = [1]} : vector<16xf32> to vector<1xf32>
      %squeeze3A_420 = vector.extract %slice3A_419[0] : f32 from vector<1xf32>
      %add3A_421 = arith.addf %add3A_418, %squeeze3A_420 : f32
      %slice3A_422 = vector.extract_strided_slice %add3A_401 {offsets = [7], sizes = [1], strides = [1]} : vector<16xf32> to vector<1xf32>
      %squeeze3A_423 = vector.extract %slice3A_422[0] : f32 from vector<1xf32>
      %add3A_424 = arith.addf %add3A_421, %squeeze3A_423 : f32
      %slice3A_425 = vector.extract_strided_slice %add3A_401 {offsets = [8], sizes = [1], strides = [1]} : vector<16xf32> to vector<1xf32>
      %squeeze3A_426 = vector.extract %slice3A_425[0] : f32 from vector<1xf32>
      %add3A_427 = arith.addf %add3A_424, %squeeze3A_426 : f32
      %slice3A_428 = vector.extract_strided_slice %add3A_401 {offsets = [9], sizes = [1], strides = [1]} : vector<16xf32> to vector<1xf32>
      %squeeze3A_429 = vector.extract %slice3A_428[0] : f32 from vector<1xf32>
      %add3A_430 = arith.addf %add3A_427, %squeeze3A_429 : f32
      %slice3A_431 = vector.extract_strided_slice %add3A_401 {offsets = [10], sizes = [1], strides = [1]} : vector<16xf32> to vector<1xf32>
      %squeeze3A_432 = vector.extract %slice3A_431[0] : f32 from vector<1xf32>
      %add3A_433 = arith.addf %add3A_430, %squeeze3A_432 : f32
      %slice3A_434 = vector.extract_strided_slice %add3A_401 {offsets = [11], sizes = [1], strides = [1]} : vector<16xf32> to vector<1xf32>
      %squeeze3A_435 = vector.extract %slice3A_434[0] : f32 from vector<1xf32>
      %add3A_436 = arith.addf %add3A_433, %squeeze3A_435 : f32
      %slice3A_437 = vector.extract_strided_slice %add3A_401 {offsets = [12], sizes = [1], strides = [1]} : vector<16xf32> to vector<1xf32>
      %squeeze3A_438 = vector.extract %slice3A_437[0] : f32 from vector<1xf32>
      %add3A_439 = arith.addf %add3A_436, %squeeze3A_438 : f32
      %slice3A_440 = vector.extract_strided_slice %add3A_401 {offsets = [13], sizes = [1], strides = [1]} : vector<16xf32> to vector<1xf32>
      %squeeze3A_441 = vector.extract %slice3A_440[0] : f32 from vector<1xf32>
      %add3A_442 = arith.addf %add3A_439, %squeeze3A_441 : f32
      %slice3A_443 = vector.extract_strided_slice %add3A_401 {offsets = [14], sizes = [1], strides = [1]} : vector<16xf32> to vector<1xf32>
      %squeeze3A_444 = vector.extract %slice3A_443[0] : f32 from vector<1xf32>
      %add3A_445 = arith.addf %add3A_442, %squeeze3A_444 : f32
      %slice3A_446 = vector.extract_strided_slice %add3A_401 {offsets = [15], sizes = [1], strides = [1]} : vector<16xf32> to vector<1xf32>
      %squeeze3A_447 = vector.extract %slice3A_446[0] : f32 from vector<1xf32>
      %add3A_448 = arith.addf %add3A_445, %squeeze3A_447 : f32
      %get3A_449 = arith.constant 64 : index
      %get3A_450 = tpu.vector_load %arg12[%get3A_449] {strides = array<i32>} : memref<768xf32, #tpu.memory_space<vmem>>, vector<16xf32>,
      %get3A_451 = arith.constant 160 : index
      %get3A_452 = tpu.vector_load %arg12[%get3A_451] {strides = array<i32>} : memref<768xf32, #tpu.memory_space<vmem>>, vector<16xf32>,
      %add3A_453 = arith.addf %get3A_450, %get3A_452 : vector<16xf32>
      %get3A_454 = arith.constant 256 : index
      %get3A_455 = tpu.vector_load %arg12[%get3A_454] {strides = array<i32>} : memref<768xf32, #tpu.memory_space<vmem>>, vector<16xf32>,
      %add3A_456 = arith.addf %add3A_453, %get3A_455 : vector<16xf32>
      %get3A_457 = arith.constant 352 : index
      %get3A_458 = tpu.vector_load %arg12[%get3A_457] {strides = array<i32>} : memref<768xf32, #tpu.memory_space<vmem>>, vector<16xf32>,
      %add3A_459 = arith.addf %add3A_456, %get3A_458 : vector<16xf32>
      %get3A_460 = arith.constant 448 : index
      %get3A_461 = tpu.vector_load %arg12[%get3A_460] {strides = array<i32>} : memref<768xf32, #tpu.memory_space<vmem>>, vector<16xf32>,
      %add3A_462 = arith.addf %add3A_459, %get3A_461 : vector<16xf32>
      %get3A_463 = arith.constant 544 : index
      %get3A_464 = tpu.vector_load %arg12[%get3A_463] {strides = array<i32>} : memref<768xf32, #tpu.memory_space<vmem>>, vector<16xf32>,
      %add3A_465 = arith.addf %add3A_462, %get3A_464 : vector<16xf32>
      %get3A_466 = arith.constant 640 : index
      %get3A_467 = tpu.vector_load %arg12[%get3A_466] {strides = array<i32>} : memref<768xf32, #tpu.memory_space<vmem>>, vector<16xf32>,
      %add3A_468 = arith.addf %add3A_465, %get3A_467 : vector<16xf32>
      %get3A_469 = arith.constant 736 : index
      %get3A_470 = tpu.vector_load %arg12[%get3A_469] {strides = array<i32>} : memref<768xf32, #tpu.memory_space<vmem>>, vector<16xf32>,
      %add3A_471 = arith.addf %add3A_468, %get3A_470 : vector<16xf32>
      %slice3A_472 = vector.extract_strided_slice %add3A_471 {offsets = [0], sizes = [1], strides = [1]} : vector<16xf32> to vector<1xf32>
      %squeeze3A_473 = vector.extract %slice3A_472[0] : f32 from vector<1xf32>
      %slice3A_474 = vector.extract_strided_slice %add3A_471 {offsets = [1], sizes = [1], strides = [1]} : vector<16xf32> to vector<1xf32>
      %squeeze3A_475 = vector.extract %slice3A_474[0] : f32 from vector<1xf32>
      %add3A_476 = arith.addf %squeeze3A_473, %squeeze3A_475 : f32
      %slice3A_477 = vector.extract_strided_slice %add3A_471 {offsets = [2], sizes = [1], strides = [1]} : vector<16xf32> to vector<1xf32>
      %squeeze3A_478 = vector.extract %slice3A_477[0] : f32 from vector<1xf32>
      %add3A_479 = arith.addf %add3A_476, %squeeze3A_478 : f32
      %slice3A_480 = vector.extract_strided_slice %add3A_471 {offsets = [3], sizes = [1], strides = [1]} : vector<16xf32> to vector<1xf32>
      %squeeze3A_481 = vector.extract %slice3A_480[0] : f32 from vector<1xf32>
      %add3A_482 = arith.addf %add3A_479, %squeeze3A_481 : f32
      %slice3A_483 = vector.extract_strided_slice %add3A_471 {offsets = [4], sizes = [1], strides = [1]} : vector<16xf32> to vector<1xf32>
      %squeeze3A_484 = vector.extract %slice3A_483[0] : f32 from vector<1xf32>
      %add3A_485 = arith.addf %add3A_482, %squeeze3A_484 : f32
      %slice3A_486 = vector.extract_strided_slice %add3A_471 {offsets = [5], sizes = [1], strides = [1]} : vector<16xf32> to vector<1xf32>
      %squeeze3A_487 = vector.extract %slice3A_486[0] : f32 from vector<1xf32>
      %add3A_488 = arith.addf %add3A_485, %squeeze3A_487 : f32
      %slice3A_489 = vector.extract_strided_slice %add3A_471 {offsets = [6], sizes = [1], strides = [1]} : vector<16xf32> to vector<1xf32>
      %squeeze3A_490 = vector.extract %slice3A_489[0] : f32 from vector<1xf32>
      %add3A_491 = arith.addf %add3A_488, %squeeze3A_490 : f32
      %slice3A_492 = vector.extract_strided_slice %add3A_471 {offsets = [7], sizes = [1], strides = [1]} : vector<16xf32> to vector<1xf32>
      %squeeze3A_493 = vector.extract %slice3A_492[0] : f32 from vector<1xf32>
      %add3A_494 = arith.addf %add3A_491, %squeeze3A_493 : f32
      %slice3A_495 = vector.extract_strided_slice %add3A_471 {offsets = [8], sizes = [1], strides = [1]} : vector<16xf32> to vector<1xf32>
      %squeeze3A_496 = vector.extract %slice3A_495[0] : f32 from vector<1xf32>
      %add3A_497 = arith.addf %add3A_494, %squeeze3A_496 : f32
      %slice3A_498 = vector.extract_strided_slice %add3A_471 {offsets = [9], sizes = [1], strides = [1]} : vector<16xf32> to vector<1xf32>
      %squeeze3A_499 = vector.extract %slice3A_498[0] : f32 from vector<1xf32>
      %add3A_500 = arith.addf %add3A_497, %squeeze3A_499 : f32
      %slice3A_501 = vector.extract_strided_slice %add3A_471 {offsets = [10], sizes = [1], strides = [1]} : vector<16xf32> to vector<1xf32>
      %squeeze3A_502 = vector.extract %slice3A_501[0] : f32 from vector<1xf32>
      %add3A_503 = arith.addf %add3A_500, %squeeze3A_502 : f32
      %slice3A_504 = vector.extract_strided_slice %add3A_471 {offsets = [11], sizes = [1], strides = [1]} : vector<16xf32> to vector<1xf32>
      %squeeze3A_505 = vector.extract %slice3A_504[0] : f32 from vector<1xf32>
      %add3A_506 = arith.addf %add3A_503, %squeeze3A_505 : f32
      %slice3A_507 = vector.extract_strided_slice %add3A_471 {offsets = [12], sizes = [1], strides = [1]} : vector<16xf32> to vector<1xf32>
      %squeeze3A_508 = vector.extract %slice3A_507[0] : f32 from vector<1xf32>
      %add3A_509 = arith.addf %add3A_506, %squeeze3A_508 : f32
      %slice3A_510 = vector.extract_strided_slice %add3A_471 {offsets = [13], sizes = [1], strides = [1]} : vector<16xf32> to vector<1xf32>
      %squeeze3A_511 = vector.extract %slice3A_510[0] : f32 from vector<1xf32>
      %add3A_512 = arith.addf %add3A_509, %squeeze3A_511 : f32
      %slice3A_513 = vector.extract_strided_slice %add3A_471 {offsets = [14], sizes = [1], strides = [1]} : vector<16xf32> to vector<1xf32>
      %squeeze3A_514 = vector.extract %slice3A_513[0] : f32 from vector<1xf32>
      %add3A_515 = arith.addf %add3A_512, %squeeze3A_514 : f32
      %slice3A_516 = vector.extract_strided_slice %add3A_471 {offsets = [15], sizes = [1], strides = [1]} : vector<16xf32> to vector<1xf32>
      %squeeze3A_517 = vector.extract %slice3A_516[0] : f32 from vector<1xf32>
      %add3A_518 = arith.addf %add3A_515, %squeeze3A_517 : f32
      %get3A_519 = arith.constant 80 : index
      %get3A_520 = tpu.vector_load %arg12[%get3A_519] {strides = array<i32>} : memref<768xf32, #tpu.memory_space<vmem>>, vector<16xf32>,
      %get3A_521 = arith.constant 176 : index
      %get3A_522 = tpu.vector_load %arg12[%get3A_521] {strides = array<i32>} : memref<768xf32, #tpu.memory_space<vmem>>, vector<16xf32>,
      %add3A_523 = arith.addf %get3A_520, %get3A_522 : vector<16xf32>
      %get3A_524 = arith.constant 272 : index
      %get3A_525 = tpu.vector_load %arg12[%get3A_524] {strides = array<i32>} : memref<768xf32, #tpu.memory_space<vmem>>, vector<16xf32>,
      %add3A_526 = arith.addf %add3A_523, %get3A_525 : vector<16xf32>
      %get3A_527 = arith.constant 368 : index
      %get3A_528 = tpu.vector_load %arg12[%get3A_527] {strides = array<i32>} : memref<768xf32, #tpu.memory_space<vmem>>, vector<16xf32>,
      %add3A_529 = arith.addf %add3A_526, %get3A_528 : vector<16xf32>
      %get3A_530 = arith.constant 464 : index
      %get3A_531 = tpu.vector_load %arg12[%get3A_530] {strides = array<i32>} : memref<768xf32, #tpu.memory_space<vmem>>, vector<16xf32>,
      %add3A_532 = arith.addf %add3A_529, %get3A_531 : vector<16xf32>
      %get3A_533 = arith.constant 560 : index
      %get3A_534 = tpu.vector_load %arg12[%get3A_533] {strides = array<i32>} : memref<768xf32, #tpu.memory_space<vmem>>, vector<16xf32>,
      %add3A_535 = arith.addf %add3A_532, %get3A_534 : vector<16xf32>
      %get3A_536 = arith.constant 656 : index
      %get3A_537 = tpu.vector_load %arg12[%get3A_536] {strides = array<i32>} : memref<768xf32, #tpu.memory_space<vmem>>, vector<16xf32>,
      %add3A_538 = arith.addf %add3A_535, %get3A_537 : vector<16xf32>
      %get3A_539 = arith.constant 752 : index
      %get3A_540 = tpu.vector_load %arg12[%get3A_539] {strides = array<i32>} : memref<768xf32, #tpu.memory_space<vmem>>, vector<16xf32>,
      %add3A_541 = arith.addf %add3A_538, %get3A_540 : vector<16xf32>
      %slice3A_542 = vector.extract_strided_slice %add3A_541 {offsets = [0], sizes = [1], strides = [1]} : vector<16xf32> to vector<1xf32>
      %squeeze3A_543 = vector.extract %slice3A_542[0] : f32 from vector<1xf32>
      %slice3A_544 = vector.extract_strided_slice %add3A_541 {offsets = [1], sizes = [1], strides = [1]} : vector<16xf32> to vector<1xf32>
      %squeeze3A_545 = vector.extract %slice3A_544[0] : f32 from vector<1xf32>
      %add3A_546 = arith.addf %squeeze3A_543, %squeeze3A_545 : f32
      %slice3A_547 = vector.extract_strided_slice %add3A_541 {offsets = [2], sizes = [1], strides = [1]} : vector<16xf32> to vector<1xf32>
      %squeeze3A_548 = vector.extract %slice3A_547[0] : f32 from vector<1xf32>
      %add3A_549 = arith.addf %add3A_546, %squeeze3A_548 : f32
      %slice3A_550 = vector.extract_strided_slice %add3A_541 {offsets = [3], sizes = [1], strides = [1]} : vector<16xf32> to vector<1xf32>
      %squeeze3A_551 = vector.extract %slice3A_550[0] : f32 from vector<1xf32>
      %add3A_552 = arith.addf %add3A_549, %squeeze3A_551 : f32
      %slice3A_553 = vector.extract_strided_slice %add3A_541 {offsets = [4], sizes = [1], strides = [1]} : vector<16xf32> to vector<1xf32>
      %squeeze3A_554 = vector.extract %slice3A_553[0] : f32 from vector<1xf32>
      %add3A_555 = arith.addf %add3A_552, %squeeze3A_554 : f32
      %slice3A_556 = vector.extract_strided_slice %add3A_541 {offsets = [5], sizes = [1], strides = [1]} : vector<16xf32> to vector<1xf32>
      %squeeze3A_557 = vector.extract %slice3A_556[0] : f32 from vector<1xf32>
      %add3A_558 = arith.addf %add3A_555, %squeeze3A_557 : f32
      %slice3A_559 = vector.extract_strided_slice %add3A_541 {offsets = [6], sizes = [1], strides = [1]} : vector<16xf32> to vector<1xf32>
      %squeeze3A_560 = vector.extract %slice3A_559[0] : f32 from vector<1xf32>
      %add3A_561 = arith.addf %add3A_558, %squeeze3A_560 : f32
      %slice3A_562 = vector.extract_strided_slice %add3A_541 {offsets = [7], sizes = [1], strides = [1]} : vector<16xf32> to vector<1xf32>
      %squeeze3A_563 = vector.extract %slice3A_562[0] : f32 from vector<1xf32>
      %add3A_564 = arith.addf %add3A_561, %squeeze3A_563 : f32
      %slice3A_565 = vector.extract_strided_slice %add3A_541 {offsets = [8], sizes = [1], strides = [1]} : vector<16xf32> to vector<1xf32>
      %squeeze3A_566 = vector.extract %slice3A_565[0] : f32 from vector<1xf32>
      %add3A_567 = arith.addf %add3A_564, %squeeze3A_566 : f32
      %slice3A_568 = vector.extract_strided_slice %add3A_541 {offsets = [9], sizes = [1], strides = [1]} : vector<16xf32> to vector<1xf32>
      %squeeze3A_569 = vector.extract %slice3A_568[0] : f32 from vector<1xf32>
      %add3A_570 = arith.addf %add3A_567, %squeeze3A_569 : f32
      %slice3A_571 = vector.extract_strided_slice %add3A_541 {offsets = [10], sizes = [1], strides = [1]} : vector<16xf32> to vector<1xf32>
      %squeeze3A_572 = vector.extract %slice3A_571[0] : f32 from vector<1xf32>
      %add3A_573 = arith.addf %add3A_570, %squeeze3A_572 : f32
      %slice3A_574 = vector.extract_strided_slice %add3A_541 {offsets = [11], sizes = [1], strides = [1]} : vector<16xf32> to vector<1xf32>
      %squeeze3A_575 = vector.extract %slice3A_574[0] : f32 from vector<1xf32>
      %add3A_576 = arith.addf %add3A_573, %squeeze3A_575 : f32
      %slice3A_577 = vector.extract_strided_slice %add3A_541 {offsets = [12], sizes = [1], strides = [1]} : vector<16xf32> to vector<1xf32>
      %squeeze3A_578 = vector.extract %slice3A_577[0] : f32 from vector<1xf32>
      %add3A_579 = arith.addf %add3A_576, %squeeze3A_578 : f32
      %slice3A_580 = vector.extract_strided_slice %add3A_541 {offsets = [13], sizes = [1], strides = [1]} : vector<16xf32> to vector<1xf32>
      %squeeze3A_581 = vector.extract %slice3A_580[0] : f32 from vector<1xf32>
      %add3A_582 = arith.addf %add3A_579, %squeeze3A_581 : f32
      %slice3A_583 = vector.extract_strided_slice %add3A_541 {offsets = [14], sizes = [1], strides = [1]} : vector<16xf32> to vector<1xf32>
      %squeeze3A_584 = vector.extract %slice3A_583[0] : f32 from vector<1xf32>
      %add3A_585 = arith.addf %add3A_582, %squeeze3A_584 : f32
      %slice3A_586 = vector.extract_strided_slice %add3A_541 {offsets = [15], sizes = [1], strides = [1]} : vector<16xf32> to vector<1xf32>
      %squeeze3A_587 = vector.extract %slice3A_586[0] : f32 from vector<1xf32>
      %add3A_588 = arith.addf %add3A_585, %squeeze3A_587 : f32
      %swap3A_589 = arith.constant 0 : index
      %swap3A_590 = tpu.vector_load %arg12[%swap3A_589] {strides = array<i32>} : memref<768xf32, #tpu.memory_space<vmem>>, vector<16xf32>,
      tpu.vector_store %arg12[%swap3A_589], %broadcast_in_dim3A_1 {strides = array<i32>} : memref<768xf32, #tpu.memory_space<vmem>>, vector<16xf32>,
      %swap3A_591 = arith.constant 16 : index
      %swap3A_592 = tpu.vector_load %arg12[%swap3A_591] {strides = array<i32>} : memref<768xf32, #tpu.memory_space<vmem>>, vector<16xf32>,
      tpu.vector_store %arg12[%swap3A_591], %broadcast_in_dim3A_1 {strides = array<i32>} : memref<768xf32, #tpu.memory_space<vmem>>, vector<16xf32>,
      %swap3A_593 = arith.constant 32 : index
      %swap3A_594 = tpu.vector_load %arg12[%swap3A_593] {strides = array<i32>} : memref<768xf32, #tpu.memory_space<vmem>>, vector<16xf32>,
      tpu.vector_store %arg12[%swap3A_593], %broadcast_in_dim3A_1 {strides = array<i32>} : memref<768xf32, #tpu.memory_space<vmem>>, vector<16xf32>,
      %swap3A_595 = arith.constant 48 : index
      %swap3A_596 = tpu.vector_load %arg12[%swap3A_595] {strides = array<i32>} : memref<768xf32, #tpu.memory_space<vmem>>, vector<16xf32>,
      tpu.vector_store %arg12[%swap3A_595], %broadcast_in_dim3A_1 {strides = array<i32>} : memref<768xf32, #tpu.memory_space<vmem>>, vector<16xf32>,
      %swap3A_597 = arith.constant 64 : index
      %swap3A_598 = tpu.vector_load %arg12[%swap3A_597] {strides = array<i32>} : memref<768xf32, #tpu.memory_space<vmem>>, vector<16xf32>,
      tpu.vector_store %arg12[%swap3A_597], %broadcast_in_dim3A_1 {strides = array<i32>} : memref<768xf32, #tpu.memory_space<vmem>>, vector<16xf32>,
      %swap3A_599 = arith.constant 80 : index
      %swap3A_600 = tpu.vector_load %arg12[%swap3A_599] {strides = array<i32>} : memref<768xf32, #tpu.memory_space<vmem>>, vector<16xf32>,
      tpu.vector_store %arg12[%swap3A_599], %broadcast_in_dim3A_1 {strides = array<i32>} : memref<768xf32, #tpu.memory_space<vmem>>, vector<16xf32>,
      %swap3A_601 = arith.constant 96 : index
      %swap3A_602 = tpu.vector_load %arg12[%swap3A_601] {strides = array<i32>} : memref<768xf32, #tpu.memory_space<vmem>>, vector<16xf32>,
      tpu.vector_store %arg12[%swap3A_601], %broadcast_in_dim3A_1 {strides = array<i32>} : memref<768xf32, #tpu.memory_space<vmem>>, vector<16xf32>,
      %swap3A_603 = arith.constant 112 : index
      %swap3A_604 = tpu.vector_load %arg12[%swap3A_603] {strides = array<i32>} : memref<768xf32, #tpu.memory_space<vmem>>, vector<16xf32>,
      tpu.vector_store %arg12[%swap3A_603], %broadcast_in_dim3A_1 {strides = array<i32>} : memref<768xf32, #tpu.memory_space<vmem>>, vector<16xf32>,
      %swap3A_605 = arith.constant 128 : index
      %swap3A_606 = tpu.vector_load %arg12[%swap3A_605] {strides = array<i32>} : memref<768xf32, #tpu.memory_space<vmem>>, vector<16xf32>,
      tpu.vector_store %arg12[%swap3A_605], %broadcast_in_dim3A_1 {strides = array<i32>} : memref<768xf32, #tpu.memory_space<vmem>>, vector<16xf32>,
      %swap3A_607 = arith.constant 144 : index
      %swap3A_608 = tpu.vector_load %arg12[%swap3A_607] {strides = array<i32>} : memref<768xf32, #tpu.memory_space<vmem>>, vector<16xf32>,
      tpu.vector_store %arg12[%swap3A_607], %broadcast_in_dim3A_1 {strides = array<i32>} : memref<768xf32, #tpu.memory_space<vmem>>, vector<16xf32>,
      %swap3A_609 = arith.constant 160 : index
      %swap3A_610 = tpu.vector_load %arg12[%swap3A_609] {strides = array<i32>} : memref<768xf32, #tpu.memory_space<vmem>>, vector<16xf32>,
      tpu.vector_store %arg12[%swap3A_609], %broadcast_in_dim3A_1 {strides = array<i32>} : memref<768xf32, #tpu.memory_space<vmem>>, vector<16xf32>,
      %swap3A_611 = arith.constant 176 : index
      %swap3A_612 = tpu.vector_load %arg12[%swap3A_611] {strides = array<i32>} : memref<768xf32, #tpu.memory_space<vmem>>, vector<16xf32>,
      tpu.vector_store %arg12[%swap3A_611], %broadcast_in_dim3A_1 {strides = array<i32>} : memref<768xf32, #tpu.memory_space<vmem>>, vector<16xf32>,
      %swap3A_613 = arith.constant 192 : index
      %swap3A_614 = tpu.vector_load %arg12[%swap3A_613] {strides = array<i32>} : memref<768xf32, #tpu.memory_space<vmem>>, vector<16xf32>,
      tpu.vector_store %arg12[%swap3A_613], %broadcast_in_dim3A_1 {strides = array<i32>} : memref<768xf32, #tpu.memory_space<vmem>>, vector<16xf32>,
      %swap3A_615 = arith.constant 208 : index
      %swap3A_616 = tpu.vector_load %arg12[%swap3A_615] {strides = array<i32>} : memref<768xf32, #tpu.memory_space<vmem>>, vector<16xf32>,
      tpu.vector_store %arg12[%swap3A_615], %broadcast_in_dim3A_1 {strides = array<i32>} : memref<768xf32, #tpu.memory_space<vmem>>, vector<16xf32>,
      %swap3A_617 = arith.constant 224 : index
      %swap3A_618 = tpu.vector_load %arg12[%swap3A_617] {strides = array<i32>} : memref<768xf32, #tpu.memory_space<vmem>>, vector<16xf32>,
      tpu.vector_store %arg12[%swap3A_617], %broadcast_in_dim3A_1 {strides = array<i32>} : memref<768xf32, #tpu.memory_space<vmem>>, vector<16xf32>,
      %swap3A_619 = arith.constant 240 : index
      %swap3A_620 = tpu.vector_load %arg12[%swap3A_619] {strides = array<i32>} : memref<768xf32, #tpu.memory_space<vmem>>, vector<16xf32>,
      tpu.vector_store %arg12[%swap3A_619], %broadcast_in_dim3A_1 {strides = array<i32>} : memref<768xf32, #tpu.memory_space<vmem>>, vector<16xf32>,
      %swap3A_621 = arith.constant 256 : index
      %swap3A_622 = tpu.vector_load %arg12[%swap3A_621] {strides = array<i32>} : memref<768xf32, #tpu.memory_space<vmem>>, vector<16xf32>,
      tpu.vector_store %arg12[%swap3A_621], %broadcast_in_dim3A_1 {strides = array<i32>} : memref<768xf32, #tpu.memory_space<vmem>>, vector<16xf32>,
      %swap3A_623 = arith.constant 272 : index
      %swap3A_624 = tpu.vector_load %arg12[%swap3A_623] {strides = array<i32>} : memref<768xf32, #tpu.memory_space<vmem>>, vector<16xf32>,
      tpu.vector_store %arg12[%swap3A_623], %broadcast_in_dim3A_1 {strides = array<i32>} : memref<768xf32, #tpu.memory_space<vmem>>, vector<16xf32>,
      %swap3A_625 = arith.constant 288 : index
      %swap3A_626 = tpu.vector_load %arg12[%swap3A_625] {strides = array<i32>} : memref<768xf32, #tpu.memory_space<vmem>>, vector<16xf32>,
      tpu.vector_store %arg12[%swap3A_625], %broadcast_in_dim3A_1 {strides = array<i32>} : memref<768xf32, #tpu.memory_space<vmem>>, vector<16xf32>,
      %swap3A_627 = arith.constant 304 : index
      %swap3A_628 = tpu.vector_load %arg12[%swap3A_627] {strides = array<i32>} : memref<768xf32, #tpu.memory_space<vmem>>, vector<16xf32>,
      tpu.vector_store %arg12[%swap3A_627], %broadcast_in_dim3A_1 {strides = array<i32>} : memref<768xf32, #tpu.memory_space<vmem>>, vector<16xf32>,
      %swap3A_629 = arith.constant 320 : index
      %swap3A_630 = tpu.vector_load %arg12[%swap3A_629] {strides = array<i32>} : memref<768xf32, #tpu.memory_space<vmem>>, vector<16xf32>,
      tpu.vector_store %arg12[%swap3A_629], %broadcast_in_dim3A_1 {strides = array<i32>} : memref<768xf32, #tpu.memory_space<vmem>>, vector<16xf32>,
      %swap3A_631 = arith.constant 336 : index
      %swap3A_632 = tpu.vector_load %arg12[%swap3A_631] {strides = array<i32>} : memref<768xf32, #tpu.memory_space<vmem>>, vector<16xf32>,
      tpu.vector_store %arg12[%swap3A_631], %broadcast_in_dim3A_1 {strides = array<i32>} : memref<768xf32, #tpu.memory_space<vmem>>, vector<16xf32>,
      %swap3A_633 = arith.constant 352 : index
      %swap3A_634 = tpu.vector_load %arg12[%swap3A_633] {strides = array<i32>} : memref<768xf32, #tpu.memory_space<vmem>>, vector<16xf32>,
      tpu.vector_store %arg12[%swap3A_633], %broadcast_in_dim3A_1 {strides = array<i32>} : memref<768xf32, #tpu.memory_space<vmem>>, vector<16xf32>,
      %swap3A_635 = arith.constant 368 : index
      %swap3A_636 = tpu.vector_load %arg12[%swap3A_635] {strides = array<i32>} : memref<768xf32, #tpu.memory_space<vmem>>, vector<16xf32>,
      tpu.vector_store %arg12[%swap3A_635], %broadcast_in_dim3A_1 {strides = array<i32>} : memref<768xf32, #tpu.memory_space<vmem>>, vector<16xf32>,
      %swap3A_637 = arith.constant 384 : index
      %swap3A_638 = tpu.vector_load %arg12[%swap3A_637] {strides = array<i32>} : memref<768xf32, #tpu.memory_space<vmem>>, vector<16xf32>,
      tpu.vector_store %arg12[%swap3A_637], %broadcast_in_dim3A_1 {strides = array<i32>} : memref<768xf32, #tpu.memory_space<vmem>>, vector<16xf32>,
      %swap3A_639 = arith.constant 400 : index
      %swap3A_640 = tpu.vector_load %arg12[%swap3A_639] {strides = array<i32>} : memref<768xf32, #tpu.memory_space<vmem>>, vector<16xf32>,
      tpu.vector_store %arg12[%swap3A_639], %broadcast_in_dim3A_1 {strides = array<i32>} : memref<768xf32, #tpu.memory_space<vmem>>, vector<16xf32>,
      %swap3A_641 = arith.constant 416 : index
      %swap3A_642 = tpu.vector_load %arg12[%swap3A_641] {strides = array<i32>} : memref<768xf32, #tpu.memory_space<vmem>>, vector<16xf32>,
      tpu.vector_store %arg12[%swap3A_641], %broadcast_in_dim3A_1 {strides = array<i32>} : memref<768xf32, #tpu.memory_space<vmem>>, vector<16xf32>,
      %swap3A_643 = arith.constant 432 : index
      %swap3A_644 = tpu.vector_load %arg12[%swap3A_643] {strides = array<i32>} : memref<768xf32, #tpu.memory_space<vmem>>, vector<16xf32>,
      tpu.vector_store %arg12[%swap3A_643], %broadcast_in_dim3A_1 {strides = array<i32>} : memref<768xf32, #tpu.memory_space<vmem>>, vector<16xf32>,
      %swap3A_645 = arith.constant 448 : index
      %swap3A_646 = tpu.vector_load %arg12[%swap3A_645] {strides = array<i32>} : memref<768xf32, #tpu.memory_space<vmem>>, vector<16xf32>,
      tpu.vector_store %arg12[%swap3A_645], %broadcast_in_dim3A_1 {strides = array<i32>} : memref<768xf32, #tpu.memory_space<vmem>>, vector<16xf32>,
      %swap3A_647 = arith.constant 464 : index
      %swap3A_648 = tpu.vector_load %arg12[%swap3A_647] {strides = array<i32>} : memref<768xf32, #tpu.memory_space<vmem>>, vector<16xf32>,
      tpu.vector_store %arg12[%swap3A_647], %broadcast_in_dim3A_1 {strides = array<i32>} : memref<768xf32, #tpu.memory_space<vmem>>, vector<16xf32>,
      %swap3A_649 = arith.constant 480 : index
      %swap3A_650 = tpu.vector_load %arg12[%swap3A_649] {strides = array<i32>} : memref<768xf32, #tpu.memory_space<vmem>>, vector<16xf32>,
      tpu.vector_store %arg12[%swap3A_649], %broadcast_in_dim3A_1 {strides = array<i32>} : memref<768xf32, #tpu.memory_space<vmem>>, vector<16xf32>,
      %swap3A_651 = arith.constant 496 : index
      %swap3A_652 = tpu.vector_load %arg12[%swap3A_651] {strides = array<i32>} : memref<768xf32, #tpu.memory_space<vmem>>, vector<16xf32>,
      tpu.vector_store %arg12[%swap3A_651], %broadcast_in_dim3A_1 {strides = array<i32>} : memref<768xf32, #tpu.memory_space<vmem>>, vector<16xf32>,
      %swap3A_653 = arith.constant 512 : index
      %swap3A_654 = tpu.vector_load %arg12[%swap3A_653] {strides = array<i32>} : memref<768xf32, #tpu.memory_space<vmem>>, vector<16xf32>,
      tpu.vector_store %arg12[%swap3A_653], %broadcast_in_dim3A_1 {strides = array<i32>} : memref<768xf32, #tpu.memory_space<vmem>>, vector<16xf32>,
      %swap3A_655 = arith.constant 528 : index
      %swap3A_656 = tpu.vector_load %arg12[%swap3A_655] {strides = array<i32>} : memref<768xf32, #tpu.memory_space<vmem>>, vector<16xf32>,
      tpu.vector_store %arg12[%swap3A_655], %broadcast_in_dim3A_1 {strides = array<i32>} : memref<768xf32, #tpu.memory_space<vmem>>, vector<16xf32>,
      %swap3A_657 = arith.constant 544 : index
      %swap3A_658 = tpu.vector_load %arg12[%swap3A_657] {strides = array<i32>} : memref<768xf32, #tpu.memory_space<vmem>>, vector<16xf32>,
      tpu.vector_store %arg12[%swap3A_657], %broadcast_in_dim3A_1 {strides = array<i32>} : memref<768xf32, #tpu.memory_space<vmem>>, vector<16xf32>,
      %swap3A_659 = arith.constant 560 : index
      %swap3A_660 = tpu.vector_load %arg12[%swap3A_659] {strides = array<i32>} : memref<768xf32, #tpu.memory_space<vmem>>, vector<16xf32>,
      tpu.vector_store %arg12[%swap3A_659], %broadcast_in_dim3A_1 {strides = array<i32>} : memref<768xf32, #tpu.memory_space<vmem>>, vector<16xf32>,
      %swap3A_661 = arith.constant 576 : index
      %swap3A_662 = tpu.vector_load %arg12[%swap3A_661] {strides = array<i32>} : memref<768xf32, #tpu.memory_space<vmem>>, vector<16xf32>,
      tpu.vector_store %arg12[%swap3A_661], %broadcast_in_dim3A_1 {strides = array<i32>} : memref<768xf32, #tpu.memory_space<vmem>>, vector<16xf32>,
      %swap3A_663 = arith.constant 592 : index
      %swap3A_664 = tpu.vector_load %arg12[%swap3A_663] {strides = array<i32>} : memref<768xf32, #tpu.memory_space<vmem>>, vector<16xf32>,
      tpu.vector_store %arg12[%swap3A_663], %broadcast_in_dim3A_1 {strides = array<i32>} : memref<768xf32, #tpu.memory_space<vmem>>, vector<16xf32>,
      %swap3A_665 = arith.constant 608 : index
      %swap3A_666 = tpu.vector_load %arg12[%swap3A_665] {strides = array<i32>} : memref<768xf32, #tpu.memory_space<vmem>>, vector<16xf32>,
      tpu.vector_store %arg12[%swap3A_665], %broadcast_in_dim3A_1 {strides = array<i32>} : memref<768xf32, #tpu.memory_space<vmem>>, vector<16xf32>,
      %swap3A_667 = arith.constant 624 : index
      %swap3A_668 = tpu.vector_load %arg12[%swap3A_667] {strides = array<i32>} : memref<768xf32, #tpu.memory_space<vmem>>, vector<16xf32>,
      tpu.vector_store %arg12[%swap3A_667], %broadcast_in_dim3A_1 {strides = array<i32>} : memref<768xf32, #tpu.memory_space<vmem>>, vector<16xf32>,
      %swap3A_669 = arith.constant 640 : index
      %swap3A_670 = tpu.vector_load %arg12[%swap3A_669] {strides = array<i32>} : memref<768xf32, #tpu.memory_space<vmem>>, vector<16xf32>,
      tpu.vector_store %arg12[%swap3A_669], %broadcast_in_dim3A_1 {strides = array<i32>} : memref<768xf32, #tpu.memory_space<vmem>>, vector<16xf32>,
      %swap3A_671 = arith.constant 656 : index
      %swap3A_672 = tpu.vector_load %arg12[%swap3A_671] {strides = array<i32>} : memref<768xf32, #tpu.memory_space<vmem>>, vector<16xf32>,
      tpu.vector_store %arg12[%swap3A_671], %broadcast_in_dim3A_1 {strides = array<i32>} : memref<768xf32, #tpu.memory_space<vmem>>, vector<16xf32>,
      %swap3A_673 = arith.constant 672 : index
      %swap3A_674 = tpu.vector_load %arg12[%swap3A_673] {strides = array<i32>} : memref<768xf32, #tpu.memory_space<vmem>>, vector<16xf32>,
      tpu.vector_store %arg12[%swap3A_673], %broadcast_in_dim3A_1 {strides = array<i32>} : memref<768xf32, #tpu.memory_space<vmem>>, vector<16xf32>,
      %swap3A_675 = arith.constant 688 : index
      %swap3A_676 = tpu.vector_load %arg12[%swap3A_675] {strides = array<i32>} : memref<768xf32, #tpu.memory_space<vmem>>, vector<16xf32>,
      tpu.vector_store %arg12[%swap3A_675], %broadcast_in_dim3A_1 {strides = array<i32>} : memref<768xf32, #tpu.memory_space<vmem>>, vector<16xf32>,
      %swap3A_677 = arith.constant 704 : index
      %swap3A_678 = tpu.vector_load %arg12[%swap3A_677] {strides = array<i32>} : memref<768xf32, #tpu.memory_space<vmem>>, vector<16xf32>,
      tpu.vector_store %arg12[%swap3A_677], %broadcast_in_dim3A_1 {strides = array<i32>} : memref<768xf32, #tpu.memory_space<vmem>>, vector<16xf32>,
      %swap3A_679 = arith.constant 720 : index
      %swap3A_680 = tpu.vector_load %arg12[%swap3A_679] {strides = array<i32>} : memref<768xf32, #tpu.memory_space<vmem>>, vector<16xf32>,
      tpu.vector_store %arg12[%swap3A_679], %broadcast_in_dim3A_1 {strides = array<i32>} : memref<768xf32, #tpu.memory_space<vmem>>, vector<16xf32>,
      %swap3A_681 = arith.constant 736 : index
      %swap3A_682 = tpu.vector_load %arg12[%swap3A_681] {strides = array<i32>} : memref<768xf32, #tpu.memory_space<vmem>>, vector<16xf32>,
      tpu.vector_store %arg12[%swap3A_681], %broadcast_in_dim3A_1 {strides = array<i32>} : memref<768xf32, #tpu.memory_space<vmem>>, vector<16xf32>,
      %swap3A_683 = arith.constant 752 : index
      %swap3A_684 = tpu.vector_load %arg12[%swap3A_683] {strides = array<i32>} : memref<768xf32, #tpu.memory_space<vmem>>, vector<16xf32>,
      tpu.vector_store %arg12[%swap3A_683], %broadcast_in_dim3A_1 {strides = array<i32>} : memref<768xf32, #tpu.memory_space<vmem>>, vector<16xf32>,
      %mul3A_685 = arith.constant 3.05157155E-4 : f32
      %mul3A_686 = arith.mulf %add3A_238, %mul3A_685 : f32
      %mul3A_687 = arith.constant 1.03156592E-4 : f32
      %mul3A_688 = arith.mulf %add3A_308, %mul3A_687 : f32
      %mul3A_689 = arith.constant 6.21002328E-5 : f32
      %mul3A_690 = arith.mulf %add3A_378, %mul3A_689 : f32
      %mul3A_691 = arith.constant 4.43754143E-5 : f32
      %mul3A_692 = arith.mulf %add3A_448, %mul3A_691 : f32
      %mul3A_693 = arith.constant 5.56018895E-5 : f32
      %mul3A_694 = arith.mulf %add3A_518, %mul3A_693 : f32
      %mul3A_695 = arith.constant 2.21336872E-4 : f32
      %mul3A_696 = arith.mulf %add3A_588, %mul3A_695 : f32
      %get3A_697 = arith.constant 0 : index
      %get3A_698 = tpu.vector_load %arg15[%get3A_697] {strides = array<i32>} : memref<128xf32, #tpu.memory_space<vmem>>, vector<16xf32>,
      %get3A_699 = arith.constant 0 : index
      %get3A_700 = tpu.vector_load %arg14[%get3A_699] {strides = array<i32>} : memref<768xf32, #tpu.memory_space<vmem>>, vector<16xf32>,
      %mul3A_701 = vector.broadcast %mul3A_686 : f32 to vector<16xf32>
      %mul3A_702 = arith.mulf %mul3A_701, %get3A_700 : vector<16xf32>
      %add3A_703 = arith.addf %get3A_698, %mul3A_702 : vector<16xf32>
      %get3A_704 = arith.constant 128 : index
      %get3A_705 = tpu.vector_load %arg14[%get3A_704] {strides = array<i32>} : memref<768xf32, #tpu.memory_space<vmem>>, vector<16xf32>,
      %mul3A_706 = vector.broadcast %mul3A_688 : f32 to vector<16xf32>
      %mul3A_707 = arith.mulf %mul3A_706, %get3A_705 : vector<16xf32>
      %add3A_708 = arith.addf %add3A_703, %mul3A_707 : vector<16xf32>
      %get3A_709 = arith.constant 256 : index
      %get3A_710 = tpu.vector_load %arg14[%get3A_709] {strides = array<i32>} : memref<768xf32, #tpu.memory_space<vmem>>, vector<16xf32>,
      %mul3A_711 = vector.broadcast %mul3A_690 : f32 to vector<16xf32>
      %mul3A_712 = arith.mulf %mul3A_711, %get3A_710 : vector<16xf32>
      %add3A_713 = arith.addf %add3A_708, %mul3A_712 : vector<16xf32>
      %get3A_714 = arith.constant 384 : index
      %get3A_715 = tpu.vector_load %arg14[%get3A_714] {strides = array<i32>} : memref<768xf32, #tpu.memory_space<vmem>>, vector<16xf32>,
      %mul3A_716 = vector.broadcast %mul3A_692 : f32 to vector<16xf32>
      %mul3A_717 = arith.mulf %mul3A_716, %get3A_715 : vector<16xf32>
      %add3A_718 = arith.addf %add3A_713, %mul3A_717 : vector<16xf32>
      %get3A_719 = arith.constant 512 : index
      %get3A_720 = tpu.vector_load %arg14[%get3A_719] {strides = array<i32>} : memref<768xf32, #tpu.memory_space<vmem>>, vector<16xf32>,
      %mul3A_721 = vector.broadcast %mul3A_694 : f32 to vector<16xf32>
      %mul3A_722 = arith.mulf %mul3A_721, %get3A_720 : vector<16xf32>
      %add3A_723 = arith.addf %add3A_718, %mul3A_722 : vector<16xf32>
      %get3A_724 = arith.constant 640 : index
      %get3A_725 = tpu.vector_load %arg14[%get3A_724] {strides = array<i32>} : memref<768xf32, #tpu.memory_space<vmem>>, vector<16xf32>,
      %mul3A_726 = vector.broadcast %mul3A_696 : f32 to vector<16xf32>
      %mul3A_727 = arith.mulf %mul3A_726, %get3A_725 : vector<16xf32>
      %add3A_728 = arith.addf %add3A_723, %mul3A_727 : vector<16xf32>
      %max3A = arith.constant 0.000000e+00 : f32
      %max3A_729 = vector.broadcast %max3A : f32 to vector<16xf32>
      %max3A_730 = arith.maximumf %add3A_728, %max3A_729 : vector<16xf32>
      %get3A_731 = arith.constant 16 : index
      %get3A_732 = tpu.vector_load %arg15[%get3A_731] {strides = array<i32>} : memref<128xf32, #tpu.memory_space<vmem>>, vector<16xf32>,
      %get3A_733 = arith.constant 16 : index
      %get3A_734 = tpu.vector_load %arg14[%get3A_733] {strides = array<i32>} : memref<768xf32, #tpu.memory_space<vmem>>, vector<16xf32>,
      %mul3A_735 = vector.broadcast %mul3A_686 : f32 to vector<16xf32>
      %mul3A_736 = arith.mulf %mul3A_735, %get3A_734 : vector<16xf32>
      %add3A_737 = arith.addf %get3A_732, %mul3A_736 : vector<16xf32>
      %get3A_738 = arith.constant 144 : index
      %get3A_739 = tpu.vector_load %arg14[%get3A_738] {strides = array<i32>} : memref<768xf32, #tpu.memory_space<vmem>>, vector<16xf32>,
      %mul3A_740 = vector.broadcast %mul3A_688 : f32 to vector<16xf32>
      %mul3A_741 = arith.mulf %mul3A_740, %get3A_739 : vector<16xf32>
      %add3A_742 = arith.addf %add3A_737, %mul3A_741 : vector<16xf32>
      %get3A_743 = arith.constant 272 : index
      %get3A_744 = tpu.vector_load %arg14[%get3A_743] {strides = array<i32>} : memref<768xf32, #tpu.memory_space<vmem>>, vector<16xf32>,
      %mul3A_745 = vector.broadcast %mul3A_690 : f32 to vector<16xf32>
      %mul3A_746 = arith.mulf %mul3A_745, %get3A_744 : vector<16xf32>
      %add3A_747 = arith.addf %add3A_742, %mul3A_746 : vector<16xf32>
      %get3A_748 = arith.constant 400 : index
      %get3A_749 = tpu.vector_load %arg14[%get3A_748] {strides = array<i32>} : memref<768xf32, #tpu.memory_space<vmem>>, vector<16xf32>,
      %mul3A_750 = vector.broadcast %mul3A_692 : f32 to vector<16xf32>
      %mul3A_751 = arith.mulf %mul3A_750, %get3A_749 : vector<16xf32>
      %add3A_752 = arith.addf %add3A_747, %mul3A_751 : vector<16xf32>
      %get3A_753 = arith.constant 528 : index
      %get3A_754 = tpu.vector_load %arg14[%get3A_753] {strides = array<i32>} : memref<768xf32, #tpu.memory_space<vmem>>, vector<16xf32>,
      %mul3A_755 = vector.broadcast %mul3A_694 : f32 to vector<16xf32>
      %mul3A_756 = arith.mulf %mul3A_755, %get3A_754 : vector<16xf32>
      %add3A_757 = arith.addf %add3A_752, %mul3A_756 : vector<16xf32>
      %get3A_758 = arith.constant 656 : index
      %get3A_759 = tpu.vector_load %arg14[%get3A_758] {strides = array<i32>} : memref<768xf32, #tpu.memory_space<vmem>>, vector<16xf32>,
      %mul3A_760 = vector.broadcast %mul3A_696 : f32 to vector<16xf32>
      %mul3A_761 = arith.mulf %mul3A_760, %get3A_759 : vector<16xf32>
      %add3A_762 = arith.addf %add3A_757, %mul3A_761 : vector<16xf32>
      %max3A_763 = arith.constant 0.000000e+00 : f32
      %max3A_764 = vector.broadcast %max3A_763 : f32 to vector<16xf32>
      %max3A_765 = arith.maximumf %add3A_762, %max3A_764 : vector<16xf32>
      %get3A_766 = arith.constant 32 : index
      %get3A_767 = tpu.vector_load %arg15[%get3A_766] {strides = array<i32>} : memref<128xf32, #tpu.memory_space<vmem>>, vector<16xf32>,
      %get3A_768 = arith.constant 32 : index
      %get3A_769 = tpu.vector_load %arg14[%get3A_768] {strides = array<i32>} : memref<768xf32, #tpu.memory_space<vmem>>, vector<16xf32>,
      %mul3A_770 = vector.broadcast %mul3A_686 : f32 to vector<16xf32>
      %mul3A_771 = arith.mulf %mul3A_770, %get3A_769 : vector<16xf32>
      %add3A_772 = arith.addf %get3A_767, %mul3A_771 : vector<16xf32>
      %get3A_773 = arith.constant 160 : index
      %get3A_774 = tpu.vector_load %arg14[%get3A_773] {strides = array<i32>} : memref<768xf32, #tpu.memory_space<vmem>>, vector<16xf32>,
      %mul3A_775 = vector.broadcast %mul3A_688 : f32 to vector<16xf32>
      %mul3A_776 = arith.mulf %mul3A_775, %get3A_774 : vector<16xf32>
      %add3A_777 = arith.addf %add3A_772, %mul3A_776 : vector<16xf32>
      %get3A_778 = arith.constant 288 : index
      %get3A_779 = tpu.vector_load %arg14[%get3A_778] {strides = array<i32>} : memref<768xf32, #tpu.memory_space<vmem>>, vector<16xf32>,
      %mul3A_780 = vector.broadcast %mul3A_690 : f32 to vector<16xf32>
      %mul3A_781 = arith.mulf %mul3A_780, %get3A_779 : vector<16xf32>
      %add3A_782 = arith.addf %add3A_777, %mul3A_781 : vector<16xf32>
      %get3A_783 = arith.constant 416 : index
      %get3A_784 = tpu.vector_load %arg14[%get3A_783] {strides = array<i32>} : memref<768xf32, #tpu.memory_space<vmem>>, vector<16xf32>,
      %mul3A_785 = vector.broadcast %mul3A_692 : f32 to vector<16xf32>
      %mul3A_786 = arith.mulf %mul3A_785, %get3A_784 : vector<16xf32>
      %add3A_787 = arith.addf %add3A_782, %mul3A_786 : vector<16xf32>
      %get3A_788 = arith.constant 544 : index
      %get3A_789 = tpu.vector_load %arg14[%get3A_788] {strides = array<i32>} : memref<768xf32, #tpu.memory_space<vmem>>, vector<16xf32>,
      %mul3A_790 = vector.broadcast %mul3A_694 : f32 to vector<16xf32>
      %mul3A_791 = arith.mulf %mul3A_790, %get3A_789 : vector<16xf32>
      %add3A_792 = arith.addf %add3A_787, %mul3A_791 : vector<16xf32>
      %get3A_793 = arith.constant 672 : index
      %get3A_794 = tpu.vector_load %arg14[%get3A_793] {strides = array<i32>} : memref<768xf32, #tpu.memory_space<vmem>>, vector<16xf32>,
      %mul3A_795 = vector.broadcast %mul3A_696 : f32 to vector<16xf32>
      %mul3A_796 = arith.mulf %mul3A_795, %get3A_794 : vector<16xf32>
      %add3A_797 = arith.addf %add3A_792, %mul3A_796 : vector<16xf32>
      %max3A_798 = arith.constant 0.000000e+00 : f32
      %max3A_799 = vector.broadcast %max3A_798 : f32 to vector<16xf32>
      %max3A_800 = arith.maximumf %add3A_797, %max3A_799 : vector<16xf32>
      %get3A_801 = arith.constant 48 : index
      %get3A_802 = tpu.vector_load %arg15[%get3A_801] {strides = array<i32>} : memref<128xf32, #tpu.memory_space<vmem>>, vector<16xf32>,
      %get3A_803 = arith.constant 48 : index
      %get3A_804 = tpu.vector_load %arg14[%get3A_803] {strides = array<i32>} : memref<768xf32, #tpu.memory_space<vmem>>, vector<16xf32>,
      %mul3A_805 = vector.broadcast %mul3A_686 : f32 to vector<16xf32>
      %mul3A_806 = arith.mulf %mul3A_805, %get3A_804 : vector<16xf32>
      %add3A_807 = arith.addf %get3A_802, %mul3A_806 : vector<16xf32>
      %get3A_808 = arith.constant 176 : index
      %get3A_809 = tpu.vector_load %arg14[%get3A_808] {strides = array<i32>} : memref<768xf32, #tpu.memory_space<vmem>>, vector<16xf32>,
      %mul3A_810 = vector.broadcast %mul3A_688 : f32 to vector<16xf32>
      %mul3A_811 = arith.mulf %mul3A_810, %get3A_809 : vector<16xf32>
      %add3A_812 = arith.addf %add3A_807, %mul3A_811 : vector<16xf32>
      %get3A_813 = arith.constant 304 : index
      %get3A_814 = tpu.vector_load %arg14[%get3A_813] {strides = array<i32>} : memref<768xf32, #tpu.memory_space<vmem>>, vector<16xf32>,
      %mul3A_815 = vector.broadcast %mul3A_690 : f32 to vector<16xf32>
      %mul3A_816 = arith.mulf %mul3A_815, %get3A_814 : vector<16xf32>
      %add3A_817 = arith.addf %add3A_812, %mul3A_816 : vector<16xf32>
      %get3A_818 = arith.constant 432 : index
      %get3A_819 = tpu.vector_load %arg14[%get3A_818] {strides = array<i32>} : memref<768xf32, #tpu.memory_space<vmem>>, vector<16xf32>,
      %mul3A_820 = vector.broadcast %mul3A_692 : f32 to vector<16xf32>
      %mul3A_821 = arith.mulf %mul3A_820, %get3A_819 : vector<16xf32>
      %add3A_822 = arith.addf %add3A_817, %mul3A_821 : vector<16xf32>
      %get3A_823 = arith.constant 560 : index
      %get3A_824 = tpu.vector_load %arg14[%get3A_823] {strides = array<i32>} : memref<768xf32, #tpu.memory_space<vmem>>, vector<16xf32>,
      %mul3A_825 = vector.broadcast %mul3A_694 : f32 to vector<16xf32>
      %mul3A_826 = arith.mulf %mul3A_825, %get3A_824 : vector<16xf32>
      %add3A_827 = arith.addf %add3A_822, %mul3A_826 : vector<16xf32>
      %get3A_828 = arith.constant 688 : index
      %get3A_829 = tpu.vector_load %arg14[%get3A_828] {strides = array<i32>} : memref<768xf32, #tpu.memory_space<vmem>>, vector<16xf32>,
      %mul3A_830 = vector.broadcast %mul3A_696 : f32 to vector<16xf32>
      %mul3A_831 = arith.mulf %mul3A_830, %get3A_829 : vector<16xf32>
      %add3A_832 = arith.addf %add3A_827, %mul3A_831 : vector<16xf32>
      %max3A_833 = arith.constant 0.000000e+00 : f32
      %max3A_834 = vector.broadcast %max3A_833 : f32 to vector<16xf32>
      %max3A_835 = arith.maximumf %add3A_832, %max3A_834 : vector<16xf32>
      %get3A_836 = arith.constant 64 : index
      %get3A_837 = tpu.vector_load %arg15[%get3A_836] {strides = array<i32>} : memref<128xf32, #tpu.memory_space<vmem>>, vector<16xf32>,
      %get3A_838 = arith.constant 64 : index
      %get3A_839 = tpu.vector_load %arg14[%get3A_838] {strides = array<i32>} : memref<768xf32, #tpu.memory_space<vmem>>, vector<16xf32>,
      %mul3A_840 = vector.broadcast %mul3A_686 : f32 to vector<16xf32>
      %mul3A_841 = arith.mulf %mul3A_840, %get3A_839 : vector<16xf32>
      %add3A_842 = arith.addf %get3A_837, %mul3A_841 : vector<16xf32>
      %get3A_843 = arith.constant 192 : index
      %get3A_844 = tpu.vector_load %arg14[%get3A_843] {strides = array<i32>} : memref<768xf32, #tpu.memory_space<vmem>>, vector<16xf32>,
      %mul3A_845 = vector.broadcast %mul3A_688 : f32 to vector<16xf32>
      %mul3A_846 = arith.mulf %mul3A_845, %get3A_844 : vector<16xf32>
      %add3A_847 = arith.addf %add3A_842, %mul3A_846 : vector<16xf32>
      %get3A_848 = arith.constant 320 : index
      %get3A_849 = tpu.vector_load %arg14[%get3A_848] {strides = array<i32>} : memref<768xf32, #tpu.memory_space<vmem>>, vector<16xf32>,
      %mul3A_850 = vector.broadcast %mul3A_690 : f32 to vector<16xf32>
      %mul3A_851 = arith.mulf %mul3A_850, %get3A_849 : vector<16xf32>
      %add3A_852 = arith.addf %add3A_847, %mul3A_851 : vector<16xf32>
      %get3A_853 = arith.constant 448 : index
      %get3A_854 = tpu.vector_load %arg14[%get3A_853] {strides = array<i32>} : memref<768xf32, #tpu.memory_space<vmem>>, vector<16xf32>,
      %mul3A_855 = vector.broadcast %mul3A_692 : f32 to vector<16xf32>
      %mul3A_856 = arith.mulf %mul3A_855, %get3A_854 : vector<16xf32>
      %add3A_857 = arith.addf %add3A_852, %mul3A_856 : vector<16xf32>
      %get3A_858 = arith.constant 576 : index
      %get3A_859 = tpu.vector_load %arg14[%get3A_858] {strides = array<i32>} : memref<768xf32, #tpu.memory_space<vmem>>, vector<16xf32>,
      %mul3A_860 = vector.broadcast %mul3A_694 : f32 to vector<16xf32>
      %mul3A_861 = arith.mulf %mul3A_860, %get3A_859 : vector<16xf32>
      %add3A_862 = arith.addf %add3A_857, %mul3A_861 : vector<16xf32>
      %get3A_863 = arith.constant 704 : index
      %get3A_864 = tpu.vector_load %arg14[%get3A_863] {strides = array<i32>} : memref<768xf32, #tpu.memory_space<vmem>>, vector<16xf32>,
      %mul3A_865 = vector.broadcast %mul3A_696 : f32 to vector<16xf32>
      %mul3A_866 = arith.mulf %mul3A_865, %get3A_864 : vector<16xf32>
      %add3A_867 = arith.addf %add3A_862, %mul3A_866 : vector<16xf32>
      %max3A_868 = arith.constant 0.000000e+00 : f32
      %max3A_869 = vector.broadcast %max3A_868 : f32 to vector<16xf32>
      %max3A_870 = arith.maximumf %add3A_867, %max3A_869 : vector<16xf32>
      %get3A_871 = arith.constant 80 : index
      %get3A_872 = tpu.vector_load %arg15[%get3A_871] {strides = array<i32>} : memref<128xf32, #tpu.memory_space<vmem>>, vector<16xf32>,
      %get3A_873 = arith.constant 80 : index
      %get3A_874 = tpu.vector_load %arg14[%get3A_873] {strides = array<i32>} : memref<768xf32, #tpu.memory_space<vmem>>, vector<16xf32>,
      %mul3A_875 = vector.broadcast %mul3A_686 : f32 to vector<16xf32>
      %mul3A_876 = arith.mulf %mul3A_875, %get3A_874 : vector<16xf32>
      %add3A_877 = arith.addf %get3A_872, %mul3A_876 : vector<16xf32>
      %get3A_878 = arith.constant 208 : index
      %get3A_879 = tpu.vector_load %arg14[%get3A_878] {strides = array<i32>} : memref<768xf32, #tpu.memory_space<vmem>>, vector<16xf32>,
      %mul3A_880 = vector.broadcast %mul3A_688 : f32 to vector<16xf32>
      %mul3A_881 = arith.mulf %mul3A_880, %get3A_879 : vector<16xf32>
      %add3A_882 = arith.addf %add3A_877, %mul3A_881 : vector<16xf32>
      %get3A_883 = arith.constant 336 : index
      %get3A_884 = tpu.vector_load %arg14[%get3A_883] {strides = array<i32>} : memref<768xf32, #tpu.memory_space<vmem>>, vector<16xf32>,
      %mul3A_885 = vector.broadcast %mul3A_690 : f32 to vector<16xf32>
      %mul3A_886 = arith.mulf %mul3A_885, %get3A_884 : vector<16xf32>
      %add3A_887 = arith.addf %add3A_882, %mul3A_886 : vector<16xf32>
      %get3A_888 = arith.constant 464 : index
      %get3A_889 = tpu.vector_load %arg14[%get3A_888] {strides = array<i32>} : memref<768xf32, #tpu.memory_space<vmem>>, vector<16xf32>,
      %mul3A_890 = vector.broadcast %mul3A_692 : f32 to vector<16xf32>
      %mul3A_891 = arith.mulf %mul3A_890, %get3A_889 : vector<16xf32>
      %add3A_892 = arith.addf %add3A_887, %mul3A_891 : vector<16xf32>
      %get3A_893 = arith.constant 592 : index
      %get3A_894 = tpu.vector_load %arg14[%get3A_893] {strides = array<i32>} : memref<768xf32, #tpu.memory_space<vmem>>, vector<16xf32>,
      %mul3A_895 = vector.broadcast %mul3A_694 : f32 to vector<16xf32>
      %mul3A_896 = arith.mulf %mul3A_895, %get3A_894 : vector<16xf32>
      %add3A_897 = arith.addf %add3A_892, %mul3A_896 : vector<16xf32>
      %get3A_898 = arith.constant 720 : index
      %get3A_899 = tpu.vector_load %arg14[%get3A_898] {strides = array<i32>} : memref<768xf32, #tpu.memory_space<vmem>>, vector<16xf32>,
      %mul3A_900 = vector.broadcast %mul3A_696 : f32 to vector<16xf32>
      %mul3A_901 = arith.mulf %mul3A_900, %get3A_899 : vector<16xf32>
      %add3A_902 = arith.addf %add3A_897, %mul3A_901 : vector<16xf32>
      %max3A_903 = arith.constant 0.000000e+00 : f32
      %max3A_904 = vector.broadcast %max3A_903 : f32 to vector<16xf32>
      %max3A_905 = arith.maximumf %add3A_902, %max3A_904 : vector<16xf32>
      %get3A_906 = arith.constant 96 : index
      %get3A_907 = tpu.vector_load %arg15[%get3A_906] {strides = array<i32>} : memref<128xf32, #tpu.memory_space<vmem>>, vector<16xf32>,
      %get3A_908 = arith.constant 96 : index
      %get3A_909 = tpu.vector_load %arg14[%get3A_908] {strides = array<i32>} : memref<768xf32, #tpu.memory_space<vmem>>, vector<16xf32>,
      %mul3A_910 = vector.broadcast %mul3A_686 : f32 to vector<16xf32>
      %mul3A_911 = arith.mulf %mul3A_910, %get3A_909 : vector<16xf32>
      %add3A_912 = arith.addf %get3A_907, %mul3A_911 : vector<16xf32>
      %get3A_913 = arith.constant 224 : index
      %get3A_914 = tpu.vector_load %arg14[%get3A_913] {strides = array<i32>} : memref<768xf32, #tpu.memory_space<vmem>>, vector<16xf32>,
      %mul3A_915 = vector.broadcast %mul3A_688 : f32 to vector<16xf32>
      %mul3A_916 = arith.mulf %mul3A_915, %get3A_914 : vector<16xf32>
      %add3A_917 = arith.addf %add3A_912, %mul3A_916 : vector<16xf32>
      %get3A_918 = arith.constant 352 : index
      %get3A_919 = tpu.vector_load %arg14[%get3A_918] {strides = array<i32>} : memref<768xf32, #tpu.memory_space<vmem>>, vector<16xf32>,
      %mul3A_920 = vector.broadcast %mul3A_690 : f32 to vector<16xf32>
      %mul3A_921 = arith.mulf %mul3A_920, %get3A_919 : vector<16xf32>
      %add3A_922 = arith.addf %add3A_917, %mul3A_921 : vector<16xf32>
      %get3A_923 = arith.constant 480 : index
      %get3A_924 = tpu.vector_load %arg14[%get3A_923] {strides = array<i32>} : memref<768xf32, #tpu.memory_space<vmem>>, vector<16xf32>,
      %mul3A_925 = vector.broadcast %mul3A_692 : f32 to vector<16xf32>
      %mul3A_926 = arith.mulf %mul3A_925, %get3A_924 : vector<16xf32>
      %add3A_927 = arith.addf %add3A_922, %mul3A_926 : vector<16xf32>
      %get3A_928 = arith.constant 608 : index
      %get3A_929 = tpu.vector_load %arg14[%get3A_928] {strides = array<i32>} : memref<768xf32, #tpu.memory_space<vmem>>, vector<16xf32>,
      %mul3A_930 = vector.broadcast %mul3A_694 : f32 to vector<16xf32>
      %mul3A_931 = arith.mulf %mul3A_930, %get3A_929 : vector<16xf32>
      %add3A_932 = arith.addf %add3A_927, %mul3A_931 : vector<16xf32>
      %get3A_933 = arith.constant 736 : index
      %get3A_934 = tpu.vector_load %arg14[%get3A_933] {strides = array<i32>} : memref<768xf32, #tpu.memory_space<vmem>>, vector<16xf32>,
      %mul3A_935 = vector.broadcast %mul3A_696 : f32 to vector<16xf32>
      %mul3A_936 = arith.mulf %mul3A_935, %get3A_934 : vector<16xf32>
      %add3A_937 = arith.addf %add3A_932, %mul3A_936 : vector<16xf32>
      %max3A_938 = arith.constant 0.000000e+00 : f32
      %max3A_939 = vector.broadcast %max3A_938 : f32 to vector<16xf32>
      %max3A_940 = arith.maximumf %add3A_937, %max3A_939 : vector<16xf32>
      %get3A_941 = arith.constant 112 : index
      %get3A_942 = tpu.vector_load %arg15[%get3A_941] {strides = array<i32>} : memref<128xf32, #tpu.memory_space<vmem>>, vector<16xf32>,
      %get3A_943 = arith.constant 112 : index
      %get3A_944 = tpu.vector_load %arg14[%get3A_943] {strides = array<i32>} : memref<768xf32, #tpu.memory_space<vmem>>, vector<16xf32>,
      %mul3A_945 = vector.broadcast %mul3A_686 : f32 to vector<16xf32>
      %mul3A_946 = arith.mulf %mul3A_945, %get3A_944 : vector<16xf32>
      %add3A_947 = arith.addf %get3A_942, %mul3A_946 : vector<16xf32>
      %get3A_948 = arith.constant 240 : index
      %get3A_949 = tpu.vector_load %arg14[%get3A_948] {strides = array<i32>} : memref<768xf32, #tpu.memory_space<vmem>>, vector<16xf32>,
      %mul3A_950 = vector.broadcast %mul3A_688 : f32 to vector<16xf32>
      %mul3A_951 = arith.mulf %mul3A_950, %get3A_949 : vector<16xf32>
      %add3A_952 = arith.addf %add3A_947, %mul3A_951 : vector<16xf32>
      %get3A_953 = arith.constant 368 : index
      %get3A_954 = tpu.vector_load %arg14[%get3A_953] {strides = array<i32>} : memref<768xf32, #tpu.memory_space<vmem>>, vector<16xf32>,
      %mul3A_955 = vector.broadcast %mul3A_690 : f32 to vector<16xf32>
      %mul3A_956 = arith.mulf %mul3A_955, %get3A_954 : vector<16xf32>
      %add3A_957 = arith.addf %add3A_952, %mul3A_956 : vector<16xf32>
      %get3A_958 = arith.constant 496 : index
      %get3A_959 = tpu.vector_load %arg14[%get3A_958] {strides = array<i32>} : memref<768xf32, #tpu.memory_space<vmem>>, vector<16xf32>,
      %mul3A_960 = vector.broadcast %mul3A_692 : f32 to vector<16xf32>
      %mul3A_961 = arith.mulf %mul3A_960, %get3A_959 : vector<16xf32>
      %add3A_962 = arith.addf %add3A_957, %mul3A_961 : vector<16xf32>
      %get3A_963 = arith.constant 624 : index
      %get3A_964 = tpu.vector_load %arg14[%get3A_963] {strides = array<i32>} : memref<768xf32, #tpu.memory_space<vmem>>, vector<16xf32>,
      %mul3A_965 = vector.broadcast %mul3A_694 : f32 to vector<16xf32>
      %mul3A_966 = arith.mulf %mul3A_965, %get3A_964 : vector<16xf32>
      %add3A_967 = arith.addf %add3A_962, %mul3A_966 : vector<16xf32>
      %get3A_968 = arith.constant 752 : index
      %get3A_969 = tpu.vector_load %arg14[%get3A_968] {strides = array<i32>} : memref<768xf32, #tpu.memory_space<vmem>>, vector<16xf32>,
      %mul3A_970 = vector.broadcast %mul3A_696 : f32 to vector<16xf32>
      %mul3A_971 = arith.mulf %mul3A_970, %get3A_969 : vector<16xf32>
      %add3A_972 = arith.addf %add3A_967, %mul3A_971 : vector<16xf32>
      %max3A_973 = arith.constant 0.000000e+00 : f32
      %max3A_974 = vector.broadcast %max3A_973 : f32 to vector<16xf32>
      %max3A_975 = arith.maximumf %add3A_972, %max3A_974 : vector<16xf32>
      %get3A_976 = arith.constant 0 : index
      %get3A_977 = tpu.vector_load %arg17[%get3A_976] {strides = array<i32>} : memref<16xf32, #tpu.memory_space<vmem>>, vector<16xf32>,
      %slice3A_978 = vector.extract_strided_slice %max3A_730 {offsets = [0], sizes = [1], strides = [1]} : vector<16xf32> to vector<1xf32>
      %squeeze3A_979 = vector.extract %slice3A_978[0] : f32 from vector<1xf32>
      %get3A_980 = arith.constant 0 : index
      %get3A_981 = tpu.vector_load %arg16[%get3A_980] {strides = array<i32>} : memref<2048xf32, #tpu.memory_space<vmem>>, vector<16xf32>,
      %mul3A_982 = vector.broadcast %squeeze3A_979 : f32 to vector<16xf32>
      %mul3A_983 = arith.mulf %mul3A_982, %get3A_981 : vector<16xf32>
      %add3A_984 = arith.addf %get3A_977, %mul3A_983 : vector<16xf32>
      %slice3A_985 = vector.extract_strided_slice %max3A_730 {offsets = [1], sizes = [1], strides = [1]} : vector<16xf32> to vector<1xf32>
      %squeeze3A_986 = vector.extract %slice3A_985[0] : f32 from vector<1xf32>
      %get3A_987 = arith.constant 16 : index
      %get3A_988 = tpu.vector_load %arg16[%get3A_987] {strides = array<i32>} : memref<2048xf32, #tpu.memory_space<vmem>>, vector<16xf32>,
      %mul3A_989 = vector.broadcast %squeeze3A_986 : f32 to vector<16xf32>
      %mul3A_990 = arith.mulf %mul3A_989, %get3A_988 : vector<16xf32>
      %add3A_991 = arith.addf %broadcast_in_dim3A_1, %mul3A_990 : vector<16xf32>
      %slice3A_992 = vector.extract_strided_slice %max3A_730 {offsets = [2], sizes = [1], strides = [1]} : vector<16xf32> to vector<1xf32>
      %squeeze3A_993 = vector.extract %slice3A_992[0] : f32 from vector<1xf32>
      %get3A_994 = arith.constant 32 : index
      %get3A_995 = tpu.vector_load %arg16[%get3A_994] {strides = array<i32>} : memref<2048xf32, #tpu.memory_space<vmem>>, vector<16xf32>,
      %mul3A_996 = vector.broadcast %squeeze3A_993 : f32 to vector<16xf32>
      %mul3A_997 = arith.mulf %mul3A_996, %get3A_995 : vector<16xf32>
      %add3A_998 = arith.addf %broadcast_in_dim3A_1, %mul3A_997 : vector<16xf32>
      %slice3A_999 = vector.extract_strided_slice %max3A_730 {offsets = [3], sizes = [1], strides = [1]} : vector<16xf32> to vector<1xf32>
      %squeeze3A_1000 = vector.extract %slice3A_999[0] : f32 from vector<1xf32>
      %get3A_1001 = arith.constant 48 : index
      %get3A_1002 = tpu.vector_load %arg16[%get3A_1001] {strides = array<i32>} : memref<2048xf32, #tpu.memory_space<vmem>>, vector<16xf32>,
      %mul3A_1003 = vector.broadcast %squeeze3A_1000 : f32 to vector<16xf32>
      %mul3A_1004 = arith.mulf %mul3A_1003, %get3A_1002 : vector<16xf32>
      %add3A_1005 = arith.addf %broadcast_in_dim3A_1, %mul3A_1004 : vector<16xf32>
      %slice3A_1006 = vector.extract_strided_slice %max3A_730 {offsets = [4], sizes = [1], strides = [1]} : vector<16xf32> to vector<1xf32>
      %squeeze3A_1007 = vector.extract %slice3A_1006[0] : f32 from vector<1xf32>
      %get3A_1008 = arith.constant 64 : index
      %get3A_1009 = tpu.vector_load %arg16[%get3A_1008] {strides = array<i32>} : memref<2048xf32, #tpu.memory_space<vmem>>, vector<16xf32>,
      %mul3A_1010 = vector.broadcast %squeeze3A_1007 : f32 to vector<16xf32>
      %mul3A_1011 = arith.mulf %mul3A_1010, %get3A_1009 : vector<16xf32>
      %add3A_1012 = arith.addf %add3A_984, %mul3A_1011 : vector<16xf32>
      %slice3A_1013 = vector.extract_strided_slice %max3A_730 {offsets = [5], sizes = [1], strides = [1]} : vector<16xf32> to vector<1xf32>
      %squeeze3A_1014 = vector.extract %slice3A_1013[0] : f32 from vector<1xf32>
      %get3A_1015 = arith.constant 80 : index
      %get3A_1016 = tpu.vector_load %arg16[%get3A_1015] {strides = array<i32>} : memref<2048xf32, #tpu.memory_space<vmem>>, vector<16xf32>,
      %mul3A_1017 = vector.broadcast %squeeze3A_1014 : f32 to vector<16xf32>
      %mul3A_1018 = arith.mulf %mul3A_1017, %get3A_1016 : vector<16xf32>
      %add3A_1019 = arith.addf %add3A_991, %mul3A_1018 : vector<16xf32>
      %slice3A_1020 = vector.extract_strided_slice %max3A_730 {offsets = [6], sizes = [1], strides = [1]} : vector<16xf32> to vector<1xf32>
      %squeeze3A_1021 = vector.extract %slice3A_1020[0] : f32 from vector<1xf32>
      %get3A_1022 = arith.constant 96 : index
      %get3A_1023 = tpu.vector_load %arg16[%get3A_1022] {strides = array<i32>} : memref<2048xf32, #tpu.memory_space<vmem>>, vector<16xf32>,
      %mul3A_1024 = vector.broadcast %squeeze3A_1021 : f32 to vector<16xf32>
      %mul3A_1025 = arith.mulf %mul3A_1024, %get3A_1023 : vector<16xf32>
      %add3A_1026 = arith.addf %add3A_998, %mul3A_1025 : vector<16xf32>
      %slice3A_1027 = vector.extract_strided_slice %max3A_730 {offsets = [7], sizes = [1], strides = [1]} : vector<16xf32> to vector<1xf32>
      %squeeze3A_1028 = vector.extract %slice3A_1027[0] : f32 from vector<1xf32>
      %get3A_1029 = arith.constant 112 : index
      %get3A_1030 = tpu.vector_load %arg16[%get3A_1029] {strides = array<i32>} : memref<2048xf32, #tpu.memory_space<vmem>>, vector<16xf32>,
      %mul3A_1031 = vector.broadcast %squeeze3A_1028 : f32 to vector<16xf32>
      %mul3A_1032 = arith.mulf %mul3A_1031, %get3A_1030 : vector<16xf32>
      %add3A_1033 = arith.addf %add3A_1005, %mul3A_1032 : vector<16xf32>
      %slice3A_1034 = vector.extract_strided_slice %max3A_730 {offsets = [8], sizes = [1], strides = [1]} : vector<16xf32> to vector<1xf32>
      %squeeze3A_1035 = vector.extract %slice3A_1034[0] : f32 from vector<1xf32>
      %get3A_1036 = arith.constant 128 : index
      %get3A_1037 = tpu.vector_load %arg16[%get3A_1036] {strides = array<i32>} : memref<2048xf32, #tpu.memory_space<vmem>>, vector<16xf32>,
      %mul3A_1038 = vector.broadcast %squeeze3A_1035 : f32 to vector<16xf32>
      %mul3A_1039 = arith.mulf %mul3A_1038, %get3A_1037 : vector<16xf32>
      %add3A_1040 = arith.addf %add3A_1012, %mul3A_1039 : vector<16xf32>
      %slice3A_1041 = vector.extract_strided_slice %max3A_730 {offsets = [9], sizes = [1], strides = [1]} : vector<16xf32> to vector<1xf32>
      %squeeze3A_1042 = vector.extract %slice3A_1041[0] : f32 from vector<1xf32>
      %get3A_1043 = arith.constant 144 : index
      %get3A_1044 = tpu.vector_load %arg16[%get3A_1043] {strides = array<i32>} : memref<2048xf32, #tpu.memory_space<vmem>>, vector<16xf32>,
      %mul3A_1045 = vector.broadcast %squeeze3A_1042 : f32 to vector<16xf32>
      %mul3A_1046 = arith.mulf %mul3A_1045, %get3A_1044 : vector<16xf32>
      %add3A_1047 = arith.addf %add3A_1019, %mul3A_1046 : vector<16xf32>
      %slice3A_1048 = vector.extract_strided_slice %max3A_730 {offsets = [10], sizes = [1], strides = [1]} : vector<16xf32> to vector<1xf32>
      %squeeze3A_1049 = vector.extract %slice3A_1048[0] : f32 from vector<1xf32>
      %get3A_1050 = arith.constant 160 : index
      %get3A_1051 = tpu.vector_load %arg16[%get3A_1050] {strides = array<i32>} : memref<2048xf32, #tpu.memory_space<vmem>>, vector<16xf32>,
      %mul3A_1052 = vector.broadcast %squeeze3A_1049 : f32 to vector<16xf32>
      %mul3A_1053 = arith.mulf %mul3A_1052, %get3A_1051 : vector<16xf32>
      %add3A_1054 = arith.addf %add3A_1026, %mul3A_1053 : vector<16xf32>
      %slice3A_1055 = vector.extract_strided_slice %max3A_730 {offsets = [11], sizes = [1], strides = [1]} : vector<16xf32> to vector<1xf32>
      %squeeze3A_1056 = vector.extract %slice3A_1055[0] : f32 from vector<1xf32>
      %get3A_1057 = arith.constant 176 : index
      %get3A_1058 = tpu.vector_load %arg16[%get3A_1057] {strides = array<i32>} : memref<2048xf32, #tpu.memory_space<vmem>>, vector<16xf32>,
      %mul3A_1059 = vector.broadcast %squeeze3A_1056 : f32 to vector<16xf32>
      %mul3A_1060 = arith.mulf %mul3A_1059, %get3A_1058 : vector<16xf32>
      %add3A_1061 = arith.addf %add3A_1033, %mul3A_1060 : vector<16xf32>
      %slice3A_1062 = vector.extract_strided_slice %max3A_730 {offsets = [12], sizes = [1], strides = [1]} : vector<16xf32> to vector<1xf32>
      %squeeze3A_1063 = vector.extract %slice3A_1062[0] : f32 from vector<1xf32>
      %get3A_1064 = arith.constant 192 : index
      %get3A_1065 = tpu.vector_load %arg16[%get3A_1064] {strides = array<i32>} : memref<2048xf32, #tpu.memory_space<vmem>>, vector<16xf32>,
      %mul3A_1066 = vector.broadcast %squeeze3A_1063 : f32 to vector<16xf32>
      %mul3A_1067 = arith.mulf %mul3A_1066, %get3A_1065 : vector<16xf32>
      %add3A_1068 = arith.addf %add3A_1040, %mul3A_1067 : vector<16xf32>
      %slice3A_1069 = vector.extract_strided_slice %max3A_730 {offsets = [13], sizes = [1], strides = [1]} : vector<16xf32> to vector<1xf32>
      %squeeze3A_1070 = vector.extract %slice3A_1069[0] : f32 from vector<1xf32>
      %get3A_1071 = arith.constant 208 : index
      %get3A_1072 = tpu.vector_load %arg16[%get3A_1071] {strides = array<i32>} : memref<2048xf32, #tpu.memory_space<vmem>>, vector<16xf32>,
      %mul3A_1073 = vector.broadcast %squeeze3A_1070 : f32 to vector<16xf32>
      %mul3A_1074 = arith.mulf %mul3A_1073, %get3A_1072 : vector<16xf32>
      %add3A_1075 = arith.addf %add3A_1047, %mul3A_1074 : vector<16xf32>
      %slice3A_1076 = vector.extract_strided_slice %max3A_730 {offsets = [14], sizes = [1], strides = [1]} : vector<16xf32> to vector<1xf32>
      %squeeze3A_1077 = vector.extract %slice3A_1076[0] : f32 from vector<1xf32>
      %get3A_1078 = arith.constant 224 : index
      %get3A_1079 = tpu.vector_load %arg16[%get3A_1078] {strides = array<i32>} : memref<2048xf32, #tpu.memory_space<vmem>>, vector<16xf32>,
      %mul3A_1080 = vector.broadcast %squeeze3A_1077 : f32 to vector<16xf32>
      %mul3A_1081 = arith.mulf %mul3A_1080, %get3A_1079 : vector<16xf32>
      %add3A_1082 = arith.addf %add3A_1054, %mul3A_1081 : vector<16xf32>
      %slice3A_1083 = vector.extract_strided_slice %max3A_730 {offsets = [15], sizes = [1], strides = [1]} : vector<16xf32> to vector<1xf32>
      %squeeze3A_1084 = vector.extract %slice3A_1083[0] : f32 from vector<1xf32>
      %get3A_1085 = arith.constant 240 : index
      %get3A_1086 = tpu.vector_load %arg16[%get3A_1085] {strides = array<i32>} : memref<2048xf32, #tpu.memory_space<vmem>>, vector<16xf32>,
      %mul3A_1087 = vector.broadcast %squeeze3A_1084 : f32 to vector<16xf32>
      %mul3A_1088 = arith.mulf %mul3A_1087, %get3A_1086 : vector<16xf32>
      %add3A_1089 = arith.addf %add3A_1061, %mul3A_1088 : vector<16xf32>
      %slice3A_1090 = vector.extract_strided_slice %max3A_765 {offsets = [0], sizes = [1], strides = [1]} : vector<16xf32> to vector<1xf32>
      %squeeze3A_1091 = vector.extract %slice3A_1090[0] : f32 from vector<1xf32>
      %get3A_1092 = arith.constant 256 : index
      %get3A_1093 = tpu.vector_load %arg16[%get3A_1092] {strides = array<i32>} : memref<2048xf32, #tpu.memory_space<vmem>>, vector<16xf32>,
      %mul3A_1094 = vector.broadcast %squeeze3A_1091 : f32 to vector<16xf32>
      %mul3A_1095 = arith.mulf %mul3A_1094, %get3A_1093 : vector<16xf32>
      %add3A_1096 = arith.addf %add3A_1068, %mul3A_1095 : vector<16xf32>
      %slice3A_1097 = vector.extract_strided_slice %max3A_765 {offsets = [1], sizes = [1], strides = [1]} : vector<16xf32> to vector<1xf32>
      %squeeze3A_1098 = vector.extract %slice3A_1097[0] : f32 from vector<1xf32>
      %get3A_1099 = arith.constant 272 : index
      %get3A_1100 = tpu.vector_load %arg16[%get3A_1099] {strides = array<i32>} : memref<2048xf32, #tpu.memory_space<vmem>>, vector<16xf32>,
      %mul3A_1101 = vector.broadcast %squeeze3A_1098 : f32 to vector<16xf32>
      %mul3A_1102 = arith.mulf %mul3A_1101, %get3A_1100 : vector<16xf32>
      %add3A_1103 = arith.addf %add3A_1075, %mul3A_1102 : vector<16xf32>
      %slice3A_1104 = vector.extract_strided_slice %max3A_765 {offsets = [2], sizes = [1], strides = [1]} : vector<16xf32> to vector<1xf32>
      %squeeze3A_1105 = vector.extract %slice3A_1104[0] : f32 from vector<1xf32>
      %get3A_1106 = arith.constant 288 : index
      %get3A_1107 = tpu.vector_load %arg16[%get3A_1106] {strides = array<i32>} : memref<2048xf32, #tpu.memory_space<vmem>>, vector<16xf32>,
      %mul3A_1108 = vector.broadcast %squeeze3A_1105 : f32 to vector<16xf32>
      %mul3A_1109 = arith.mulf %mul3A_1108, %get3A_1107 : vector<16xf32>
      %add3A_1110 = arith.addf %add3A_1082, %mul3A_1109 : vector<16xf32>
      %slice3A_1111 = vector.extract_strided_slice %max3A_765 {offsets = [3], sizes = [1], strides = [1]} : vector<16xf32> to vector<1xf32>
      %squeeze3A_1112 = vector.extract %slice3A_1111[0] : f32 from vector<1xf32>
      %get3A_1113 = arith.constant 304 : index
      %get3A_1114 = tpu.vector_load %arg16[%get3A_1113] {strides = array<i32>} : memref<2048xf32, #tpu.memory_space<vmem>>, vector<16xf32>,
      %mul3A_1115 = vector.broadcast %squeeze3A_1112 : f32 to vector<16xf32>
      %mul3A_1116 = arith.mulf %mul3A_1115, %get3A_1114 : vector<16xf32>
      %add3A_1117 = arith.addf %add3A_1089, %mul3A_1116 : vector<16xf32>
      %slice3A_1118 = vector.extract_strided_slice %max3A_765 {offsets = [4], sizes = [1], strides = [1]} : vector<16xf32> to vector<1xf32>
      %squeeze3A_1119 = vector.extract %slice3A_1118[0] : f32 from vector<1xf32>
      %get3A_1120 = arith.constant 320 : index
      %get3A_1121 = tpu.vector_load %arg16[%get3A_1120] {strides = array<i32>} : memref<2048xf32, #tpu.memory_space<vmem>>, vector<16xf32>,
      %mul3A_1122 = vector.broadcast %squeeze3A_1119 : f32 to vector<16xf32>
      %mul3A_1123 = arith.mulf %mul3A_1122, %get3A_1121 : vector<16xf32>
      %add3A_1124 = arith.addf %add3A_1096, %mul3A_1123 : vector<16xf32>
      %slice3A_1125 = vector.extract_strided_slice %max3A_765 {offsets = [5], sizes = [1], strides = [1]} : vector<16xf32> to vector<1xf32>
      %squeeze3A_1126 = vector.extract %slice3A_1125[0] : f32 from vector<1xf32>
      %get3A_1127 = arith.constant 336 : index
      %get3A_1128 = tpu.vector_load %arg16[%get3A_1127] {strides = array<i32>} : memref<2048xf32, #tpu.memory_space<vmem>>, vector<16xf32>,
      %mul3A_1129 = vector.broadcast %squeeze3A_1126 : f32 to vector<16xf32>
      %mul3A_1130 = arith.mulf %mul3A_1129, %get3A_1128 : vector<16xf32>
      %add3A_1131 = arith.addf %add3A_1103, %mul3A_1130 : vector<16xf32>
      %slice3A_1132 = vector.extract_strided_slice %max3A_765 {offsets = [6], sizes = [1], strides = [1]} : vector<16xf32> to vector<1xf32>
      %squeeze3A_1133 = vector.extract %slice3A_1132[0] : f32 from vector<1xf32>
      %get3A_1134 = arith.constant 352 : index
      %get3A_1135 = tpu.vector_load %arg16[%get3A_1134] {strides = array<i32>} : memref<2048xf32, #tpu.memory_space<vmem>>, vector<16xf32>,
      %mul3A_1136 = vector.broadcast %squeeze3A_1133 : f32 to vector<16xf32>
      %mul3A_1137 = arith.mulf %mul3A_1136, %get3A_1135 : vector<16xf32>
      %add3A_1138 = arith.addf %add3A_1110, %mul3A_1137 : vector<16xf32>
      %slice3A_1139 = vector.extract_strided_slice %max3A_765 {offsets = [7], sizes = [1], strides = [1]} : vector<16xf32> to vector<1xf32>
      %squeeze3A_1140 = vector.extract %slice3A_1139[0] : f32 from vector<1xf32>
      %get3A_1141 = arith.constant 368 : index
      %get3A_1142 = tpu.vector_load %arg16[%get3A_1141] {strides = array<i32>} : memref<2048xf32, #tpu.memory_space<vmem>>, vector<16xf32>,
      %mul3A_1143 = vector.broadcast %squeeze3A_1140 : f32 to vector<16xf32>
      %mul3A_1144 = arith.mulf %mul3A_1143, %get3A_1142 : vector<16xf32>
      %add3A_1145 = arith.addf %add3A_1117, %mul3A_1144 : vector<16xf32>
      %slice3A_1146 = vector.extract_strided_slice %max3A_765 {offsets = [8], sizes = [1], strides = [1]} : vector<16xf32> to vector<1xf32>
      %squeeze3A_1147 = vector.extract %slice3A_1146[0] : f32 from vector<1xf32>
      %get3A_1148 = arith.constant 384 : index
      %get3A_1149 = tpu.vector_load %arg16[%get3A_1148] {strides = array<i32>} : memref<2048xf32, #tpu.memory_space<vmem>>, vector<16xf32>,
      %mul3A_1150 = vector.broadcast %squeeze3A_1147 : f32 to vector<16xf32>
      %mul3A_1151 = arith.mulf %mul3A_1150, %get3A_1149 : vector<16xf32>
      %add3A_1152 = arith.addf %add3A_1124, %mul3A_1151 : vector<16xf32>
      %slice3A_1153 = vector.extract_strided_slice %max3A_765 {offsets = [9], sizes = [1], strides = [1]} : vector<16xf32> to vector<1xf32>
      %squeeze3A_1154 = vector.extract %slice3A_1153[0] : f32 from vector<1xf32>
      %get3A_1155 = arith.constant 400 : index
      %get3A_1156 = tpu.vector_load %arg16[%get3A_1155] {strides = array<i32>} : memref<2048xf32, #tpu.memory_space<vmem>>, vector<16xf32>,
      %mul3A_1157 = vector.broadcast %squeeze3A_1154 : f32 to vector<16xf32>
      %mul3A_1158 = arith.mulf %mul3A_1157, %get3A_1156 : vector<16xf32>
      %add3A_1159 = arith.addf %add3A_1131, %mul3A_1158 : vector<16xf32>
      %slice3A_1160 = vector.extract_strided_slice %max3A_765 {offsets = [10], sizes = [1], strides = [1]} : vector<16xf32> to vector<1xf32>
      %squeeze3A_1161 = vector.extract %slice3A_1160[0] : f32 from vector<1xf32>
      %get3A_1162 = arith.constant 416 : index
      %get3A_1163 = tpu.vector_load %arg16[%get3A_1162] {strides = array<i32>} : memref<2048xf32, #tpu.memory_space<vmem>>, vector<16xf32>,
      %mul3A_1164 = vector.broadcast %squeeze3A_1161 : f32 to vector<16xf32>
      %mul3A_1165 = arith.mulf %mul3A_1164, %get3A_1163 : vector<16xf32>
      %add3A_1166 = arith.addf %add3A_1138, %mul3A_1165 : vector<16xf32>
      %slice3A_1167 = vector.extract_strided_slice %max3A_765 {offsets = [11], sizes = [1], strides = [1]} : vector<16xf32> to vector<1xf32>
      %squeeze3A_1168 = vector.extract %slice3A_1167[0] : f32 from vector<1xf32>
      %get3A_1169 = arith.constant 432 : index
      %get3A_1170 = tpu.vector_load %arg16[%get3A_1169] {strides = array<i32>} : memref<2048xf32, #tpu.memory_space<vmem>>, vector<16xf32>,
      %mul3A_1171 = vector.broadcast %squeeze3A_1168 : f32 to vector<16xf32>
      %mul3A_1172 = arith.mulf %mul3A_1171, %get3A_1170 : vector<16xf32>
      %add3A_1173 = arith.addf %add3A_1145, %mul3A_1172 : vector<16xf32>
      %slice3A_1174 = vector.extract_strided_slice %max3A_765 {offsets = [12], sizes = [1], strides = [1]} : vector<16xf32> to vector<1xf32>
      %squeeze3A_1175 = vector.extract %slice3A_1174[0] : f32 from vector<1xf32>
      %get3A_1176 = arith.constant 448 : index
      %get3A_1177 = tpu.vector_load %arg16[%get3A_1176] {strides = array<i32>} : memref<2048xf32, #tpu.memory_space<vmem>>, vector<16xf32>,
      %mul3A_1178 = vector.broadcast %squeeze3A_1175 : f32 to vector<16xf32>
      %mul3A_1179 = arith.mulf %mul3A_1178, %get3A_1177 : vector<16xf32>
      %add3A_1180 = arith.addf %add3A_1152, %mul3A_1179 : vector<16xf32>
      %slice3A_1181 = vector.extract_strided_slice %max3A_765 {offsets = [13], sizes = [1], strides = [1]} : vector<16xf32> to vector<1xf32>
      %squeeze3A_1182 = vector.extract %slice3A_1181[0] : f32 from vector<1xf32>
      %get3A_1183 = arith.constant 464 : index
      %get3A_1184 = tpu.vector_load %arg16[%get3A_1183] {strides = array<i32>} : memref<2048xf32, #tpu.memory_space<vmem>>, vector<16xf32>,
      %mul3A_1185 = vector.broadcast %squeeze3A_1182 : f32 to vector<16xf32>
      %mul3A_1186 = arith.mulf %mul3A_1185, %get3A_1184 : vector<16xf32>
      %add3A_1187 = arith.addf %add3A_1159, %mul3A_1186 : vector<16xf32>
      %slice3A_1188 = vector.extract_strided_slice %max3A_765 {offsets = [14], sizes = [1], strides = [1]} : vector<16xf32> to vector<1xf32>
      %squeeze3A_1189 = vector.extract %slice3A_1188[0] : f32 from vector<1xf32>
      %get3A_1190 = arith.constant 480 : index
      %get3A_1191 = tpu.vector_load %arg16[%get3A_1190] {strides = array<i32>} : memref<2048xf32, #tpu.memory_space<vmem>>, vector<16xf32>,
      %mul3A_1192 = vector.broadcast %squeeze3A_1189 : f32 to vector<16xf32>
      %mul3A_1193 = arith.mulf %mul3A_1192, %get3A_1191 : vector<16xf32>
      %add3A_1194 = arith.addf %add3A_1166, %mul3A_1193 : vector<16xf32>
      %slice3A_1195 = vector.extract_strided_slice %max3A_765 {offsets = [15], sizes = [1], strides = [1]} : vector<16xf32> to vector<1xf32>
      %squeeze3A_1196 = vector.extract %slice3A_1195[0] : f32 from vector<1xf32>
      %get3A_1197 = arith.constant 496 : index
      %get3A_1198 = tpu.vector_load %arg16[%get3A_1197] {strides = array<i32>} : memref<2048xf32, #tpu.memory_space<vmem>>, vector<16xf32>,
      %mul3A_1199 = vector.broadcast %squeeze3A_1196 : f32 to vector<16xf32>
      %mul3A_1200 = arith.mulf %mul3A_1199, %get3A_1198 : vector<16xf32>
      %add3A_1201 = arith.addf %add3A_1173, %mul3A_1200 : vector<16xf32>
      %slice3A_1202 = vector.extract_strided_slice %max3A_800 {offsets = [0], sizes = [1], strides = [1]} : vector<16xf32> to vector<1xf32>
      %squeeze3A_1203 = vector.extract %slice3A_1202[0] : f32 from vector<1xf32>
      %get3A_1204 = arith.constant 512 : index
      %get3A_1205 = tpu.vector_load %arg16[%get3A_1204] {strides = array<i32>} : memref<2048xf32, #tpu.memory_space<vmem>>, vector<16xf32>,
      %mul3A_1206 = vector.broadcast %squeeze3A_1203 : f32 to vector<16xf32>
      %mul3A_1207 = arith.mulf %mul3A_1206, %get3A_1205 : vector<16xf32>
      %add3A_1208 = arith.addf %add3A_1180, %mul3A_1207 : vector<16xf32>
      %slice3A_1209 = vector.extract_strided_slice %max3A_800 {offsets = [1], sizes = [1], strides = [1]} : vector<16xf32> to vector<1xf32>
      %squeeze3A_1210 = vector.extract %slice3A_1209[0] : f32 from vector<1xf32>
      %get3A_1211 = arith.constant 528 : index
      %get3A_1212 = tpu.vector_load %arg16[%get3A_1211] {strides = array<i32>} : memref<2048xf32, #tpu.memory_space<vmem>>, vector<16xf32>,
      %mul3A_1213 = vector.broadcast %squeeze3A_1210 : f32 to vector<16xf32>
      %mul3A_1214 = arith.mulf %mul3A_1213, %get3A_1212 : vector<16xf32>
      %add3A_1215 = arith.addf %add3A_1187, %mul3A_1214 : vector<16xf32>
      %slice3A_1216 = vector.extract_strided_slice %max3A_800 {offsets = [2], sizes = [1], strides = [1]} : vector<16xf32> to vector<1xf32>
      %squeeze3A_1217 = vector.extract %slice3A_1216[0] : f32 from vector<1xf32>
      %get3A_1218 = arith.constant 544 : index
      %get3A_1219 = tpu.vector_load %arg16[%get3A_1218] {strides = array<i32>} : memref<2048xf32, #tpu.memory_space<vmem>>, vector<16xf32>,
      %mul3A_1220 = vector.broadcast %squeeze3A_1217 : f32 to vector<16xf32>
      %mul3A_1221 = arith.mulf %mul3A_1220, %get3A_1219 : vector<16xf32>
      %add3A_1222 = arith.addf %add3A_1194, %mul3A_1221 : vector<16xf32>
      %slice3A_1223 = vector.extract_strided_slice %max3A_800 {offsets = [3], sizes = [1], strides = [1]} : vector<16xf32> to vector<1xf32>
      %squeeze3A_1224 = vector.extract %slice3A_1223[0] : f32 from vector<1xf32>
      %get3A_1225 = arith.constant 560 : index
      %get3A_1226 = tpu.vector_load %arg16[%get3A_1225] {strides = array<i32>} : memref<2048xf32, #tpu.memory_space<vmem>>, vector<16xf32>,
      %mul3A_1227 = vector.broadcast %squeeze3A_1224 : f32 to vector<16xf32>
      %mul3A_1228 = arith.mulf %mul3A_1227, %get3A_1226 : vector<16xf32>
      %add3A_1229 = arith.addf %add3A_1201, %mul3A_1228 : vector<16xf32>
      %slice3A_1230 = vector.extract_strided_slice %max3A_800 {offsets = [4], sizes = [1], strides = [1]} : vector<16xf32> to vector<1xf32>
      %squeeze3A_1231 = vector.extract %slice3A_1230[0] : f32 from vector<1xf32>
      %get3A_1232 = arith.constant 576 : index
      %get3A_1233 = tpu.vector_load %arg16[%get3A_1232] {strides = array<i32>} : memref<2048xf32, #tpu.memory_space<vmem>>, vector<16xf32>,
      %mul3A_1234 = vector.broadcast %squeeze3A_1231 : f32 to vector<16xf32>
      %mul3A_1235 = arith.mulf %mul3A_1234, %get3A_1233 : vector<16xf32>
      %add3A_1236 = arith.addf %add3A_1208, %mul3A_1235 : vector<16xf32>
      %slice3A_1237 = vector.extract_strided_slice %max3A_800 {offsets = [5], sizes = [1], strides = [1]} : vector<16xf32> to vector<1xf32>
      %squeeze3A_1238 = vector.extract %slice3A_1237[0] : f32 from vector<1xf32>
      %get3A_1239 = arith.constant 592 : index
      %get3A_1240 = tpu.vector_load %arg16[%get3A_1239] {strides = array<i32>} : memref<2048xf32, #tpu.memory_space<vmem>>, vector<16xf32>,
      %mul3A_1241 = vector.broadcast %squeeze3A_1238 : f32 to vector<16xf32>
      %mul3A_1242 = arith.mulf %mul3A_1241, %get3A_1240 : vector<16xf32>
      %add3A_1243 = arith.addf %add3A_1215, %mul3A_1242 : vector<16xf32>
      %slice3A_1244 = vector.extract_strided_slice %max3A_800 {offsets = [6], sizes = [1], strides = [1]} : vector<16xf32> to vector<1xf32>
      %squeeze3A_1245 = vector.extract %slice3A_1244[0] : f32 from vector<1xf32>
      %get3A_1246 = arith.constant 608 : index
      %get3A_1247 = tpu.vector_load %arg16[%get3A_1246] {strides = array<i32>} : memref<2048xf32, #tpu.memory_space<vmem>>, vector<16xf32>,
      %mul3A_1248 = vector.broadcast %squeeze3A_1245 : f32 to vector<16xf32>
      %mul3A_1249 = arith.mulf %mul3A_1248, %get3A_1247 : vector<16xf32>
      %add3A_1250 = arith.addf %add3A_1222, %mul3A_1249 : vector<16xf32>
      %slice3A_1251 = vector.extract_strided_slice %max3A_800 {offsets = [7], sizes = [1], strides = [1]} : vector<16xf32> to vector<1xf32>
      %squeeze3A_1252 = vector.extract %slice3A_1251[0] : f32 from vector<1xf32>
      %get3A_1253 = arith.constant 624 : index
      %get3A_1254 = tpu.vector_load %arg16[%get3A_1253] {strides = array<i32>} : memref<2048xf32, #tpu.memory_space<vmem>>, vector<16xf32>,
      %mul3A_1255 = vector.broadcast %squeeze3A_1252 : f32 to vector<16xf32>
      %mul3A_1256 = arith.mulf %mul3A_1255, %get3A_1254 : vector<16xf32>
      %add3A_1257 = arith.addf %add3A_1229, %mul3A_1256 : vector<16xf32>
      %slice3A_1258 = vector.extract_strided_slice %max3A_800 {offsets = [8], sizes = [1], strides = [1]} : vector<16xf32> to vector<1xf32>
      %squeeze3A_1259 = vector.extract %slice3A_1258[0] : f32 from vector<1xf32>
      %get3A_1260 = arith.constant 640 : index
      %get3A_1261 = tpu.vector_load %arg16[%get3A_1260] {strides = array<i32>} : memref<2048xf32, #tpu.memory_space<vmem>>, vector<16xf32>,
      %mul3A_1262 = vector.broadcast %squeeze3A_1259 : f32 to vector<16xf32>
      %mul3A_1263 = arith.mulf %mul3A_1262, %get3A_1261 : vector<16xf32>
      %add3A_1264 = arith.addf %add3A_1236, %mul3A_1263 : vector<16xf32>
      %slice3A_1265 = vector.extract_strided_slice %max3A_800 {offsets = [9], sizes = [1], strides = [1]} : vector<16xf32> to vector<1xf32>
      %squeeze3A_1266 = vector.extract %slice3A_1265[0] : f32 from vector<1xf32>
      %get3A_1267 = arith.constant 656 : index
      %get3A_1268 = tpu.vector_load %arg16[%get3A_1267] {strides = array<i32>} : memref<2048xf32, #tpu.memory_space<vmem>>, vector<16xf32>,
      %mul3A_1269 = vector.broadcast %squeeze3A_1266 : f32 to vector<16xf32>
      %mul3A_1270 = arith.mulf %mul3A_1269, %get3A_1268 : vector<16xf32>
      %add3A_1271 = arith.addf %add3A_1243, %mul3A_1270 : vector<16xf32>
      %slice3A_1272 = vector.extract_strided_slice %max3A_800 {offsets = [10], sizes = [1], strides = [1]} : vector<16xf32> to vector<1xf32>
      %squeeze3A_1273 = vector.extract %slice3A_1272[0] : f32 from vector<1xf32>
      %get3A_1274 = arith.constant 672 : index
      %get3A_1275 = tpu.vector_load %arg16[%get3A_1274] {strides = array<i32>} : memref<2048xf32, #tpu.memory_space<vmem>>, vector<16xf32>,
      %mul3A_1276 = vector.broadcast %squeeze3A_1273 : f32 to vector<16xf32>
      %mul3A_1277 = arith.mulf %mul3A_1276, %get3A_1275 : vector<16xf32>
      %add3A_1278 = arith.addf %add3A_1250, %mul3A_1277 : vector<16xf32>
      %slice3A_1279 = vector.extract_strided_slice %max3A_800 {offsets = [11], sizes = [1], strides = [1]} : vector<16xf32> to vector<1xf32>
      %squeeze3A_1280 = vector.extract %slice3A_1279[0] : f32 from vector<1xf32>
      %get3A_1281 = arith.constant 688 : index
      %get3A_1282 = tpu.vector_load %arg16[%get3A_1281] {strides = array<i32>} : memref<2048xf32, #tpu.memory_space<vmem>>, vector<16xf32>,
      %mul3A_1283 = vector.broadcast %squeeze3A_1280 : f32 to vector<16xf32>
      %mul3A_1284 = arith.mulf %mul3A_1283, %get3A_1282 : vector<16xf32>
      %add3A_1285 = arith.addf %add3A_1257, %mul3A_1284 : vector<16xf32>
      %slice3A_1286 = vector.extract_strided_slice %max3A_800 {offsets = [12], sizes = [1], strides = [1]} : vector<16xf32> to vector<1xf32>
      %squeeze3A_1287 = vector.extract %slice3A_1286[0] : f32 from vector<1xf32>
      %get3A_1288 = arith.constant 704 : index
      %get3A_1289 = tpu.vector_load %arg16[%get3A_1288] {strides = array<i32>} : memref<2048xf32, #tpu.memory_space<vmem>>, vector<16xf32>,
      %mul3A_1290 = vector.broadcast %squeeze3A_1287 : f32 to vector<16xf32>
      %mul3A_1291 = arith.mulf %mul3A_1290, %get3A_1289 : vector<16xf32>
      %add3A_1292 = arith.addf %add3A_1264, %mul3A_1291 : vector<16xf32>
      %slice3A_1293 = vector.extract_strided_slice %max3A_800 {offsets = [13], sizes = [1], strides = [1]} : vector<16xf32> to vector<1xf32>
      %squeeze3A_1294 = vector.extract %slice3A_1293[0] : f32 from vector<1xf32>
      %get3A_1295 = arith.constant 720 : index
      %get3A_1296 = tpu.vector_load %arg16[%get3A_1295] {strides = array<i32>} : memref<2048xf32, #tpu.memory_space<vmem>>, vector<16xf32>,
      %mul3A_1297 = vector.broadcast %squeeze3A_1294 : f32 to vector<16xf32>
      %mul3A_1298 = arith.mulf %mul3A_1297, %get3A_1296 : vector<16xf32>
      %add3A_1299 = arith.addf %add3A_1271, %mul3A_1298 : vector<16xf32>
      %slice3A_1300 = vector.extract_strided_slice %max3A_800 {offsets = [14], sizes = [1], strides = [1]} : vector<16xf32> to vector<1xf32>
      %squeeze3A_1301 = vector.extract %slice3A_1300[0] : f32 from vector<1xf32>
      %get3A_1302 = arith.constant 736 : index
      %get3A_1303 = tpu.vector_load %arg16[%get3A_1302] {strides = array<i32>} : memref<2048xf32, #tpu.memory_space<vmem>>, vector<16xf32>,
      %mul3A_1304 = vector.broadcast %squeeze3A_1301 : f32 to vector<16xf32>
      %mul3A_1305 = arith.mulf %mul3A_1304, %get3A_1303 : vector<16xf32>
      %add3A_1306 = arith.addf %add3A_1278, %mul3A_1305 : vector<16xf32>
      %slice3A_1307 = vector.extract_strided_slice %max3A_800 {offsets = [15], sizes = [1], strides = [1]} : vector<16xf32> to vector<1xf32>
      %squeeze3A_1308 = vector.extract %slice3A_1307[0] : f32 from vector<1xf32>
      %get3A_1309 = arith.constant 752 : index
      %get3A_1310 = tpu.vector_load %arg16[%get3A_1309] {strides = array<i32>} : memref<2048xf32, #tpu.memory_space<vmem>>, vector<16xf32>,
      %mul3A_1311 = vector.broadcast %squeeze3A_1308 : f32 to vector<16xf32>
      %mul3A_1312 = arith.mulf %mul3A_1311, %get3A_1310 : vector<16xf32>
      %add3A_1313 = arith.addf %add3A_1285, %mul3A_1312 : vector<16xf32>
      %slice3A_1314 = vector.extract_strided_slice %max3A_835 {offsets = [0], sizes = [1], strides = [1]} : vector<16xf32> to vector<1xf32>
      %squeeze3A_1315 = vector.extract %slice3A_1314[0] : f32 from vector<1xf32>
      %get3A_1316 = arith.constant 768 : index
      %get3A_1317 = tpu.vector_load %arg16[%get3A_1316] {strides = array<i32>} : memref<2048xf32, #tpu.memory_space<vmem>>, vector<16xf32>,
      %mul3A_1318 = vector.broadcast %squeeze3A_1315 : f32 to vector<16xf32>
      %mul3A_1319 = arith.mulf %mul3A_1318, %get3A_1317 : vector<16xf32>
      %add3A_1320 = arith.addf %add3A_1292, %mul3A_1319 : vector<16xf32>
      %slice3A_1321 = vector.extract_strided_slice %max3A_835 {offsets = [1], sizes = [1], strides = [1]} : vector<16xf32> to vector<1xf32>
      %squeeze3A_1322 = vector.extract %slice3A_1321[0] : f32 from vector<1xf32>
      %get3A_1323 = arith.constant 784 : index
      %get3A_1324 = tpu.vector_load %arg16[%get3A_1323] {strides = array<i32>} : memref<2048xf32, #tpu.memory_space<vmem>>, vector<16xf32>,
      %mul3A_1325 = vector.broadcast %squeeze3A_1322 : f32 to vector<16xf32>
      %mul3A_1326 = arith.mulf %mul3A_1325, %get3A_1324 : vector<16xf32>
      %add3A_1327 = arith.addf %add3A_1299, %mul3A_1326 : vector<16xf32>
      %slice3A_1328 = vector.extract_strided_slice %max3A_835 {offsets = [2], sizes = [1], strides = [1]} : vector<16xf32> to vector<1xf32>
      %squeeze3A_1329 = vector.extract %slice3A_1328[0] : f32 from vector<1xf32>
      %get3A_1330 = arith.constant 800 : index
      %get3A_1331 = tpu.vector_load %arg16[%get3A_1330] {strides = array<i32>} : memref<2048xf32, #tpu.memory_space<vmem>>, vector<16xf32>,
      %mul3A_1332 = vector.broadcast %squeeze3A_1329 : f32 to vector<16xf32>
      %mul3A_1333 = arith.mulf %mul3A_1332, %get3A_1331 : vector<16xf32>
      %add3A_1334 = arith.addf %add3A_1306, %mul3A_1333 : vector<16xf32>
      %slice3A_1335 = vector.extract_strided_slice %max3A_835 {offsets = [3], sizes = [1], strides = [1]} : vector<16xf32> to vector<1xf32>
      %squeeze3A_1336 = vector.extract %slice3A_1335[0] : f32 from vector<1xf32>
      %get3A_1337 = arith.constant 816 : index
      %get3A_1338 = tpu.vector_load %arg16[%get3A_1337] {strides = array<i32>} : memref<2048xf32, #tpu.memory_space<vmem>>, vector<16xf32>,
      %mul3A_1339 = vector.broadcast %squeeze3A_1336 : f32 to vector<16xf32>
      %mul3A_1340 = arith.mulf %mul3A_1339, %get3A_1338 : vector<16xf32>
      %add3A_1341 = arith.addf %add3A_1313, %mul3A_1340 : vector<16xf32>
      %slice3A_1342 = vector.extract_strided_slice %max3A_835 {offsets = [4], sizes = [1], strides = [1]} : vector<16xf32> to vector<1xf32>
      %squeeze3A_1343 = vector.extract %slice3A_1342[0] : f32 from vector<1xf32>
      %get3A_1344 = arith.constant 832 : index
      %get3A_1345 = tpu.vector_load %arg16[%get3A_1344] {strides = array<i32>} : memref<2048xf32, #tpu.memory_space<vmem>>, vector<16xf32>,
      %mul3A_1346 = vector.broadcast %squeeze3A_1343 : f32 to vector<16xf32>
      %mul3A_1347 = arith.mulf %mul3A_1346, %get3A_1345 : vector<16xf32>
      %add3A_1348 = arith.addf %add3A_1320, %mul3A_1347 : vector<16xf32>
      %slice3A_1349 = vector.extract_strided_slice %max3A_835 {offsets = [5], sizes = [1], strides = [1]} : vector<16xf32> to vector<1xf32>
      %squeeze3A_1350 = vector.extract %slice3A_1349[0] : f32 from vector<1xf32>
      %get3A_1351 = arith.constant 848 : index
      %get3A_1352 = tpu.vector_load %arg16[%get3A_1351] {strides = array<i32>} : memref<2048xf32, #tpu.memory_space<vmem>>, vector<16xf32>,
      %mul3A_1353 = vector.broadcast %squeeze3A_1350 : f32 to vector<16xf32>
      %mul3A_1354 = arith.mulf %mul3A_1353, %get3A_1352 : vector<16xf32>
      %add3A_1355 = arith.addf %add3A_1327, %mul3A_1354 : vector<16xf32>
      %slice3A_1356 = vector.extract_strided_slice %max3A_835 {offsets = [6], sizes = [1], strides = [1]} : vector<16xf32> to vector<1xf32>
      %squeeze3A_1357 = vector.extract %slice3A_1356[0] : f32 from vector<1xf32>
      %get3A_1358 = arith.constant 864 : index
      %get3A_1359 = tpu.vector_load %arg16[%get3A_1358] {strides = array<i32>} : memref<2048xf32, #tpu.memory_space<vmem>>, vector<16xf32>,
      %mul3A_1360 = vector.broadcast %squeeze3A_1357 : f32 to vector<16xf32>
      %mul3A_1361 = arith.mulf %mul3A_1360, %get3A_1359 : vector<16xf32>
      %add3A_1362 = arith.addf %add3A_1334, %mul3A_1361 : vector<16xf32>
      %slice3A_1363 = vector.extract_strided_slice %max3A_835 {offsets = [7], sizes = [1], strides = [1]} : vector<16xf32> to vector<1xf32>
      %squeeze3A_1364 = vector.extract %slice3A_1363[0] : f32 from vector<1xf32>
      %get3A_1365 = arith.constant 880 : index
      %get3A_1366 = tpu.vector_load %arg16[%get3A_1365] {strides = array<i32>} : memref<2048xf32, #tpu.memory_space<vmem>>, vector<16xf32>,
      %mul3A_1367 = vector.broadcast %squeeze3A_1364 : f32 to vector<16xf32>
      %mul3A_1368 = arith.mulf %mul3A_1367, %get3A_1366 : vector<16xf32>
      %add3A_1369 = arith.addf %add3A_1341, %mul3A_1368 : vector<16xf32>
      %slice3A_1370 = vector.extract_strided_slice %max3A_835 {offsets = [8], sizes = [1], strides = [1]} : vector<16xf32> to vector<1xf32>
      %squeeze3A_1371 = vector.extract %slice3A_1370[0] : f32 from vector<1xf32>
      %get3A_1372 = arith.constant 896 : index
      %get3A_1373 = tpu.vector_load %arg16[%get3A_1372] {strides = array<i32>} : memref<2048xf32, #tpu.memory_space<vmem>>, vector<16xf32>,
      %mul3A_1374 = vector.broadcast %squeeze3A_1371 : f32 to vector<16xf32>
      %mul3A_1375 = arith.mulf %mul3A_1374, %get3A_1373 : vector<16xf32>
      %add3A_1376 = arith.addf %add3A_1348, %mul3A_1375 : vector<16xf32>
      %slice3A_1377 = vector.extract_strided_slice %max3A_835 {offsets = [9], sizes = [1], strides = [1]} : vector<16xf32> to vector<1xf32>
      %squeeze3A_1378 = vector.extract %slice3A_1377[0] : f32 from vector<1xf32>
      %get3A_1379 = arith.constant 912 : index
      %get3A_1380 = tpu.vector_load %arg16[%get3A_1379] {strides = array<i32>} : memref<2048xf32, #tpu.memory_space<vmem>>, vector<16xf32>,
      %mul3A_1381 = vector.broadcast %squeeze3A_1378 : f32 to vector<16xf32>
      %mul3A_1382 = arith.mulf %mul3A_1381, %get3A_1380 : vector<16xf32>
      %add3A_1383 = arith.addf %add3A_1355, %mul3A_1382 : vector<16xf32>
      %slice3A_1384 = vector.extract_strided_slice %max3A_835 {offsets = [10], sizes = [1], strides = [1]} : vector<16xf32> to vector<1xf32>
      %squeeze3A_1385 = vector.extract %slice3A_1384[0] : f32 from vector<1xf32>
      %get3A_1386 = arith.constant 928 : index
      %get3A_1387 = tpu.vector_load %arg16[%get3A_1386] {strides = array<i32>} : memref<2048xf32, #tpu.memory_space<vmem>>, vector<16xf32>,
      %mul3A_1388 = vector.broadcast %squeeze3A_1385 : f32 to vector<16xf32>
      %mul3A_1389 = arith.mulf %mul3A_1388, %get3A_1387 : vector<16xf32>
      %add3A_1390 = arith.addf %add3A_1362, %mul3A_1389 : vector<16xf32>
      %slice3A_1391 = vector.extract_strided_slice %max3A_835 {offsets = [11], sizes = [1], strides = [1]} : vector<16xf32> to vector<1xf32>
      %squeeze3A_1392 = vector.extract %slice3A_1391[0] : f32 from vector<1xf32>
      %get3A_1393 = arith.constant 944 : index
      %get3A_1394 = tpu.vector_load %arg16[%get3A_1393] {strides = array<i32>} : memref<2048xf32, #tpu.memory_space<vmem>>, vector<16xf32>,
      %mul3A_1395 = vector.broadcast %squeeze3A_1392 : f32 to vector<16xf32>
      %mul3A_1396 = arith.mulf %mul3A_1395, %get3A_1394 : vector<16xf32>
      %add3A_1397 = arith.addf %add3A_1369, %mul3A_1396 : vector<16xf32>
      %slice3A_1398 = vector.extract_strided_slice %max3A_835 {offsets = [12], sizes = [1], strides = [1]} : vector<16xf32> to vector<1xf32>
      %squeeze3A_1399 = vector.extract %slice3A_1398[0] : f32 from vector<1xf32>
      %get3A_1400 = arith.constant 960 : index
      %get3A_1401 = tpu.vector_load %arg16[%get3A_1400] {strides = array<i32>} : memref<2048xf32, #tpu.memory_space<vmem>>, vector<16xf32>,
      %mul3A_1402 = vector.broadcast %squeeze3A_1399 : f32 to vector<16xf32>
      %mul3A_1403 = arith.mulf %mul3A_1402, %get3A_1401 : vector<16xf32>
      %add3A_1404 = arith.addf %add3A_1376, %mul3A_1403 : vector<16xf32>
      %slice3A_1405 = vector.extract_strided_slice %max3A_835 {offsets = [13], sizes = [1], strides = [1]} : vector<16xf32> to vector<1xf32>
      %squeeze3A_1406 = vector.extract %slice3A_1405[0] : f32 from vector<1xf32>
      %get3A_1407 = arith.constant 976 : index
      %get3A_1408 = tpu.vector_load %arg16[%get3A_1407] {strides = array<i32>} : memref<2048xf32, #tpu.memory_space<vmem>>, vector<16xf32>,
      %mul3A_1409 = vector.broadcast %squeeze3A_1406 : f32 to vector<16xf32>
      %mul3A_1410 = arith.mulf %mul3A_1409, %get3A_1408 : vector<16xf32>
      %add3A_1411 = arith.addf %add3A_1383, %mul3A_1410 : vector<16xf32>
      %slice3A_1412 = vector.extract_strided_slice %max3A_835 {offsets = [14], sizes = [1], strides = [1]} : vector<16xf32> to vector<1xf32>
      %squeeze3A_1413 = vector.extract %slice3A_1412[0] : f32 from vector<1xf32>
      %get3A_1414 = arith.constant 992 : index
      %get3A_1415 = tpu.vector_load %arg16[%get3A_1414] {strides = array<i32>} : memref<2048xf32, #tpu.memory_space<vmem>>, vector<16xf32>,
      %mul3A_1416 = vector.broadcast %squeeze3A_1413 : f32 to vector<16xf32>
      %mul3A_1417 = arith.mulf %mul3A_1416, %get3A_1415 : vector<16xf32>
      %add3A_1418 = arith.addf %add3A_1390, %mul3A_1417 : vector<16xf32>
      %slice3A_1419 = vector.extract_strided_slice %max3A_835 {offsets = [15], sizes = [1], strides = [1]} : vector<16xf32> to vector<1xf32>
      %squeeze3A_1420 = vector.extract %slice3A_1419[0] : f32 from vector<1xf32>
      %get3A_1421 = arith.constant 1008 : index
      %get3A_1422 = tpu.vector_load %arg16[%get3A_1421] {strides = array<i32>} : memref<2048xf32, #tpu.memory_space<vmem>>, vector<16xf32>,
      %mul3A_1423 = vector.broadcast %squeeze3A_1420 : f32 to vector<16xf32>
      %mul3A_1424 = arith.mulf %mul3A_1423, %get3A_1422 : vector<16xf32>
      %add3A_1425 = arith.addf %add3A_1397, %mul3A_1424 : vector<16xf32>
      %slice3A_1426 = vector.extract_strided_slice %max3A_870 {offsets = [0], sizes = [1], strides = [1]} : vector<16xf32> to vector<1xf32>
      %squeeze3A_1427 = vector.extract %slice3A_1426[0] : f32 from vector<1xf32>
      %get3A_1428 = arith.constant 1024 : index
      %get3A_1429 = tpu.vector_load %arg16[%get3A_1428] {strides = array<i32>} : memref<2048xf32, #tpu.memory_space<vmem>>, vector<16xf32>,
      %mul3A_1430 = vector.broadcast %squeeze3A_1427 : f32 to vector<16xf32>
      %mul3A_1431 = arith.mulf %mul3A_1430, %get3A_1429 : vector<16xf32>
      %add3A_1432 = arith.addf %add3A_1404, %mul3A_1431 : vector<16xf32>
      %slice3A_1433 = vector.extract_strided_slice %max3A_870 {offsets = [1], sizes = [1], strides = [1]} : vector<16xf32> to vector<1xf32>
      %squeeze3A_1434 = vector.extract %slice3A_1433[0] : f32 from vector<1xf32>
      %get3A_1435 = arith.constant 1040 : index
      %get3A_1436 = tpu.vector_load %arg16[%get3A_1435] {strides = array<i32>} : memref<2048xf32, #tpu.memory_space<vmem>>, vector<16xf32>,
      %mul3A_1437 = vector.broadcast %squeeze3A_1434 : f32 to vector<16xf32>
      %mul3A_1438 = arith.mulf %mul3A_1437, %get3A_1436 : vector<16xf32>
      %add3A_1439 = arith.addf %add3A_1411, %mul3A_1438 : vector<16xf32>
      %slice3A_1440 = vector.extract_strided_slice %max3A_870 {offsets = [2], sizes = [1], strides = [1]} : vector<16xf32> to vector<1xf32>
      %squeeze3A_1441 = vector.extract %slice3A_1440[0] : f32 from vector<1xf32>
      %get3A_1442 = arith.constant 1056 : index
      %get3A_1443 = tpu.vector_load %arg16[%get3A_1442] {strides = array<i32>} : memref<2048xf32, #tpu.memory_space<vmem>>, vector<16xf32>,
      %mul3A_1444 = vector.broadcast %squeeze3A_1441 : f32 to vector<16xf32>
      %mul3A_1445 = arith.mulf %mul3A_1444, %get3A_1443 : vector<16xf32>
      %add3A_1446 = arith.addf %add3A_1418, %mul3A_1445 : vector<16xf32>
      %slice3A_1447 = vector.extract_strided_slice %max3A_870 {offsets = [3], sizes = [1], strides = [1]} : vector<16xf32> to vector<1xf32>
      %squeeze3A_1448 = vector.extract %slice3A_1447[0] : f32 from vector<1xf32>
      %get3A_1449 = arith.constant 1072 : index
      %get3A_1450 = tpu.vector_load %arg16[%get3A_1449] {strides = array<i32>} : memref<2048xf32, #tpu.memory_space<vmem>>, vector<16xf32>,
      %mul3A_1451 = vector.broadcast %squeeze3A_1448 : f32 to vector<16xf32>
      %mul3A_1452 = arith.mulf %mul3A_1451, %get3A_1450 : vector<16xf32>
      %add3A_1453 = arith.addf %add3A_1425, %mul3A_1452 : vector<16xf32>
      %slice3A_1454 = vector.extract_strided_slice %max3A_870 {offsets = [4], sizes = [1], strides = [1]} : vector<16xf32> to vector<1xf32>
      %squeeze3A_1455 = vector.extract %slice3A_1454[0] : f32 from vector<1xf32>
      %get3A_1456 = arith.constant 1088 : index
      %get3A_1457 = tpu.vector_load %arg16[%get3A_1456] {strides = array<i32>} : memref<2048xf32, #tpu.memory_space<vmem>>, vector<16xf32>,
      %mul3A_1458 = vector.broadcast %squeeze3A_1455 : f32 to vector<16xf32>
      %mul3A_1459 = arith.mulf %mul3A_1458, %get3A_1457 : vector<16xf32>
      %add3A_1460 = arith.addf %add3A_1432, %mul3A_1459 : vector<16xf32>
      %slice3A_1461 = vector.extract_strided_slice %max3A_870 {offsets = [5], sizes = [1], strides = [1]} : vector<16xf32> to vector<1xf32>
      %squeeze3A_1462 = vector.extract %slice3A_1461[0] : f32 from vector<1xf32>
      %get3A_1463 = arith.constant 1104 : index
      %get3A_1464 = tpu.vector_load %arg16[%get3A_1463] {strides = array<i32>} : memref<2048xf32, #tpu.memory_space<vmem>>, vector<16xf32>,
      %mul3A_1465 = vector.broadcast %squeeze3A_1462 : f32 to vector<16xf32>
      %mul3A_1466 = arith.mulf %mul3A_1465, %get3A_1464 : vector<16xf32>
      %add3A_1467 = arith.addf %add3A_1439, %mul3A_1466 : vector<16xf32>
      %slice3A_1468 = vector.extract_strided_slice %max3A_870 {offsets = [6], sizes = [1], strides = [1]} : vector<16xf32> to vector<1xf32>
      %squeeze3A_1469 = vector.extract %slice3A_1468[0] : f32 from vector<1xf32>
      %get3A_1470 = arith.constant 1120 : index
      %get3A_1471 = tpu.vector_load %arg16[%get3A_1470] {strides = array<i32>} : memref<2048xf32, #tpu.memory_space<vmem>>, vector<16xf32>,
      %mul3A_1472 = vector.broadcast %squeeze3A_1469 : f32 to vector<16xf32>
      %mul3A_1473 = arith.mulf %mul3A_1472, %get3A_1471 : vector<16xf32>
      %add3A_1474 = arith.addf %add3A_1446, %mul3A_1473 : vector<16xf32>
      %slice3A_1475 = vector.extract_strided_slice %max3A_870 {offsets = [7], sizes = [1], strides = [1]} : vector<16xf32> to vector<1xf32>
      %squeeze3A_1476 = vector.extract %slice3A_1475[0] : f32 from vector<1xf32>
      %get3A_1477 = arith.constant 1136 : index
      %get3A_1478 = tpu.vector_load %arg16[%get3A_1477] {strides = array<i32>} : memref<2048xf32, #tpu.memory_space<vmem>>, vector<16xf32>,
      %mul3A_1479 = vector.broadcast %squeeze3A_1476 : f32 to vector<16xf32>
      %mul3A_1480 = arith.mulf %mul3A_1479, %get3A_1478 : vector<16xf32>
      %add3A_1481 = arith.addf %add3A_1453, %mul3A_1480 : vector<16xf32>
      %slice3A_1482 = vector.extract_strided_slice %max3A_870 {offsets = [8], sizes = [1], strides = [1]} : vector<16xf32> to vector<1xf32>
      %squeeze3A_1483 = vector.extract %slice3A_1482[0] : f32 from vector<1xf32>
      %get3A_1484 = arith.constant 1152 : index
      %get3A_1485 = tpu.vector_load %arg16[%get3A_1484] {strides = array<i32>} : memref<2048xf32, #tpu.memory_space<vmem>>, vector<16xf32>,
      %mul3A_1486 = vector.broadcast %squeeze3A_1483 : f32 to vector<16xf32>
      %mul3A_1487 = arith.mulf %mul3A_1486, %get3A_1485 : vector<16xf32>
      %add3A_1488 = arith.addf %add3A_1460, %mul3A_1487 : vector<16xf32>
      %slice3A_1489 = vector.extract_strided_slice %max3A_870 {offsets = [9], sizes = [1], strides = [1]} : vector<16xf32> to vector<1xf32>
      %squeeze3A_1490 = vector.extract %slice3A_1489[0] : f32 from vector<1xf32>
      %get3A_1491 = arith.constant 1168 : index
      %get3A_1492 = tpu.vector_load %arg16[%get3A_1491] {strides = array<i32>} : memref<2048xf32, #tpu.memory_space<vmem>>, vector<16xf32>,
      %mul3A_1493 = vector.broadcast %squeeze3A_1490 : f32 to vector<16xf32>
      %mul3A_1494 = arith.mulf %mul3A_1493, %get3A_1492 : vector<16xf32>
      %add3A_1495 = arith.addf %add3A_1467, %mul3A_1494 : vector<16xf32>
      %slice3A_1496 = vector.extract_strided_slice %max3A_870 {offsets = [10], sizes = [1], strides = [1]} : vector<16xf32> to vector<1xf32>
      %squeeze3A_1497 = vector.extract %slice3A_1496[0] : f32 from vector<1xf32>
      %get3A_1498 = arith.constant 1184 : index
      %get3A_1499 = tpu.vector_load %arg16[%get3A_1498] {strides = array<i32>} : memref<2048xf32, #tpu.memory_space<vmem>>, vector<16xf32>,
      %mul3A_1500 = vector.broadcast %squeeze3A_1497 : f32 to vector<16xf32>
      %mul3A_1501 = arith.mulf %mul3A_1500, %get3A_1499 : vector<16xf32>
      %add3A_1502 = arith.addf %add3A_1474, %mul3A_1501 : vector<16xf32>
      %slice3A_1503 = vector.extract_strided_slice %max3A_870 {offsets = [11], sizes = [1], strides = [1]} : vector<16xf32> to vector<1xf32>
      %squeeze3A_1504 = vector.extract %slice3A_1503[0] : f32 from vector<1xf32>
      %get3A_1505 = arith.constant 1200 : index
      %get3A_1506 = tpu.vector_load %arg16[%get3A_1505] {strides = array<i32>} : memref<2048xf32, #tpu.memory_space<vmem>>, vector<16xf32>,
      %mul3A_1507 = vector.broadcast %squeeze3A_1504 : f32 to vector<16xf32>
      %mul3A_1508 = arith.mulf %mul3A_1507, %get3A_1506 : vector<16xf32>
      %add3A_1509 = arith.addf %add3A_1481, %mul3A_1508 : vector<16xf32>
      %slice3A_1510 = vector.extract_strided_slice %max3A_870 {offsets = [12], sizes = [1], strides = [1]} : vector<16xf32> to vector<1xf32>
      %squeeze3A_1511 = vector.extract %slice3A_1510[0] : f32 from vector<1xf32>
      %get3A_1512 = arith.constant 1216 : index
      %get3A_1513 = tpu.vector_load %arg16[%get3A_1512] {strides = array<i32>} : memref<2048xf32, #tpu.memory_space<vmem>>, vector<16xf32>,
      %mul3A_1514 = vector.broadcast %squeeze3A_1511 : f32 to vector<16xf32>
      %mul3A_1515 = arith.mulf %mul3A_1514, %get3A_1513 : vector<16xf32>
      %add3A_1516 = arith.addf %add3A_1488, %mul3A_1515 : vector<16xf32>
      %slice3A_1517 = vector.extract_strided_slice %max3A_870 {offsets = [13], sizes = [1], strides = [1]} : vector<16xf32> to vector<1xf32>
      %squeeze3A_1518 = vector.extract %slice3A_1517[0] : f32 from vector<1xf32>
      %get3A_1519 = arith.constant 1232 : index
      %get3A_1520 = tpu.vector_load %arg16[%get3A_1519] {strides = array<i32>} : memref<2048xf32, #tpu.memory_space<vmem>>, vector<16xf32>,
      %mul3A_1521 = vector.broadcast %squeeze3A_1518 : f32 to vector<16xf32>
      %mul3A_1522 = arith.mulf %mul3A_1521, %get3A_1520 : vector<16xf32>
      %add3A_1523 = arith.addf %add3A_1495, %mul3A_1522 : vector<16xf32>
      %slice3A_1524 = vector.extract_strided_slice %max3A_870 {offsets = [14], sizes = [1], strides = [1]} : vector<16xf32> to vector<1xf32>
      %squeeze3A_1525 = vector.extract %slice3A_1524[0] : f32 from vector<1xf32>
      %get3A_1526 = arith.constant 1248 : index
      %get3A_1527 = tpu.vector_load %arg16[%get3A_1526] {strides = array<i32>} : memref<2048xf32, #tpu.memory_space<vmem>>, vector<16xf32>,
      %mul3A_1528 = vector.broadcast %squeeze3A_1525 : f32 to vector<16xf32>
      %mul3A_1529 = arith.mulf %mul3A_1528, %get3A_1527 : vector<16xf32>
      %add3A_1530 = arith.addf %add3A_1502, %mul3A_1529 : vector<16xf32>
      %slice3A_1531 = vector.extract_strided_slice %max3A_870 {offsets = [15], sizes = [1], strides = [1]} : vector<16xf32> to vector<1xf32>
      %squeeze3A_1532 = vector.extract %slice3A_1531[0] : f32 from vector<1xf32>
      %get3A_1533 = arith.constant 1264 : index
      %get3A_1534 = tpu.vector_load %arg16[%get3A_1533] {strides = array<i32>} : memref<2048xf32, #tpu.memory_space<vmem>>, vector<16xf32>,
      %mul3A_1535 = vector.broadcast %squeeze3A_1532 : f32 to vector<16xf32>
      %mul3A_1536 = arith.mulf %mul3A_1535, %get3A_1534 : vector<16xf32>
      %add3A_1537 = arith.addf %add3A_1509, %mul3A_1536 : vector<16xf32>
      %slice3A_1538 = vector.extract_strided_slice %max3A_905 {offsets = [0], sizes = [1], strides = [1]} : vector<16xf32> to vector<1xf32>
      %squeeze3A_1539 = vector.extract %slice3A_1538[0] : f32 from vector<1xf32>
      %get3A_1540 = arith.constant 1280 : index
      %get3A_1541 = tpu.vector_load %arg16[%get3A_1540] {strides = array<i32>} : memref<2048xf32, #tpu.memory_space<vmem>>, vector<16xf32>,
      %mul3A_1542 = vector.broadcast %squeeze3A_1539 : f32 to vector<16xf32>
      %mul3A_1543 = arith.mulf %mul3A_1542, %get3A_1541 : vector<16xf32>
      %add3A_1544 = arith.addf %add3A_1516, %mul3A_1543 : vector<16xf32>
      %slice3A_1545 = vector.extract_strided_slice %max3A_905 {offsets = [1], sizes = [1], strides = [1]} : vector<16xf32> to vector<1xf32>
      %squeeze3A_1546 = vector.extract %slice3A_1545[0] : f32 from vector<1xf32>
      %get3A_1547 = arith.constant 1296 : index
      %get3A_1548 = tpu.vector_load %arg16[%get3A_1547] {strides = array<i32>} : memref<2048xf32, #tpu.memory_space<vmem>>, vector<16xf32>,
      %mul3A_1549 = vector.broadcast %squeeze3A_1546 : f32 to vector<16xf32>
      %mul3A_1550 = arith.mulf %mul3A_1549, %get3A_1548 : vector<16xf32>
      %add3A_1551 = arith.addf %add3A_1523, %mul3A_1550 : vector<16xf32>
      %slice3A_1552 = vector.extract_strided_slice %max3A_905 {offsets = [2], sizes = [1], strides = [1]} : vector<16xf32> to vector<1xf32>
      %squeeze3A_1553 = vector.extract %slice3A_1552[0] : f32 from vector<1xf32>
      %get3A_1554 = arith.constant 1312 : index
      %get3A_1555 = tpu.vector_load %arg16[%get3A_1554] {strides = array<i32>} : memref<2048xf32, #tpu.memory_space<vmem>>, vector<16xf32>,
      %mul3A_1556 = vector.broadcast %squeeze3A_1553 : f32 to vector<16xf32>
      %mul3A_1557 = arith.mulf %mul3A_1556, %get3A_1555 : vector<16xf32>
      %add3A_1558 = arith.addf %add3A_1530, %mul3A_1557 : vector<16xf32>
      %slice3A_1559 = vector.extract_strided_slice %max3A_905 {offsets = [3], sizes = [1], strides = [1]} : vector<16xf32> to vector<1xf32>
      %squeeze3A_1560 = vector.extract %slice3A_1559[0] : f32 from vector<1xf32>
      %get3A_1561 = arith.constant 1328 : index
      %get3A_1562 = tpu.vector_load %arg16[%get3A_1561] {strides = array<i32>} : memref<2048xf32, #tpu.memory_space<vmem>>, vector<16xf32>,
      %mul3A_1563 = vector.broadcast %squeeze3A_1560 : f32 to vector<16xf32>
      %mul3A_1564 = arith.mulf %mul3A_1563, %get3A_1562 : vector<16xf32>
      %add3A_1565 = arith.addf %add3A_1537, %mul3A_1564 : vector<16xf32>
      %slice3A_1566 = vector.extract_strided_slice %max3A_905 {offsets = [4], sizes = [1], strides = [1]} : vector<16xf32> to vector<1xf32>
      %squeeze3A_1567 = vector.extract %slice3A_1566[0] : f32 from vector<1xf32>
      %get3A_1568 = arith.constant 1344 : index
      %get3A_1569 = tpu.vector_load %arg16[%get3A_1568] {strides = array<i32>} : memref<2048xf32, #tpu.memory_space<vmem>>, vector<16xf32>,
      %mul3A_1570 = vector.broadcast %squeeze3A_1567 : f32 to vector<16xf32>
      %mul3A_1571 = arith.mulf %mul3A_1570, %get3A_1569 : vector<16xf32>
      %add3A_1572 = arith.addf %add3A_1544, %mul3A_1571 : vector<16xf32>
      %slice3A_1573 = vector.extract_strided_slice %max3A_905 {offsets = [5], sizes = [1], strides = [1]} : vector<16xf32> to vector<1xf32>
      %squeeze3A_1574 = vector.extract %slice3A_1573[0] : f32 from vector<1xf32>
      %get3A_1575 = arith.constant 1360 : index
      %get3A_1576 = tpu.vector_load %arg16[%get3A_1575] {strides = array<i32>} : memref<2048xf32, #tpu.memory_space<vmem>>, vector<16xf32>,
      %mul3A_1577 = vector.broadcast %squeeze3A_1574 : f32 to vector<16xf32>
      %mul3A_1578 = arith.mulf %mul3A_1577, %get3A_1576 : vector<16xf32>
      %add3A_1579 = arith.addf %add3A_1551, %mul3A_1578 : vector<16xf32>
      %slice3A_1580 = vector.extract_strided_slice %max3A_905 {offsets = [6], sizes = [1], strides = [1]} : vector<16xf32> to vector<1xf32>
      %squeeze3A_1581 = vector.extract %slice3A_1580[0] : f32 from vector<1xf32>
      %get3A_1582 = arith.constant 1376 : index
      %get3A_1583 = tpu.vector_load %arg16[%get3A_1582] {strides = array<i32>} : memref<2048xf32, #tpu.memory_space<vmem>>, vector<16xf32>,
      %mul3A_1584 = vector.broadcast %squeeze3A_1581 : f32 to vector<16xf32>
      %mul3A_1585 = arith.mulf %mul3A_1584, %get3A_1583 : vector<16xf32>
      %add3A_1586 = arith.addf %add3A_1558, %mul3A_1585 : vector<16xf32>
      %slice3A_1587 = vector.extract_strided_slice %max3A_905 {offsets = [7], sizes = [1], strides = [1]} : vector<16xf32> to vector<1xf32>
      %squeeze3A_1588 = vector.extract %slice3A_1587[0] : f32 from vector<1xf32>
      %get3A_1589 = arith.constant 1392 : index
      %get3A_1590 = tpu.vector_load %arg16[%get3A_1589] {strides = array<i32>} : memref<2048xf32, #tpu.memory_space<vmem>>, vector<16xf32>,
      %mul3A_1591 = vector.broadcast %squeeze3A_1588 : f32 to vector<16xf32>
      %mul3A_1592 = arith.mulf %mul3A_1591, %get3A_1590 : vector<16xf32>
      %add3A_1593 = arith.addf %add3A_1565, %mul3A_1592 : vector<16xf32>
      %slice3A_1594 = vector.extract_strided_slice %max3A_905 {offsets = [8], sizes = [1], strides = [1]} : vector<16xf32> to vector<1xf32>
      %squeeze3A_1595 = vector.extract %slice3A_1594[0] : f32 from vector<1xf32>
      %get3A_1596 = arith.constant 1408 : index
      %get3A_1597 = tpu.vector_load %arg16[%get3A_1596] {strides = array<i32>} : memref<2048xf32, #tpu.memory_space<vmem>>, vector<16xf32>,
      %mul3A_1598 = vector.broadcast %squeeze3A_1595 : f32 to vector<16xf32>
      %mul3A_1599 = arith.mulf %mul3A_1598, %get3A_1597 : vector<16xf32>
      %add3A_1600 = arith.addf %add3A_1572, %mul3A_1599 : vector<16xf32>
      %slice3A_1601 = vector.extract_strided_slice %max3A_905 {offsets = [9], sizes = [1], strides = [1]} : vector<16xf32> to vector<1xf32>
      %squeeze3A_1602 = vector.extract %slice3A_1601[0] : f32 from vector<1xf32>
      %get3A_1603 = arith.constant 1424 : index
      %get3A_1604 = tpu.vector_load %arg16[%get3A_1603] {strides = array<i32>} : memref<2048xf32, #tpu.memory_space<vmem>>, vector<16xf32>,
      %mul3A_1605 = vector.broadcast %squeeze3A_1602 : f32 to vector<16xf32>
      %mul3A_1606 = arith.mulf %mul3A_1605, %get3A_1604 : vector<16xf32>
      %add3A_1607 = arith.addf %add3A_1579, %mul3A_1606 : vector<16xf32>
      %slice3A_1608 = vector.extract_strided_slice %max3A_905 {offsets = [10], sizes = [1], strides = [1]} : vector<16xf32> to vector<1xf32>
      %squeeze3A_1609 = vector.extract %slice3A_1608[0] : f32 from vector<1xf32>
      %get3A_1610 = arith.constant 1440 : index
      %get3A_1611 = tpu.vector_load %arg16[%get3A_1610] {strides = array<i32>} : memref<2048xf32, #tpu.memory_space<vmem>>, vector<16xf32>,
      %mul3A_1612 = vector.broadcast %squeeze3A_1609 : f32 to vector<16xf32>
      %mul3A_1613 = arith.mulf %mul3A_1612, %get3A_1611 : vector<16xf32>
      %add3A_1614 = arith.addf %add3A_1586, %mul3A_1613 : vector<16xf32>
      %slice3A_1615 = vector.extract_strided_slice %max3A_905 {offsets = [11], sizes = [1], strides = [1]} : vector<16xf32> to vector<1xf32>
      %squeeze3A_1616 = vector.extract %slice3A_1615[0] : f32 from vector<1xf32>
      %get3A_1617 = arith.constant 1456 : index
      %get3A_1618 = tpu.vector_load %arg16[%get3A_1617] {strides = array<i32>} : memref<2048xf32, #tpu.memory_space<vmem>>, vector<16xf32>,
      %mul3A_1619 = vector.broadcast %squeeze3A_1616 : f32 to vector<16xf32>
      %mul3A_1620 = arith.mulf %mul3A_1619, %get3A_1618 : vector<16xf32>
      %add3A_1621 = arith.addf %add3A_1593, %mul3A_1620 : vector<16xf32>
      %slice3A_1622 = vector.extract_strided_slice %max3A_905 {offsets = [12], sizes = [1], strides = [1]} : vector<16xf32> to vector<1xf32>
      %squeeze3A_1623 = vector.extract %slice3A_1622[0] : f32 from vector<1xf32>
      %get3A_1624 = arith.constant 1472 : index
      %get3A_1625 = tpu.vector_load %arg16[%get3A_1624] {strides = array<i32>} : memref<2048xf32, #tpu.memory_space<vmem>>, vector<16xf32>,
      %mul3A_1626 = vector.broadcast %squeeze3A_1623 : f32 to vector<16xf32>
      %mul3A_1627 = arith.mulf %mul3A_1626, %get3A_1625 : vector<16xf32>
      %add3A_1628 = arith.addf %add3A_1600, %mul3A_1627 : vector<16xf32>
      %slice3A_1629 = vector.extract_strided_slice %max3A_905 {offsets = [13], sizes = [1], strides = [1]} : vector<16xf32> to vector<1xf32>
      %squeeze3A_1630 = vector.extract %slice3A_1629[0] : f32 from vector<1xf32>
      %get3A_1631 = arith.constant 1488 : index
      %get3A_1632 = tpu.vector_load %arg16[%get3A_1631] {strides = array<i32>} : memref<2048xf32, #tpu.memory_space<vmem>>, vector<16xf32>,
      %mul3A_1633 = vector.broadcast %squeeze3A_1630 : f32 to vector<16xf32>
      %mul3A_1634 = arith.mulf %mul3A_1633, %get3A_1632 : vector<16xf32>
      %add3A_1635 = arith.addf %add3A_1607, %mul3A_1634 : vector<16xf32>
      %slice3A_1636 = vector.extract_strided_slice %max3A_905 {offsets = [14], sizes = [1], strides = [1]} : vector<16xf32> to vector<1xf32>
      %squeeze3A_1637 = vector.extract %slice3A_1636[0] : f32 from vector<1xf32>
      %get3A_1638 = arith.constant 1504 : index
      %get3A_1639 = tpu.vector_load %arg16[%get3A_1638] {strides = array<i32>} : memref<2048xf32, #tpu.memory_space<vmem>>, vector<16xf32>,
      %mul3A_1640 = vector.broadcast %squeeze3A_1637 : f32 to vector<16xf32>
      %mul3A_1641 = arith.mulf %mul3A_1640, %get3A_1639 : vector<16xf32>
      %add3A_1642 = arith.addf %add3A_1614, %mul3A_1641 : vector<16xf32>
      %slice3A_1643 = vector.extract_strided_slice %max3A_905 {offsets = [15], sizes = [1], strides = [1]} : vector<16xf32> to vector<1xf32>
      %squeeze3A_1644 = vector.extract %slice3A_1643[0] : f32 from vector<1xf32>
      %get3A_1645 = arith.constant 1520 : index
      %get3A_1646 = tpu.vector_load %arg16[%get3A_1645] {strides = array<i32>} : memref<2048xf32, #tpu.memory_space<vmem>>, vector<16xf32>,
      %mul3A_1647 = vector.broadcast %squeeze3A_1644 : f32 to vector<16xf32>
      %mul3A_1648 = arith.mulf %mul3A_1647, %get3A_1646 : vector<16xf32>
      %add3A_1649 = arith.addf %add3A_1621, %mul3A_1648 : vector<16xf32>
      %slice3A_1650 = vector.extract_strided_slice %max3A_940 {offsets = [0], sizes = [1], strides = [1]} : vector<16xf32> to vector<1xf32>
      %squeeze3A_1651 = vector.extract %slice3A_1650[0] : f32 from vector<1xf32>
      %get3A_1652 = arith.constant 1536 : index
      %get3A_1653 = tpu.vector_load %arg16[%get3A_1652] {strides = array<i32>} : memref<2048xf32, #tpu.memory_space<vmem>>, vector<16xf32>,
      %mul3A_1654 = vector.broadcast %squeeze3A_1651 : f32 to vector<16xf32>
      %mul3A_1655 = arith.mulf %mul3A_1654, %get3A_1653 : vector<16xf32>
      %add3A_1656 = arith.addf %add3A_1628, %mul3A_1655 : vector<16xf32>
      %slice3A_1657 = vector.extract_strided_slice %max3A_940 {offsets = [1], sizes = [1], strides = [1]} : vector<16xf32> to vector<1xf32>
      %squeeze3A_1658 = vector.extract %slice3A_1657[0] : f32 from vector<1xf32>
      %get3A_1659 = arith.constant 1552 : index
      %get3A_1660 = tpu.vector_load %arg16[%get3A_1659] {strides = array<i32>} : memref<2048xf32, #tpu.memory_space<vmem>>, vector<16xf32>,
      %mul3A_1661 = vector.broadcast %squeeze3A_1658 : f32 to vector<16xf32>
      %mul3A_1662 = arith.mulf %mul3A_1661, %get3A_1660 : vector<16xf32>
      %add3A_1663 = arith.addf %add3A_1635, %mul3A_1662 : vector<16xf32>
      %slice3A_1664 = vector.extract_strided_slice %max3A_940 {offsets = [2], sizes = [1], strides = [1]} : vector<16xf32> to vector<1xf32>
      %squeeze3A_1665 = vector.extract %slice3A_1664[0] : f32 from vector<1xf32>
      %get3A_1666 = arith.constant 1568 : index
      %get3A_1667 = tpu.vector_load %arg16[%get3A_1666] {strides = array<i32>} : memref<2048xf32, #tpu.memory_space<vmem>>, vector<16xf32>,
      %mul3A_1668 = vector.broadcast %squeeze3A_1665 : f32 to vector<16xf32>
      %mul3A_1669 = arith.mulf %mul3A_1668, %get3A_1667 : vector<16xf32>
      %add3A_1670 = arith.addf %add3A_1642, %mul3A_1669 : vector<16xf32>
      %slice3A_1671 = vector.extract_strided_slice %max3A_940 {offsets = [3], sizes = [1], strides = [1]} : vector<16xf32> to vector<1xf32>
      %squeeze3A_1672 = vector.extract %slice3A_1671[0] : f32 from vector<1xf32>
      %get3A_1673 = arith.constant 1584 : index
      %get3A_1674 = tpu.vector_load %arg16[%get3A_1673] {strides = array<i32>} : memref<2048xf32, #tpu.memory_space<vmem>>, vector<16xf32>,
      %mul3A_1675 = vector.broadcast %squeeze3A_1672 : f32 to vector<16xf32>
      %mul3A_1676 = arith.mulf %mul3A_1675, %get3A_1674 : vector<16xf32>
      %add3A_1677 = arith.addf %add3A_1649, %mul3A_1676 : vector<16xf32>
      %slice3A_1678 = vector.extract_strided_slice %max3A_940 {offsets = [4], sizes = [1], strides = [1]} : vector<16xf32> to vector<1xf32>
      %squeeze3A_1679 = vector.extract %slice3A_1678[0] : f32 from vector<1xf32>
      %get3A_1680 = arith.constant 1600 : index
      %get3A_1681 = tpu.vector_load %arg16[%get3A_1680] {strides = array<i32>} : memref<2048xf32, #tpu.memory_space<vmem>>, vector<16xf32>,
      %mul3A_1682 = vector.broadcast %squeeze3A_1679 : f32 to vector<16xf32>
      %mul3A_1683 = arith.mulf %mul3A_1682, %get3A_1681 : vector<16xf32>
      %add3A_1684 = arith.addf %add3A_1656, %mul3A_1683 : vector<16xf32>
      %slice3A_1685 = vector.extract_strided_slice %max3A_940 {offsets = [5], sizes = [1], strides = [1]} : vector<16xf32> to vector<1xf32>
      %squeeze3A_1686 = vector.extract %slice3A_1685[0] : f32 from vector<1xf32>
      %get3A_1687 = arith.constant 1616 : index
      %get3A_1688 = tpu.vector_load %arg16[%get3A_1687] {strides = array<i32>} : memref<2048xf32, #tpu.memory_space<vmem>>, vector<16xf32>,
      %mul3A_1689 = vector.broadcast %squeeze3A_1686 : f32 to vector<16xf32>
      %mul3A_1690 = arith.mulf %mul3A_1689, %get3A_1688 : vector<16xf32>
      %add3A_1691 = arith.addf %add3A_1663, %mul3A_1690 : vector<16xf32>
      %slice3A_1692 = vector.extract_strided_slice %max3A_940 {offsets = [6], sizes = [1], strides = [1]} : vector<16xf32> to vector<1xf32>
      %squeeze3A_1693 = vector.extract %slice3A_1692[0] : f32 from vector<1xf32>
      %get3A_1694 = arith.constant 1632 : index
      %get3A_1695 = tpu.vector_load %arg16[%get3A_1694] {strides = array<i32>} : memref<2048xf32, #tpu.memory_space<vmem>>, vector<16xf32>,
      %mul3A_1696 = vector.broadcast %squeeze3A_1693 : f32 to vector<16xf32>
      %mul3A_1697 = arith.mulf %mul3A_1696, %get3A_1695 : vector<16xf32>
      %add3A_1698 = arith.addf %add3A_1670, %mul3A_1697 : vector<16xf32>
      %slice3A_1699 = vector.extract_strided_slice %max3A_940 {offsets = [7], sizes = [1], strides = [1]} : vector<16xf32> to vector<1xf32>
      %squeeze3A_1700 = vector.extract %slice3A_1699[0] : f32 from vector<1xf32>
      %get3A_1701 = arith.constant 1648 : index
      %get3A_1702 = tpu.vector_load %arg16[%get3A_1701] {strides = array<i32>} : memref<2048xf32, #tpu.memory_space<vmem>>, vector<16xf32>,
      %mul3A_1703 = vector.broadcast %squeeze3A_1700 : f32 to vector<16xf32>
      %mul3A_1704 = arith.mulf %mul3A_1703, %get3A_1702 : vector<16xf32>
      %add3A_1705 = arith.addf %add3A_1677, %mul3A_1704 : vector<16xf32>
      %slice3A_1706 = vector.extract_strided_slice %max3A_940 {offsets = [8], sizes = [1], strides = [1]} : vector<16xf32> to vector<1xf32>
      %squeeze3A_1707 = vector.extract %slice3A_1706[0] : f32 from vector<1xf32>
      %get3A_1708 = arith.constant 1664 : index
      %get3A_1709 = tpu.vector_load %arg16[%get3A_1708] {strides = array<i32>} : memref<2048xf32, #tpu.memory_space<vmem>>, vector<16xf32>,
      %mul3A_1710 = vector.broadcast %squeeze3A_1707 : f32 to vector<16xf32>
      %mul3A_1711 = arith.mulf %mul3A_1710, %get3A_1709 : vector<16xf32>
      %add3A_1712 = arith.addf %add3A_1684, %mul3A_1711 : vector<16xf32>
      %slice3A_1713 = vector.extract_strided_slice %max3A_940 {offsets = [9], sizes = [1], strides = [1]} : vector<16xf32> to vector<1xf32>
      %squeeze3A_1714 = vector.extract %slice3A_1713[0] : f32 from vector<1xf32>
      %get3A_1715 = arith.constant 1680 : index
      %get3A_1716 = tpu.vector_load %arg16[%get3A_1715] {strides = array<i32>} : memref<2048xf32, #tpu.memory_space<vmem>>, vector<16xf32>,
      %mul3A_1717 = vector.broadcast %squeeze3A_1714 : f32 to vector<16xf32>
      %mul3A_1718 = arith.mulf %mul3A_1717, %get3A_1716 : vector<16xf32>
      %add3A_1719 = arith.addf %add3A_1691, %mul3A_1718 : vector<16xf32>
      %slice3A_1720 = vector.extract_strided_slice %max3A_940 {offsets = [10], sizes = [1], strides = [1]} : vector<16xf32> to vector<1xf32>
      %squeeze3A_1721 = vector.extract %slice3A_1720[0] : f32 from vector<1xf32>
      %get3A_1722 = arith.constant 1696 : index
      %get3A_1723 = tpu.vector_load %arg16[%get3A_1722] {strides = array<i32>} : memref<2048xf32, #tpu.memory_space<vmem>>, vector<16xf32>,
      %mul3A_1724 = vector.broadcast %squeeze3A_1721 : f32 to vector<16xf32>
      %mul3A_1725 = arith.mulf %mul3A_1724, %get3A_1723 : vector<16xf32>
      %add3A_1726 = arith.addf %add3A_1698, %mul3A_1725 : vector<16xf32>
      %slice3A_1727 = vector.extract_strided_slice %max3A_940 {offsets = [11], sizes = [1], strides = [1]} : vector<16xf32> to vector<1xf32>
      %squeeze3A_1728 = vector.extract %slice3A_1727[0] : f32 from vector<1xf32>
      %get3A_1729 = arith.constant 1712 : index
      %get3A_1730 = tpu.vector_load %arg16[%get3A_1729] {strides = array<i32>} : memref<2048xf32, #tpu.memory_space<vmem>>, vector<16xf32>,
      %mul3A_1731 = vector.broadcast %squeeze3A_1728 : f32 to vector<16xf32>
      %mul3A_1732 = arith.mulf %mul3A_1731, %get3A_1730 : vector<16xf32>
      %add3A_1733 = arith.addf %add3A_1705, %mul3A_1732 : vector<16xf32>
      %slice3A_1734 = vector.extract_strided_slice %max3A_940 {offsets = [12], sizes = [1], strides = [1]} : vector<16xf32> to vector<1xf32>
      %squeeze3A_1735 = vector.extract %slice3A_1734[0] : f32 from vector<1xf32>
      %get3A_1736 = arith.constant 1728 : index
      %get3A_1737 = tpu.vector_load %arg16[%get3A_1736] {strides = array<i32>} : memref<2048xf32, #tpu.memory_space<vmem>>, vector<16xf32>,
      %mul3A_1738 = vector.broadcast %squeeze3A_1735 : f32 to vector<16xf32>
      %mul3A_1739 = arith.mulf %mul3A_1738, %get3A_1737 : vector<16xf32>
      %add3A_1740 = arith.addf %add3A_1712, %mul3A_1739 : vector<16xf32>
      %slice3A_1741 = vector.extract_strided_slice %max3A_940 {offsets = [13], sizes = [1], strides = [1]} : vector<16xf32> to vector<1xf32>
      %squeeze3A_1742 = vector.extract %slice3A_1741[0] : f32 from vector<1xf32>
      %get3A_1743 = arith.constant 1744 : index
      %get3A_1744 = tpu.vector_load %arg16[%get3A_1743] {strides = array<i32>} : memref<2048xf32, #tpu.memory_space<vmem>>, vector<16xf32>,
      %mul3A_1745 = vector.broadcast %squeeze3A_1742 : f32 to vector<16xf32>
      %mul3A_1746 = arith.mulf %mul3A_1745, %get3A_1744 : vector<16xf32>
      %add3A_1747 = arith.addf %add3A_1719, %mul3A_1746 : vector<16xf32>
      %slice3A_1748 = vector.extract_strided_slice %max3A_940 {offsets = [14], sizes = [1], strides = [1]} : vector<16xf32> to vector<1xf32>
      %squeeze3A_1749 = vector.extract %slice3A_1748[0] : f32 from vector<1xf32>
      %get3A_1750 = arith.constant 1760 : index
      %get3A_1751 = tpu.vector_load %arg16[%get3A_1750] {strides = array<i32>} : memref<2048xf32, #tpu.memory_space<vmem>>, vector<16xf32>,
      %mul3A_1752 = vector.broadcast %squeeze3A_1749 : f32 to vector<16xf32>
      %mul3A_1753 = arith.mulf %mul3A_1752, %get3A_1751 : vector<16xf32>
      %add3A_1754 = arith.addf %add3A_1726, %mul3A_1753 : vector<16xf32>
      %slice3A_1755 = vector.extract_strided_slice %max3A_940 {offsets = [15], sizes = [1], strides = [1]} : vector<16xf32> to vector<1xf32>
      %squeeze3A_1756 = vector.extract %slice3A_1755[0] : f32 from vector<1xf32>
      %get3A_1757 = arith.constant 1776 : index
      %get3A_1758 = tpu.vector_load %arg16[%get3A_1757] {strides = array<i32>} : memref<2048xf32, #tpu.memory_space<vmem>>, vector<16xf32>,
      %mul3A_1759 = vector.broadcast %squeeze3A_1756 : f32 to vector<16xf32>
      %mul3A_1760 = arith.mulf %mul3A_1759, %get3A_1758 : vector<16xf32>
      %add3A_1761 = arith.addf %add3A_1733, %mul3A_1760 : vector<16xf32>
      %slice3A_1762 = vector.extract_strided_slice %max3A_975 {offsets = [0], sizes = [1], strides = [1]} : vector<16xf32> to vector<1xf32>
      %squeeze3A_1763 = vector.extract %slice3A_1762[0] : f32 from vector<1xf32>
      %get3A_1764 = arith.constant 1792 : index
      %get3A_1765 = tpu.vector_load %arg16[%get3A_1764] {strides = array<i32>} : memref<2048xf32, #tpu.memory_space<vmem>>, vector<16xf32>,
      %mul3A_1766 = vector.broadcast %squeeze3A_1763 : f32 to vector<16xf32>
      %mul3A_1767 = arith.mulf %mul3A_1766, %get3A_1765 : vector<16xf32>
      %add3A_1768 = arith.addf %add3A_1740, %mul3A_1767 : vector<16xf32>
      %slice3A_1769 = vector.extract_strided_slice %max3A_975 {offsets = [1], sizes = [1], strides = [1]} : vector<16xf32> to vector<1xf32>
      %squeeze3A_1770 = vector.extract %slice3A_1769[0] : f32 from vector<1xf32>
      %get3A_1771 = arith.constant 1808 : index
      %get3A_1772 = tpu.vector_load %arg16[%get3A_1771] {strides = array<i32>} : memref<2048xf32, #tpu.memory_space<vmem>>, vector<16xf32>,
      %mul3A_1773 = vector.broadcast %squeeze3A_1770 : f32 to vector<16xf32>
      %mul3A_1774 = arith.mulf %mul3A_1773, %get3A_1772 : vector<16xf32>
      %add3A_1775 = arith.addf %add3A_1747, %mul3A_1774 : vector<16xf32>
      %slice3A_1776 = vector.extract_strided_slice %max3A_975 {offsets = [2], sizes = [1], strides = [1]} : vector<16xf32> to vector<1xf32>
      %squeeze3A_1777 = vector.extract %slice3A_1776[0] : f32 from vector<1xf32>
      %get3A_1778 = arith.constant 1824 : index
      %get3A_1779 = tpu.vector_load %arg16[%get3A_1778] {strides = array<i32>} : memref<2048xf32, #tpu.memory_space<vmem>>, vector<16xf32>,
      %mul3A_1780 = vector.broadcast %squeeze3A_1777 : f32 to vector<16xf32>
      %mul3A_1781 = arith.mulf %mul3A_1780, %get3A_1779 : vector<16xf32>
      %add3A_1782 = arith.addf %add3A_1754, %mul3A_1781 : vector<16xf32>
      %slice3A_1783 = vector.extract_strided_slice %max3A_975 {offsets = [3], sizes = [1], strides = [1]} : vector<16xf32> to vector<1xf32>
      %squeeze3A_1784 = vector.extract %slice3A_1783[0] : f32 from vector<1xf32>
      %get3A_1785 = arith.constant 1840 : index
      %get3A_1786 = tpu.vector_load %arg16[%get3A_1785] {strides = array<i32>} : memref<2048xf32, #tpu.memory_space<vmem>>, vector<16xf32>,
      %mul3A_1787 = vector.broadcast %squeeze3A_1784 : f32 to vector<16xf32>
      %mul3A_1788 = arith.mulf %mul3A_1787, %get3A_1786 : vector<16xf32>
      %add3A_1789 = arith.addf %add3A_1761, %mul3A_1788 : vector<16xf32>
      %slice3A_1790 = vector.extract_strided_slice %max3A_975 {offsets = [4], sizes = [1], strides = [1]} : vector<16xf32> to vector<1xf32>
      %squeeze3A_1791 = vector.extract %slice3A_1790[0] : f32 from vector<1xf32>
      %get3A_1792 = arith.constant 1856 : index
      %get3A_1793 = tpu.vector_load %arg16[%get3A_1792] {strides = array<i32>} : memref<2048xf32, #tpu.memory_space<vmem>>, vector<16xf32>,
      %mul3A_1794 = vector.broadcast %squeeze3A_1791 : f32 to vector<16xf32>
      %mul3A_1795 = arith.mulf %mul3A_1794, %get3A_1793 : vector<16xf32>
      %add3A_1796 = arith.addf %add3A_1768, %mul3A_1795 : vector<16xf32>
      %slice3A_1797 = vector.extract_strided_slice %max3A_975 {offsets = [5], sizes = [1], strides = [1]} : vector<16xf32> to vector<1xf32>
      %squeeze3A_1798 = vector.extract %slice3A_1797[0] : f32 from vector<1xf32>
      %get3A_1799 = arith.constant 1872 : index
      %get3A_1800 = tpu.vector_load %arg16[%get3A_1799] {strides = array<i32>} : memref<2048xf32, #tpu.memory_space<vmem>>, vector<16xf32>,
      %mul3A_1801 = vector.broadcast %squeeze3A_1798 : f32 to vector<16xf32>
      %mul3A_1802 = arith.mulf %mul3A_1801, %get3A_1800 : vector<16xf32>
      %add3A_1803 = arith.addf %add3A_1775, %mul3A_1802 : vector<16xf32>
      %slice3A_1804 = vector.extract_strided_slice %max3A_975 {offsets = [6], sizes = [1], strides = [1]} : vector<16xf32> to vector<1xf32>
      %squeeze3A_1805 = vector.extract %slice3A_1804[0] : f32 from vector<1xf32>
      %get3A_1806 = arith.constant 1888 : index
      %get3A_1807 = tpu.vector_load %arg16[%get3A_1806] {strides = array<i32>} : memref<2048xf32, #tpu.memory_space<vmem>>, vector<16xf32>,
      %mul3A_1808 = vector.broadcast %squeeze3A_1805 : f32 to vector<16xf32>
      %mul3A_1809 = arith.mulf %mul3A_1808, %get3A_1807 : vector<16xf32>
      %add3A_1810 = arith.addf %add3A_1782, %mul3A_1809 : vector<16xf32>
      %slice3A_1811 = vector.extract_strided_slice %max3A_975 {offsets = [7], sizes = [1], strides = [1]} : vector<16xf32> to vector<1xf32>
      %squeeze3A_1812 = vector.extract %slice3A_1811[0] : f32 from vector<1xf32>
      %get3A_1813 = arith.constant 1904 : index
      %get3A_1814 = tpu.vector_load %arg16[%get3A_1813] {strides = array<i32>} : memref<2048xf32, #tpu.memory_space<vmem>>, vector<16xf32>,
      %mul3A_1815 = vector.broadcast %squeeze3A_1812 : f32 to vector<16xf32>
      %mul3A_1816 = arith.mulf %mul3A_1815, %get3A_1814 : vector<16xf32>
      %add3A_1817 = arith.addf %add3A_1789, %mul3A_1816 : vector<16xf32>
      %slice3A_1818 = vector.extract_strided_slice %max3A_975 {offsets = [8], sizes = [1], strides = [1]} : vector<16xf32> to vector<1xf32>
      %squeeze3A_1819 = vector.extract %slice3A_1818[0] : f32 from vector<1xf32>
      %get3A_1820 = arith.constant 1920 : index
      %get3A_1821 = tpu.vector_load %arg16[%get3A_1820] {strides = array<i32>} : memref<2048xf32, #tpu.memory_space<vmem>>, vector<16xf32>,
      %mul3A_1822 = vector.broadcast %squeeze3A_1819 : f32 to vector<16xf32>
      %mul3A_1823 = arith.mulf %mul3A_1822, %get3A_1821 : vector<16xf32>
      %add3A_1824 = arith.addf %add3A_1796, %mul3A_1823 : vector<16xf32>
      %slice3A_1825 = vector.extract_strided_slice %max3A_975 {offsets = [9], sizes = [1], strides = [1]} : vector<16xf32> to vector<1xf32>
      %squeeze3A_1826 = vector.extract %slice3A_1825[0] : f32 from vector<1xf32>
      %get3A_1827 = arith.constant 1936 : index
      %get3A_1828 = tpu.vector_load %arg16[%get3A_1827] {strides = array<i32>} : memref<2048xf32, #tpu.memory_space<vmem>>, vector<16xf32>,
      %mul3A_1829 = vector.broadcast %squeeze3A_1826 : f32 to vector<16xf32>
      %mul3A_1830 = arith.mulf %mul3A_1829, %get3A_1828 : vector<16xf32>
      %add3A_1831 = arith.addf %add3A_1803, %mul3A_1830 : vector<16xf32>
      %slice3A_1832 = vector.extract_strided_slice %max3A_975 {offsets = [10], sizes = [1], strides = [1]} : vector<16xf32> to vector<1xf32>
      %squeeze3A_1833 = vector.extract %slice3A_1832[0] : f32 from vector<1xf32>
      %get3A_1834 = arith.constant 1952 : index
      %get3A_1835 = tpu.vector_load %arg16[%get3A_1834] {strides = array<i32>} : memref<2048xf32, #tpu.memory_space<vmem>>, vector<16xf32>,
      %mul3A_1836 = vector.broadcast %squeeze3A_1833 : f32 to vector<16xf32>
      %mul3A_1837 = arith.mulf %mul3A_1836, %get3A_1835 : vector<16xf32>
      %add3A_1838 = arith.addf %add3A_1810, %mul3A_1837 : vector<16xf32>
      %slice3A_1839 = vector.extract_strided_slice %max3A_975 {offsets = [11], sizes = [1], strides = [1]} : vector<16xf32> to vector<1xf32>
      %squeeze3A_1840 = vector.extract %slice3A_1839[0] : f32 from vector<1xf32>
      %get3A_1841 = arith.constant 1968 : index
      %get3A_1842 = tpu.vector_load %arg16[%get3A_1841] {strides = array<i32>} : memref<2048xf32, #tpu.memory_space<vmem>>, vector<16xf32>,
      %mul3A_1843 = vector.broadcast %squeeze3A_1840 : f32 to vector<16xf32>
      %mul3A_1844 = arith.mulf %mul3A_1843, %get3A_1842 : vector<16xf32>
      %add3A_1845 = arith.addf %add3A_1817, %mul3A_1844 : vector<16xf32>
      %slice3A_1846 = vector.extract_strided_slice %max3A_975 {offsets = [12], sizes = [1], strides = [1]} : vector<16xf32> to vector<1xf32>
      %squeeze3A_1847 = vector.extract %slice3A_1846[0] : f32 from vector<1xf32>
      %get3A_1848 = arith.constant 1984 : index
      %get3A_1849 = tpu.vector_load %arg16[%get3A_1848] {strides = array<i32>} : memref<2048xf32, #tpu.memory_space<vmem>>, vector<16xf32>,
      %mul3A_1850 = vector.broadcast %squeeze3A_1847 : f32 to vector<16xf32>
      %mul3A_1851 = arith.mulf %mul3A_1850, %get3A_1849 : vector<16xf32>
      %add3A_1852 = arith.addf %add3A_1824, %mul3A_1851 : vector<16xf32>
      %slice3A_1853 = vector.extract_strided_slice %max3A_975 {offsets = [13], sizes = [1], strides = [1]} : vector<16xf32> to vector<1xf32>
      %squeeze3A_1854 = vector.extract %slice3A_1853[0] : f32 from vector<1xf32>
      %get3A_1855 = arith.constant 2000 : index
      %get3A_1856 = tpu.vector_load %arg16[%get3A_1855] {strides = array<i32>} : memref<2048xf32, #tpu.memory_space<vmem>>, vector<16xf32>,
      %mul3A_1857 = vector.broadcast %squeeze3A_1854 : f32 to vector<16xf32>
      %mul3A_1858 = arith.mulf %mul3A_1857, %get3A_1856 : vector<16xf32>
      %add3A_1859 = arith.addf %add3A_1831, %mul3A_1858 : vector<16xf32>
      %slice3A_1860 = vector.extract_strided_slice %max3A_975 {offsets = [14], sizes = [1], strides = [1]} : vector<16xf32> to vector<1xf32>
      %squeeze3A_1861 = vector.extract %slice3A_1860[0] : f32 from vector<1xf32>
      %get3A_1862 = arith.constant 2016 : index
      %get3A_1863 = tpu.vector_load %arg16[%get3A_1862] {strides = array<i32>} : memref<2048xf32, #tpu.memory_space<vmem>>, vector<16xf32>,
      %mul3A_1864 = vector.broadcast %squeeze3A_1861 : f32 to vector<16xf32>
      %mul3A_1865 = arith.mulf %mul3A_1864, %get3A_1863 : vector<16xf32>
      %add3A_1866 = arith.addf %add3A_1838, %mul3A_1865 : vector<16xf32>
      %slice3A_1867 = vector.extract_strided_slice %max3A_975 {offsets = [15], sizes = [1], strides = [1]} : vector<16xf32> to vector<1xf32>
      %squeeze3A_1868 = vector.extract %slice3A_1867[0] : f32 from vector<1xf32>
      %get3A_1869 = arith.constant 2032 : index
      %get3A_1870 = tpu.vector_load %arg16[%get3A_1869] {strides = array<i32>} : memref<2048xf32, #tpu.memory_space<vmem>>, vector<16xf32>,
      %mul3A_1871 = vector.broadcast %squeeze3A_1868 : f32 to vector<16xf32>
      %mul3A_1872 = arith.mulf %mul3A_1871, %get3A_1870 : vector<16xf32>
      %add3A_1873 = arith.addf %add3A_1845, %mul3A_1872 : vector<16xf32>
      %add3A_1874 = arith.addf %add3A_1852, %add3A_1859 : vector<16xf32>
      %add3A_1875 = arith.addf %add3A_1866, %add3A_1873 : vector<16xf32>
      %add3A_1876 = arith.addf %add3A_1874, %add3A_1875 : vector<16xf32>
      %neg3A = arith.constant 0.000000e+00 : f32
      %neg3A_1877 = vector.broadcast %neg3A : f32 to vector<16xf32>
      %neg3A_1878 = arith.subf %neg3A_1877, %add3A_1876 : vector<16xf32>
      %exp3A = math.exp %neg3A_1878 : vector<16xf32>
      %add3A_1879 = arith.constant 1.000000e+00 : f32
      %add3A_1880 = vector.broadcast %add3A_1879 : f32 to vector<16xf32>
      %add3A_1881 = arith.addf %add3A_1880, %exp3A : vector<16xf32>
      %div3A = arith.constant 1.000000e+00 : f32
      %div3A_1882 = vector.broadcast %div3A : f32 to vector<16xf32>
      %div3A_1883 = arith.divf %div3A_1882, %add3A_1881 : vector<16xf32>
      %mul3A_1884 = arith.constant 16 : i32
      %mul3A_1885 = arith.muli %scan3A_117, %mul3A_1884 : i32
      %swap3A_1886 = arith.index_cast %mul3A_1885 : i32 to index
      %swap3A_1887 = tpu.vector_load %arg13[%swap3A_1886] {strides = array<i32>} : memref<192xf32, #tpu.memory_space<vmem>>, vector<16xf32>,
      tpu.vector_store %arg13[%swap3A_1886], %div3A_1883 {strides = array<i32>} : memref<192xf32, #tpu.memory_space<vmem>>, vector<16xf32>,
    }
    %scan3A_114 = arith.constant 12 : i32
    %mul3A_115 = arith.constant 192 : i32
    %mul3A_116 = arith.muli %add3A, %mul3A_115 : i32
    "tpu.region"() ({
      %run_scoped3A = tpu.sem_alloc : memref<!tpu.dma_semaphore, #tpu.memory_space<semaphore_mem>>
      %dma_start3A_117 = tpu.memref_slice %arg8[%mul3A_116] : memref<6144xf32, #tpu.memory_space<hbm>> -> memref<192xf32, #tpu.memory_space<hbm>>
      %dma_start3A_118 = tpu.memref_slice %arg8[%mul3A_116] : memref<6144xf32, #tpu.memory_space<hbm>> -> memref<192xf32, #tpu.memory_space<hbm>>
      tpu.enqueue_dma source(%arg13 : memref<192xf32, #tpu.memory_space<vmem>>) target(%dma_start3A_118 : memref<192xf32, #tpu.memory_space<hbm>>) target_semaphore(%run_scoped3A : memref<!tpu.dma_semaphore, #tpu.memory_space<semaphore_mem>>)
      %dma_wait3A = tpu.memref_slice %arg8[%mul3A_116] : memref<6144xf32, #tpu.memory_space<hbm>> -> memref<192xf32, #tpu.memory_space<hbm>>
      %dma_wait3A_119 = tpu.memref_slice %arg8[%mul3A_116] : memref<6144xf32, #tpu.memory_space<hbm>> -> memref<192xf32, #tpu.memory_space<hbm>>
      tpu.wait_dma2 semaphore(%run_scoped3A : memref<!tpu.dma_semaphore, #tpu.memory_space<semaphore_mem>>) src(%arg13 : memref<192xf32, #tpu.memory_space<vmem>>) dst(%dma_wait3A_119 : memref<192xf32, #tpu.memory_space<hbm>>)
      tpu.yield
    }) : () -> ()
    return
  }
}

module attributes {stable_mosaic.version = 14 : i64} {
  func.func @_expand_body(%arg0: i32, %arg1: memref<384x16xf32, #tpu.memory_space<vmem>>, %arg2: memref<16x4096xf32, #tpu.memory_space<vmem>>, %arg3: memref<384x4096xf32, #tpu.memory_space<vmem>>) attributes {dimension_semantics = [#tpu.dimension_semantics<arbitrary>], iteration_bounds = array<i64: 19>, scalar_prefetch = 0 : i64, scratch_operands = 0 : i64, tpu.core_type = #tpu.core_type<tc>, window_params = [{pipeline_mode = #tpu.pipeline_mode<synchronous>, transform_indices = @transform_0, window_bounds = array<i64: 384, 16>}, {transform_indices = @transform_1, window_bounds = array<i64: 16, 4096>}, {transform_indices = @transform_2, window_bounds = array<i64: 384, 4096>}]} {
    %get3A = arith.constant 0 : index
    %get3A_0 = arith.constant 0 : index
    %get3A_1 = vector.load %arg1[%get3A, %get3A_0] : memref<384x16xf32, #tpu.memory_space<vmem>>, vector<384x16xf32>
    %get3A_2 = arith.constant 0 : index
    %get3A_3 = arith.constant 0 : index
    %get3A_4 = vector.load %arg2[%get3A_2, %get3A_3] : memref<16x4096xf32, #tpu.memory_space<vmem>>, vector<16x4096xf32>
    %dot_general3A = arith.constant dense<0.000000e+00> : vector<384x4096xf32>
    %dot_general3A_5 = tpu.matmul %get3A_1, %get3A_4, %dot_general3A {dimension_numbers = #tpu.dot_dimension_numbers<[1], [0], [0], [1], [0, 0, 1, 1], [], []>, transpose_lhs_hint = false} : vector<384x16xf32>, vector<16x4096xf32>, vector<384x4096xf32> -> vector<384x4096xf32>
    %swap3A = arith.constant 0 : index
    %swap3A_6 = arith.constant 0 : index
    %swap3A_7 = vector.load %arg3[%swap3A, %swap3A_6] : memref<384x4096xf32, #tpu.memory_space<vmem>>, vector<384x4096xf32>
    tpu.vector_store %arg3[%swap3A, %swap3A_6], %dot_general3A_5 {strides = array<i32>} : memref<384x4096xf32, #tpu.memory_space<vmem>>, vector<384x4096xf32>,
    return
  }
  func.func @transform_0(%arg0: i32) -> (i32, i32) {
    %c0_i32 = arith.constant 0 : i32
    %c0_i32_0 = arith.constant 0 : i32
    %c0_i32_1 = arith.constant 0 : i32
    return %c0_i32, %c0_i32_0 : i32, i32
  }
  func.func @transform_1(%arg0: i32) -> (i32, i32) {
    %c0_i32 = arith.constant 0 : i32
    %c0_i32_0 = arith.constant 0 : i32
    return %c0_i32, %arg0 : i32, i32
  }
  func.func @transform_2(%arg0: i32) -> (i32, i32) {
    %c0_i32 = arith.constant 0 : i32
    %c0_i32_0 = arith.constant 0 : i32
    return %c0_i32, %arg0 : i32, i32
  }
}

</mosaic_0001>

<sc_bundles>
// kernel: kernel.4.cloned.1.call-start
scs
__scs_entry_jumppad:
0x0: {  	(pc) =	sbr.rel $0x88, $3  }
0x1: {  	(tag) =	ssettag $0x0;
	lr =	simm.s32 $0x1  }
0x2: {  	[smem:$0x3F9C] =	sst lr;
	_ =	strace $0xD0000000  }
0x3: {  	_ = 	snop  }
0x4: {  	_ = 	snop  }
0x5: {  	_ = 	snop  }
0x6: {  	_ = 	snop  }
0x7: {  	_ = 	snop  }
__scs_overlays_trampoline_lowered:
0x8: {  	[smem:$0x3FAB] =	sst s0  }
0x9: {  	[smem:$0x3FAC] =	sst s1  }
0xa: {  	[smem:$0x3FAD] =	sst s2  }
0xb: {  	[smem:$0x3FAE] =	sst s3  }
0xc: {  	[smem:$0x3FAF] =	sst s4  }
0xd: {  	[smem:$0x3FB0] =	sst s5  }
0xe: {  	[smem:$0x3FB1] =	sst s6  }
0xf: {  	[smem:$0x3FB2] =	sst s7  }
0x10: {  	[smem:$0x3FB3] =	sst s8  }
0x11: {  	[smem:$0x3FB4] =	sst s9;
	s0 =	simm.s32 @!p0 $0x0  }
0x12: {  	s1 =	sld [smem:$0x3F9A];
	s0 =	simm.s32 @p0 $0x1  }
0x13: {  	[smem:$0x3FB5] =	sst s0;
	s0 =	simm.s32 @!p1 $0x0  }
0x14: {  	s2 =	sld [smem:$0x3F99];
	s0 =	simm.s32 @p1 $0x1  }
0x15: {  	[smem:$0x3FB6] =	sst s0;
	s0 =	simm.s32 @!p2 $0x0  }
0x16: {  	s3 =	sld [smem:$0x3FDB];
	s0 =	simm.s32 @p2 $0x1  }
0x17: {  	s4 =	simm.s32 $0x1BF5;
	[smem:$0x3FB8] =	sst s0  }
0x18: {  	s0 =	sld [smem:$0x3F9B];
	_ =	swait.ge [sflag:s4], $0x0  }
0x19: {  	s7 =	sld [smem:$0x3F9C]  }
0x1a: {  	s8 =	sadd.s32 $0xFFFFE003, lr  }
0x1b: {  	s9 =	sadd.s32 $0xFFFFFEF7, lr;
	s5 =	simm.s32 $0xFFFFFFFF;
	p2 =	slt.u32 s8, $0xFFFFF086  }
0x1c: {  	p1 =	slt.u32 s9, $0xF7A;
	s5 =	simm.s32 @!p2 $0x0  }
0x1d: {  	s5 =	simm.s32 @p1 $0x1;
	p0 =	seq.s32 s7, s2  }
0x1e: {  	s7 =	smul.u32 @!p0 $0xF7A, s2;
	p2 =	seq.s32 @!p0 s5, $0x0  }
0x1f: {  	s9 =	smul.u32 $0xF7A, s1;
	s8 =	simm.s32 @!p0 $0x1BF5;
	p2 =	por !p2, p0  }
0x20: {  	[sflag:s8] =	ssyncset.s32 @!p0 $0xFFFFF086;
	s6 =	sadd.s32 @!p0 s3, s7;
	s7 =	simm.s32 @!p0 $0x108  }
0x21: {  	s3 =	sadd.s32 s3, s9;
	s6 =	sadd.s32 @!p0 $0x88, s6;
	s7 =	simm.s32 @p2 $0x1082  }
0x22: {  	[simem:s7], [sflag:s8] =	dma.local @!p0 [hbm:s6], $0xF7A  }
0x23: {  	s9 =	sor.u32 $0xD0000000, s2;
	s6 =	simm.s32 $0x108;
	_ =	swait.ge @!p0 [sflag:s8], $0x0  }
0x24: {  	s3 =	sadd.s32 $0x88, s3;
	s6 =	simm.s32 @!p1 $0x1082;
	[sflag:s4] =	ssyncset.s32 $0xFFFFF086  }
0x25: {  	[simem:s6], [sflag:s4] =	dma.local [hbm:s3], $0xF7A  }
0x26: {  	[smem:$0x3F9C] =	sst s1;
	(tag) =	ssettag s2;
	_ =	strace s9  }
0x27: {  	s1 =	sld [smem:$0x3FAC]  }
0x28: {  	s2 =	sld [smem:$0x3FAD]  }
0x29: {  	s4 =	sld [smem:$0x3FAF]  }
0x2a: {  	p0 =	seq.s32 s5, $0x0;
	s5 =	sld [smem:$0x3FB0]  }
0x2b: {  	s6 =	sld [smem:$0x3FB1]  }
0x2c: {  	s7 =	sld [smem:$0x3FB2]  }
0x2d: {  	s3 =	simm.s32 $0x108;
	s8 =	sld [smem:$0x3FB3]  }
0x2e: {  	s3 =	simm.s32 @!p0 $0x1082;
	s9 =	sld [smem:$0x3FB4]  }
0x2f: {  	lr =	sadd.s32 s0, s3;
	s0 =	sld [smem:$0x3FAB]  }
0x30: {  	s3 =	sld [smem:$0x3FAE]  }
0x31: {  	[smem:$0x3FB7] =	sst s10  }
0x32: {  	s10 =	sld [smem:$0x3FB5];
	_ =	sdelay $0x3  }
0x33: {  	p0 =	seq.s32 s10, $0x1;
	s10 =	sld [smem:$0x3FB7];
	_ =	sdelay $0x3  }
0x34: {  	[smem:$0x3FB7] =	sst s10  }
0x35: {  	s10 =	sld [smem:$0x3FB6];
	_ =	sdelay $0x3  }
0x36: {  	p1 =	seq.s32 s10, $0x1;
	s10 =	sld [smem:$0x3FB7];
	_ =	sdelay $0x3  }
0x37: {  	[smem:$0x3FB7] =	sst s10  }
0x38: {  	s10 =	sld [smem:$0x3FB8]  }
0x39: {  	_ = 	snop;
	(pc) =	sbr.ind lr, $3  }
0x3a: {  	_ = 	snop  }
0x3b: {  	_ = 	snop  }
0x3c: {  	p2 =	seq.s32 s10, $0x1;
	s10 =	sld [smem:$0x3FB7]  }
0x3d: {  	_ =	shalt  }
0x3e: {  	_ =	shalt  }
0x3f: {  	_ =	shalt  }
0x40: {  	_ =	shalt  }
0x41: {  	_ =	shalt  }
0x42: {  	_ =	shalt  }
0x43: {  	_ =	shalt  }
0x44: {  	_ =	shalt  }
0x45: {  	_ =	shalt  }
0x46: {  	_ =	shalt  }
0x47: {  	_ =	shalt  }
0x48: {  	_ =	shalt  }
0x49: {  	_ =	shalt  }
0x4a: {  	_ =	shalt  }
0x4b: {  	_ =	shalt  }
0x4c: {  	_ =	shalt  }
0x4d: {  	_ =	shalt  }
0x4e: {  	_ =	shalt  }
0x4f: {  	_ =	shalt  }
0x50: {  	_ =	shalt  }
0x51: {  	_ =	shalt  }
0x52: {  	_ =	shalt  }
0x53: {  	_ =	shalt  }
0x54: {  	_ =	shalt  }
0x55: {  	_ =	shalt  }
0x56: {  	_ =	shalt  }
0x57: {  	_ =	shalt  }
0x58: {  	_ =	shalt  }
0x59: {  	_ =	shalt  }
0x5a: {  	_ =	shalt  }
0x5b: {  	_ =	shalt  }
0x5c: {  	_ =	shalt  }
0x5d: {  	_ =	shalt  }
0x5e: {  	_ =	shalt  }
0x5f: {  	_ =	shalt  }
0x60: {  	_ =	shalt  }
0x61: {  	_ =	shalt  }
0x62: {  	_ =	shalt  }
0x63: {  	_ =	shalt  }
0x64: {  	_ =	shalt  }
0x65: {  	_ =	shalt  }
0x66: {  	_ =	shalt  }
0x67: {  	_ =	shalt  }
0x68: {  	_ =	shalt  }
0x69: {  	_ =	shalt  }
0x6a: {  	_ =	shalt  }
0x6b: {  	_ =	shalt  }
0x6c: {  	_ =	shalt  }
0x6d: {  	_ =	shalt  }
0x6e: {  	_ =	shalt  }
0x6f: {  	_ =	shalt  }
0x70: {  	_ =	shalt  }
0x71: {  	_ =	shalt  }
0x72: {  	_ =	shalt  }
0x73: {  	_ =	shalt  }
0x74: {  	_ =	shalt  }
0x75: {  	_ =	shalt  }
0x76: {  	_ =	shalt  }
0x77: {  	_ =	shalt  }
0x78: {  	_ =	shalt  }
0x79: {  	_ =	shalt  }
0x7a: {  	_ =	shalt  }
0x7b: {  	_ =	shalt  }
0x7c: {  	_ =	shalt  }
0x7d: {  	_ =	shalt  }
0x7e: {  	_ =	shalt  }
0x7f: {  	_ =	shalt  }
0x80: {  	_ =	shalt  }
0x81: {  	_ =	shalt  }
0x82: {  	_ =	shalt  }
0x83: {  	_ =	shalt  }
0x84: {  	_ =	shalt  }
0x85: {  	_ =	shalt  }
0x86: {  	_ =	shalt  }
0x87: {  	_ =	shalt  }
.Lfunc_end0:
.L_simem_size_0:
called_computation_lowered:
.L_overlay_start_0:
0x88: {  	s2 =	sld [smem:$0x3FD9]  }
0x89: {  	s3 =	sld [smem:$0x3FFE];
	_ =	sdelay $0x1  }
0x8a: {  	s1 =	srdreg.scid  }
0x8b: {  	s0 =	sand.u32 $0x1, s1  }
0x8c: {  	s17 =	sshll.u32 s0, $0xA;
	s2 =	sadd.s32 s3, s2  }
0x8d: {  	s2 =	sadd.s32 s2, s17  }
0x8e: {  	[smem:$0x3FC3] =	sst s2  }
0x8f: {  	_ = 	snop  }
0x90: {  	s2 =	sld [smem:$0x3FC8]  }
0x91: {  	s18 =	sld [smem:$0x3FC7]  }
0x92: {  	s4 =	sld [smem:$0x3FD0];
	(tm) =	ssettm $0x1  }
0x93: {  	s5 =	sld [smem:$0x3FFB];
	_ =	sdelay $0x3  }
0x94: {  	_ =	strace s5  }
0x95: {  	s5 =	sld [smem:$0x3FFC];
	_ =	sdelay $0x3  }
0x96: {  	_ =	strace s5  }
0x97: {  	s5 =	sld [smem:$0x3FFD];
	_ =	sdelay $0x3  }
0x98: {  	_ =	strace s5  }
0x99: {  	_ =	strace $0x8FFFFFFF  }
0x9a: {  	s19 =	sld [smem:$0x3FDB];
	_ =	sdelay $0x1  }
0x9b: {  	s6 =	simm.s32 $_scs_section_size  }
0x9c: {  	s7 =	simm.s32 $_size__tile_overlayer_lowered;
	s8 =	simm.s32 $_tile_overlayer_lowered  }
0x9d: {  	s22 =	simm.s32 $0x1BFF;
	s21 =	sshll.u32 s8, $0x1;
	s5 =	sadd.s32 s6, s19  }
0x9e: {  	s9 =	simm.s32 $0x0;
	s20 =	sshll.u32 s7, $0x1;
	s7 =	sadd.s32 s21, s5  }
0x9f: {  	[timem:s9], [sflag:s22] =	dma.local [hbm:s7], s20  }
0xa0: {  	_ =	swait.ge [sflag:s22], s20  }
0xa1: {  	s6 =	ssub.s32 $0x0, s20;
	[sflag:s22] =	ssyncset.done $0x0  }
0xa2: {  	[sflag:s22] =	ssyncadd.s32 s6;
	_ =	sdelay $0x1  }
0xa3: {  	s23 =	simm.s32 $0x1B8B  }
0xa4: {  	_ =	swait.ge [sflag:s23], $0x1  }
0xa5: {  	[sflag:s23] =	ssyncset.done $0x0  }
0xa6: {  	s25 =	simm.s32 $0x1B8E;
	s24 =	sld [smem:$0x3FFE];
	[sflag:s23] =	ssyncadd.s32 $0xFFFFFFFF  }
0xa7: {  	s26 =	simm.s32 $execute0_lowered;
	[smem:$0x3FD2] =	sst s25  }
0xa8: {  	s7 =	sshll.u32 s26, $0x1;
	_ =	strace $0x80000046;
	[dreg:$0x1] =	wrdreg $0xFFFFFFFF  }
0xa9: {  	s28 =	simm.s32 $_size_execute0_lowered;
	s5 =	sadd.s32 s5, s7;
	[dreg:$0x0] =	wrdreg $0x0  }
0xaa: {  	s7 =	sshll.u32 s28, $0x1;
	[dreg:$0x2] =	wrdreg s5  }
0xab: {  	[dreg:$0x3] =	wrdreg s7  }
0xac: {  	[dreg:$0x4] =	wrdreg $0xC0  }
0xad: {  	_ =	task [dreg:s9], $0x5FFFF  }
0xae: {  	[dreg:$0x1] =	wrdreg $0xFFFFFFFF  }
0xaf: {  	[dreg:$0x0] =	wrdreg $0x60  }
0xb0: {  	[dreg:$0x2] =	wrdreg s4  }
0xb1: {  	[dreg:$0x3] =	wrdreg s24  }
0xb2: {  	[dreg:$0x4] =	wrdreg s2  }
0xb3: {  	[dreg:$0x5] =	wrdreg s18  }
0xb4: {  	[dreg:$0x6] =	wrdreg $0x9  }
0xb5: {  	_ =	task.clear_ibuf [dreg:s9], $0x7FFFF;
	_ =	strace $0x90000046  }
0xb6: {  	s29 =	simm.s32 $0x9;
	_ =	strace $0x80000048  }
0xb7: {  	_ =	swait.ge [sflag:s29], $0x1  }
0xb8: {  	[sflag:s29] =	ssyncadd.s32 $0xFFFFFFFF  }
0xb9: {  	_ =	strace $0x90000048  }
0xba: {  	_ =	sfence  }
0xbb: {  	s30 =	sld [smem:$0x0];
	_ =	sdelay $0x2  }
0xbc: {  	s31 =	sshll.u32 s1, $0xD;
	s1 =	sshrl.u32 s1, $0x2  }
0xbd: {  	s3 =	sand.u32 $0x4000, s31;
	s1 =	sadd.s32 s1, s30  }
0xbe: {  	s0 =	sor.u32 s3, s0;
	s1 =	sshll.u32 s1, $0x11  }
0xbf: {  	s0 =	sor.u32 s1, s0  }
0xc0: {  	s0 =	sadd.s32 $0x8F2B, s0  }
0xc1: {  	[sflag:s0] =	ssyncadd.remote.s32 $0x1  }
0xc2: {  	_ =	sfence.sel $0xFFFF  }
0xc3: {  	[dreg:$0x0] =	wrdreg $0xFFFFFFFF;
	(pc) =	sbr.abs _section_cstart, $3  }
0xc4: {  	[dreg:$0x1] =	wrdreg $0xFFFFFFFF  }
0xc5: {  	_ =	task.clear_ibuf [dreg:s9], $0x2FFFF;
	_ =	strace $0x9FFFFFFF  }
0xc6: {  	(tm) =	ssettm $0x7FFFFFFF  }
0xc7: {  	_ =	shalt  }
tec
execute0_lowered:
.L_overlay_start_1:
0x0: {  	(tag) =	ssettag $0x1  }
0x1: {  	s5 =	rddreg [dreg:$0x0];
	s2 =	srdreg.scid  }
0x2: {  	s0 =	rddreg [dreg:$0x1];
	s1 =	stileid.u32;
	s2 =	sand.u32 $0x1, s2  }
0x3: {  	s3 =	sshll.u32 s1, $0x1;
	s1 =	simm.s32 $0x0;
	s6 =	sadd.s32 $0x800, s0  }
0x4: {  	s7 =	sadd.s32 $0x600, s0;
	s28 =	sadd.s32 $0x400, s0;
	s3 =	sor.u32 s2, s3  }
0x5: {  	[smem:$0x7FF] =	sst s1;
	s2 =	ssub.s32 $0x2, s2;
	s4 =	smul.u32 $0x18, s3  }
0x6: {  	_ =	strace $0x80000047;
	[dreg:$0x5] =	wrdreg s6;
	s26 =	smul.u32 $0xD9200, s3  }
0x7: {  	[dreg:$0x6] =	wrdreg s7;
	s29 =	sshrl.u32 s2, $0x1;
	s3 =	smul.u32 $0xC, s3  }
0x8: {  	[dreg:$0x7] =	wrdreg s28;
	s2 =	ssub.s32 s2, s29  }
0x9: {  	s6 =	sshrl.u32 s26, $0x3;
	[dreg:$0x8] =	wrdreg s3;
	s31 =	smax.u32 s2, $0x1  }
0xa: {  	s0 =	sadd.s32 s4, s0;
	s30 =	sadd.s32 s5, s6;
	[dreg:$0xc] =	wrdreg s31  }
0xb: {  	s18 =	simm.s32 $0x1;
	s0 =	sadd.s32 $0x1C00, s0;
	[dreg:$0x9] =	wrdreg s30  }
0xc: {  	s21 =	simm.s32 $0x12180;
	s3 =	sadd.s32 $0x90C, s30;
	[dreg:$0xb] =	wrdreg s0  }
0xd: {  	s22 =	simm.s32 $0x2;
	v0 =	vimm.f32 $0.0e+00;
	[dreg:$0xa] =	wrdreg s3;
	s3 =	simm.s32 $0x0  }
.LBB2_1:
0xe: {  	[dreg:$0xd] =	wrdreg s3  }
0xf: {  	s0 =	rddreg [dreg:$0x5]  }
0x10: {  	[tilespmem:s1], [sflag:$0x1] =	stream.linear.gather [hbm4b:s0+s1], $0x90C0, $0x38;
	[tilespmem:$0x130D0] =	vst v63  }
0x11: {  	s17 =	rddreg [dreg:$0x2];
	s2 =	simm.s32 $0x12540  }
0x12: {  	[tilespmem:s2], [sflag:$0x1] =	stream.linear.gather [hbm4b:s17+s1], $0x300, $0x38;
	[tilespmem:$0x130D0] =	vst v63  }
0x13: {  	s19 =	rddreg [dreg:$0x3];
	s20 =	simm.s32 $0x12840  }
0x14: {  	[tilespmem:s20], [sflag:$0x1] =	stream.linear.gather [hbm4b:s19+s1], $0x80, $0x38;
	[tilespmem:$0x130D0] =	vst v63  }
0x15: {  	s23 =	rddreg [dreg:$0x6];
	s24 =	simm.s32 $0x128C0  }
0x16: {  	[tilespmem:s24], [sflag:$0x1] =	stream.linear.gather [hbm4b:s23+s1], $0x800, $0x38;
	[tilespmem:$0x130D0] =	vst v63  }
0x17: {  	s25 =	rddreg [dreg:$0x7];
	s26 =	simm.s32 $0x130C0  }
0x18: {  	[tilespmem:s26], [sflag:$0x1] =	stream.linear.gather [hbm4b:s25+s1], $0x10, $0x38;
	[tilespmem:$0x130D0] =	vst v63  }
0x19: {  	_ =	swait.ge [sflag:s18], $0x90C0  }
0x1a: {  	[sflag:s18] =	ssyncset.done $0x0  }
0x1b: {  	[sflag:s18] =	ssyncadd.s32 $0xFFFF6F40  }
0x1c: {  	_ =	swait.ge [sflag:s18], $0x300  }
0x1d: {  	[sflag:s18] =	ssyncset.done $0x0  }
0x1e: {  	[sflag:s18] =	ssyncadd.s32 $0xFFFFFD00  }
0x1f: {  	_ =	swait.ge [sflag:s18], $0x80  }
0x20: {  	[sflag:s18] =	ssyncset.done $0x0  }
0x21: {  	[sflag:s18] =	ssyncadd.s32 $0xFFFFFF80  }
0x22: {  	_ =	swait.ge [sflag:s18], $0x800  }
0x23: {  	[sflag:s18] =	ssyncset.done $0x0  }
0x24: {  	[sflag:s18] =	ssyncadd.s32 $0xFFFFF800  }
0x25: {  	_ =	swait.ge [sflag:s18], $0x10  }
0x26: {  	[sflag:s18] =	ssyncset.done $0x0  }
0x27: {  	[sflag:s18] =	ssyncadd.s32 $0xFFFFFFF0  }
0x28: {  	[tilespmem:$0x12180] =	vst v0  }
0x29: {  	[tilespmem:$0x12190] =	vst v0  }
0x2a: {  	[tilespmem:$0x121A0] =	vst v0  }
0x2b: {  	[tilespmem:$0x121B0] =	vst v0  }
0x2c: {  	[tilespmem:$0x121C0] =	vst v0  }
0x2d: {  	[tilespmem:$0x121D0] =	vst v0  }
0x2e: {  	[tilespmem:$0x121E0] =	vst v0  }
0x2f: {  	[tilespmem:$0x121F0] =	vst v0  }
0x30: {  	[tilespmem:$0x12200] =	vst v0  }
0x31: {  	[tilespmem:$0x12210] =	vst v0  }
0x32: {  	[tilespmem:$0x12220] =	vst v0  }
0x33: {  	[tilespmem:$0x12230] =	vst v0  }
0x34: {  	[tilespmem:$0x12240] =	vst v0  }
0x35: {  	[tilespmem:$0x12250] =	vst v0  }
0x36: {  	[tilespmem:$0x12260] =	vst v0  }
0x37: {  	[tilespmem:$0x12270] =	vst v0  }
0x38: {  	[tilespmem:$0x12280] =	vst v0  }
0x39: {  	[tilespmem:$0x12290] =	vst v0  }
0x3a: {  	[tilespmem:$0x122A0] =	vst v0  }
0x3b: {  	[tilespmem:$0x122B0] =	vst v0  }
0x3c: {  	[tilespmem:$0x122C0] =	vst v0  }
0x3d: {  	[tilespmem:$0x122D0] =	vst v0  }
0x3e: {  	[tilespmem:$0x122E0] =	vst v0  }
0x3f: {  	[tilespmem:$0x122F0] =	vst v0  }
0x40: {  	[tilespmem:$0x12300] =	vst v0  }
0x41: {  	[tilespmem:$0x12310] =	vst v0  }
0x42: {  	[tilespmem:$0x12320] =	vst v0  }
0x43: {  	[tilespmem:$0x12330] =	vst v0  }
0x44: {  	[tilespmem:$0x12340] =	vst v0  }
0x45: {  	[tilespmem:$0x12350] =	vst v0  }
0x46: {  	[tilespmem:$0x12360] =	vst v0  }
0x47: {  	[tilespmem:$0x12370] =	vst v0  }
0x48: {  	[tilespmem:$0x12380] =	vst v0  }
0x49: {  	[tilespmem:$0x12390] =	vst v0  }
0x4a: {  	[tilespmem:$0x123A0] =	vst v0  }
0x4b: {  	[tilespmem:$0x123B0] =	vst v0  }
0x4c: {  	[tilespmem:$0x123C0] =	vst v0  }
0x4d: {  	[tilespmem:$0x123D0] =	vst v0  }
0x4e: {  	[tilespmem:$0x123E0] =	vst v0  }
0x4f: {  	[tilespmem:$0x123F0] =	vst v0  }
0x50: {  	[tilespmem:$0x12400] =	vst v0  }
0x51: {  	[tilespmem:$0x12410] =	vst v0  }
0x52: {  	[tilespmem:$0x12420] =	vst v0  }
0x53: {  	[tilespmem:$0x12430] =	vst v0  }
0x54: {  	[tilespmem:$0x12440] =	vst v0  }
0x55: {  	[tilespmem:$0x12450] =	vst v0  }
0x56: {  	[tilespmem:$0x12460] =	vst v0  }
0x57: {  	s29 =	simm.s32 $0x90C0;
	s28 =	rddreg [dreg:$0x9];
	[tilespmem:$0x12470] =	vst v0  }
0x58: {  	[tilespmem:s29], [sflag:$0x1] =	stream.linear.gather [hbm4b:s28+s1], $0x4860, $0x38;
	[tilespmem:$0x130D0] =	vst v63  }
0x59: {  	s31 =	simm.s32 $0xD920;
	s26 =	simm.s32 $0x0;
	s30 =	rddreg [dreg:$0xa]  }
0x5a: {  	[tilespmem:s31], [sflag:$0x2] =	stream.linear.gather [hbm4b:s30+s1], $0x4860, $0x38;
	[tilespmem:$0x130D0] =	vst v63  }
.LBB2_2:
0x5b: {  	_ =	swait.ge [sflag:s18], $0x4860  }
0x5c: {  	[sflag:s18] =	ssyncset.done $0x0  }
0x5d: {  	s28 =	simm.s32 $0x20;
	[sflag:s18] =	ssyncadd.s32 $0xFFFFB7A0  }
0x5e: {  	v3 =	vld [tilespmem:s28+$0x10]  }
0x5f: {  	v4 =	vld [tilespmem:s28+$0xFFFFFFE0]  }
0x60: {  	v7 =	vld [tilespmem:s28+$0x0]  }
0x61: {  	v6 =	vld [tilespmem:s28+$0xFFFFFFF0]  }
0x62: {  	s29 =	simm.s32 $0x9100  }
0x63: {  	v1 =	vld [tilespmem:s29+$0xFFFFFFF0]  }
0x64: {  	v9 =	vld [tilespmem:s29+$0xFFFFFFC0];
	v8 =	vand.u32 $0xFFFF, v4;
	v5 =	vand.u32 $0xFFFF, v3  }
0x65: {  	v11 =	vld [tilespmem:s29+$0x20];
	v10 =	vshrl.u32 v4, $0x10;
	v3 =	vshrl.u32 v3, $0x10;
	v13 =	vand.u32 $0xFFFF, v7  }
0x66: {  	v15 =	vld [tilespmem:s29+$0x0];
	v18 =	vshrl.u32 v6, $0x10;
	v12 =	vadd.s32 $0x240, v5;
	v5 =	vadd.s32 $0x60, v10  }
0x67: {  	v4 =	vld [tilespmem:s29+$0x30];
	v10 =	vand.u32 $0x7, v10;
	v13 =	vadd.s32 $0x180, v13;
	v16 =	vadd.s32 $0x2A0, v3  }
0x68: {  	v17 =	vand.u32 $0x7, v3;
	v14 =	vand.u32 $0x1FFF8, v5;
	v5 =	vld [tilespmem:s29+$0xFFFFFFD0];
	v16 =	vand.u32 $0x1FFF8, v16  }
0x69: {  	[tilespmem:v8+s21+$0x0] =	vst.idx.add.f32.msk $0xffff, v9;
	v8 =	vand.u32 $0xFFFF, v6;
	v6 =	vor.u32 v10, v14;
	v10 =	vor.u32 v17, v16  }
0x6a: {  	v2 =	vld [tilespmem:s29+$0xFFFFFFE0]  }
0x6b: {  	v3 =	vshrl.u32 v7, $0x10;
	v9 =	vadd.s32 $0x120, v18;
	[tilespmem:v12+s21+$0x0] =	vst.idx.add.f32.msk $0xffff, v11  }
0x6c: {  	s3 =	simm.s32 $0x0;
	v7 =	vand.u32 $0x7, v18;
	v63 =	vadd.s32 $0x1E0, v3;
	v11 =	vand.u32 $0x1FFF8, v9;
	v9 =	vld [tilespmem:s29+$0x10]  }
0x6d: {  	s2 =	simm.s32 $0x60;
	s30 =	simm.s32 $0x2400;
	s0 =	simm.s32 $0xD8C0;
	v8 =	vadd.s32 $0xC0, v8;
	[tilespmem:v13+s21+$0x0] =	vst.idx.add.f32.msk $0xffff, v15;
	v7 =	vor.u32 v7, v11;
	v11 =	vand.u32 $0x1FFF8, v63  }
.LBB2_3:
0x6e: {  	s3 =	sadd.s32 $0x4, s3;
	[tilespmem:v10+s21+$0x0] =	vst.idx.add.f32.msk $0xffff, v4;
	s28 =	sadd.s32 $0x40, s28;
	s29 =	sadd.s32 $0x80, s29  }
0x6f: {  	v3 =	vand.u32 $0x7, v3;
	v10 =	vld [tilespmem:s28+$0xFFFFFFF0];
	p0 =	slt.u32 s3, $0x23C  }
0x70: {  	v3 =	vor.u32 v3, v11;
	v4 =	vld [tilespmem:s28+$0x0]  }
0x71: {  	v11 =	vld [tilespmem:s28+$0x10]  }
0x72: {  	v12 =	vld [tilespmem:s28+$0xFFFFFFE0]  }
0x73: {  	[tilespmem:v6+s21+$0x0] =	vst.idx.add.f32.msk $0xffff, v5  }
0x74: {  	[tilespmem:v8+s21+$0x0] =	vst.idx.add.f32.msk $0xffff, v2  }
0x75: {  	[tilespmem:v7+s21+$0x0] =	vst.idx.add.f32.msk $0xffff, v1  }
0x76: {  	[tilespmem:v3+s21+$0x0] =	vst.idx.add.f32.msk $0xffff, v9  }
0x77: {  	v3 =	vshrl.u32 v11, $0x10;
	v2 =	vshrl.u32 v12, $0x10;
	v7 =	vand.u32 $0xFFFF, v12;
	v1 =	vld [tilespmem:s29+$0xFFFFFFF0]  }
0x78: {  	v8 =	vand.u32 $0xFFFF, v11;
	v5 =	vadd.s32 $0x60, v2;
	v6 =	vand.u32 $0x7, v2;
	v2 =	vld [tilespmem:s29+$0xFFFFFFE0]  }
0x79: {  	v12 =	vand.u32 $0x7, v3;
	v9 =	vld [tilespmem:s29+$0xFFFFFFC0];
	v11 =	vand.u32 $0x1FFF8, v5;
	v5 =	vadd.s32 $0x2A0, v3  }
0x7a: {  	v13 =	vshrl.u32 v10, $0x10;
	v15 =	vadd.s32 $0x240, v8;
	v3 =	vshrl.u32 v4, $0x10;
	v14 =	vld [tilespmem:s29+$0x20]  }
0x7b: {  	v16 =	vand.u32 $0x7, v13;
	v8 =	vand.u32 $0xFFFF, v4;
	v17 =	vand.u32 $0x1FFF8, v5;
	v4 =	vld [tilespmem:s29+$0x30]  }
0x7c: {  	v18 =	vand.u32 $0xFFFF, v10;
	v10 =	vadd.s32 $0x120, v13;
	v19 =	vadd.s32 $0x180, v8;
	v13 =	vld [tilespmem:s29+$0x0]  }
.Ltmp0:
0x7d: {  	v6 =	vor.u32 v6, v11;
	v11 =	vand.u32 $0x1FFF8, v10;
	v10 =	vor.u32 v12, v17;
	v5 =	vld [tilespmem:s29+$0xFFFFFFD0];
	(pc) =	sbr.rel @p0 .LBB2_3-.Ltmp0, $4  }
0x7e: {  	v8 =	vadd.s32 $0xC0, v18;
	[tilespmem:v7+s21+$0x0] =	vst.idx.add.f32.msk $0xffff, v9;
	v7 =	vor.u32 v16, v11;
	v9 =	vadd.s32 $0x1E0, v3  }
0x7f: {  	v11 =	vand.u32 $0x1FFF8, v9;
	[tilespmem:v15+s21+$0x0] =	vst.idx.add.f32.msk $0xffff, v14  }
0x80: {  	v9 =	vld [tilespmem:s29+$0x10]  }
0x81: {  	[tilespmem:v19+s21+$0x0] =	vst.idx.add.f32.msk $0xffff, v13  }
0x82: {  	_ =	sdelay $0x1  }
0x83: {  	v3 =	vand.u32 $0x7, v3  }
0x84: {  	v3 =	vor.u32 v3, v11  }
0x85: {  	[tilespmem:v10+s21+$0x0] =	vst.idx.add.f32.msk $0xffff, v4  }
0x86: {  	[tilespmem:v6+s21+$0x0] =	vst.idx.add.f32.msk $0xffff, v5  }
0x87: {  	[tilespmem:v8+s21+$0x0] =	vst.idx.add.f32.msk $0xffff, v2  }
0x88: {  	[tilespmem:v7+s21+$0x0] =	vst.idx.add.f32.msk $0xffff, v1  }
0x89: {  	[tilespmem:v3+s21+$0x0] =	vst.idx.add.f32.msk $0xffff, v9  }
.LBB2_5:
0x8a: {  	v1 =	vld [tilespmem:s30+$0x0];
	_ =	sdelay $0x4  }
0x8b: {  	s3 =	sadd.s32 $0xFFFFFFA0, s2;
	v2 =	vand.u32 $0xFFF8, v1;
	v3 =	vshrl.u32 v1, $0x10  }
0x8c: {  	v1 =	vand.u32 $0x7, v1;
	v2 =	vadd.s32 s3, v2;
	v4 =	vadd.s32 s2, v3  }
0x8d: {  	v5 =	vld [tilespmem:s0+$0x0];
	v3 =	vand.u32 $0x7, v3;
	v1 =	vor.u32 v1, v2;
	v2 =	vand.u32 $0x1FFF8, v4  }
0x8e: {  	v63 =	vld [tilespmem:s0+$0x10];
	p0 =	sne.s32 s2, $0x1E0;
	v2 =	vor.u32 v3, v2  }
.Ltmp1:
0x8f: {  	_ = 	snop;
	(pc) =	sbr.rel @p0 .LBB2_5-.Ltmp1, $3  }
0x90: {  	_ =	sdelay $0x1  }
0x91: {  	[tilespmem:v1+s21+$0x0] =	vst.idx.add.f32.msk $0xffff, v5  }
0x92: {  	s30 =	sadd.s32 $0x10, s30;
	s0 =	sadd.s32 $0x20, s0;
	s2 =	sadd.s32 $0xC0, s2;
	[tilespmem:v2+s21+$0x0] =	vst.idx.add.f32.msk $0xffff, v63  }
0x93: {  	s0 =	rddreg [dreg:$0x8]  }
0x94: {  	s0 =	sadd.s32 s0, s26  }
0x95: {  	s28 =	smul.u32 $0x12180, s0;
	_ =	sdelay $0x1  }
0x96: {  	s0 =	sshrl.u32 s28, $0x3  }
0x97: {  	s29 =	sadd.s32 s5, s0  }
0x98: {  	s2 =	simm.s32 $0x90C0;
	s0 =	sadd.s32 $0x1218, s29  }
0x99: {  	[tilespmem:s2], [sflag:$0x1] =	stream.linear.gather [hbm4b:s0+s1], $0x4860, $0x38;
	[tilespmem:$0x130D0] =	vst v63  }
0x9a: {  	_ =	swait.ge [sflag:s22], $0x4860  }
0x9b: {  	[sflag:s22] =	ssyncset.done $0x0  }
0x9c: {  	s30 =	simm.s32 $0x2460;
	[sflag:s22] =	ssyncadd.s32 $0xFFFFB7A0  }
0x9d: {  	v3 =	vld [tilespmem:s30+$0x0]  }
0x9e: {  	v4 =	vld [tilespmem:s30+$0xFFFFFFD0]  }
0x9f: {  	v7 =	vld [tilespmem:s30+$0xFFFFFFF0]  }
0xa0: {  	v6 =	vld [tilespmem:s30+$0xFFFFFFE0]  }
0xa1: {  	s31 =	simm.s32 $0xD960  }
0xa2: {  	v1 =	vld [tilespmem:s31+$0xFFFFFFF0]  }
0xa3: {  	v9 =	vld [tilespmem:s31+$0xFFFFFFC0];
	v8 =	vand.u32 $0xFFFF, v4;
	v5 =	vand.u32 $0xFFFF, v3  }
0xa4: {  	v11 =	vld [tilespmem:s31+$0x20];
	v10 =	vshrl.u32 v4, $0x10;
	v3 =	vshrl.u32 v3, $0x10;
	v13 =	vand.u32 $0xFFFF, v7  }
0xa5: {  	v15 =	vld [tilespmem:s31+$0x0];
	v18 =	vshrl.u32 v6, $0x10;
	v12 =	vadd.s32 $0x240, v5;
	v5 =	vadd.s32 $0x60, v10  }
0xa6: {  	v4 =	vld [tilespmem:s31+$0x30];
	v10 =	vand.u32 $0x7, v10;
	v13 =	vadd.s32 $0x180, v13;
	v16 =	vadd.s32 $0x2A0, v3  }
0xa7: {  	v17 =	vand.u32 $0x7, v3;
	v14 =	vand.u32 $0x1FFF8, v5;
	v5 =	vld [tilespmem:s31+$0xFFFFFFD0];
	v16 =	vand.u32 $0x1FFF8, v16  }
0xa8: {  	[tilespmem:v8+s21+$0x0] =	vst.idx.add.f32.msk $0xffff, v9;
	v9 =	vand.u32 $0xFFFF, v6;
	v6 =	vor.u32 v10, v14;
	v10 =	vor.u32 v17, v16  }
0xa9: {  	v2 =	vld [tilespmem:s31+$0xFFFFFFE0]  }
0xaa: {  	v3 =	vshrl.u32 v7, $0x10;
	v8 =	vadd.s32 $0x120, v18;
	[tilespmem:v12+s21+$0x0] =	vst.idx.add.f32.msk $0xffff, v11  }
0xab: {  	v7 =	vand.u32 $0x7, v18;
	v63 =	vadd.s32 $0x1E0, v3;
	v11 =	vand.u32 $0x1FFF8, v8;
	v8 =	vld [tilespmem:s31+$0x10]  }
0xac: {  	s3 =	simm.s32 $0x0;
	s2 =	simm.s32 $0x4830;
	s0 =	simm.s32 $0x12120;
	v9 =	vadd.s32 $0xC0, v9;
	[tilespmem:v13+s21+$0x0] =	vst.idx.add.f32.msk $0xffff, v15;
	v7 =	vor.u32 v7, v11;
	v11 =	vand.u32 $0x1FFF8, v63  }
.LBB2_7:
0xad: {  	s3 =	sadd.s32 $0x4, s3;
	[tilespmem:v10+s21+$0x0] =	vst.idx.add.f32.msk $0xffff, v4;
	s30 =	sadd.s32 $0x40, s30;
	s31 =	sadd.s32 $0x80, s31  }
0xae: {  	v3 =	vand.u32 $0x7, v3;
	v10 =	vld [tilespmem:s30+$0xFFFFFFE0];
	p0 =	slt.u32 s3, $0x23C  }
0xaf: {  	v3 =	vor.u32 v3, v11;
	v4 =	vld [tilespmem:s30+$0xFFFFFFF0]  }
0xb0: {  	v11 =	vld [tilespmem:s30+$0x0]  }
0xb1: {  	v12 =	vld [tilespmem:s30+$0xFFFFFFD0]  }
0xb2: {  	[tilespmem:v6+s21+$0x0] =	vst.idx.add.f32.msk $0xffff, v5  }
0xb3: {  	[tilespmem:v9+s21+$0x0] =	vst.idx.add.f32.msk $0xffff, v2  }
0xb4: {  	[tilespmem:v7+s21+$0x0] =	vst.idx.add.f32.msk $0xffff, v1  }
0xb5: {  	[tilespmem:v3+s21+$0x0] =	vst.idx.add.f32.msk $0xffff, v8  }
0xb6: {  	v3 =	vshrl.u32 v11, $0x10;
	v2 =	vshrl.u32 v12, $0x10;
	v7 =	vand.u32 $0xFFFF, v12;
	v1 =	vld [tilespmem:s31+$0xFFFFFFF0]  }
0xb7: {  	v8 =	vand.u32 $0xFFFF, v11;
	v5 =	vadd.s32 $0x60, v2;
	v6 =	vand.u32 $0x7, v2;
	v2 =	vld [tilespmem:s31+$0xFFFFFFE0]  }
0xb8: {  	v12 =	vand.u32 $0x7, v3;
	v9 =	vld [tilespmem:s31+$0xFFFFFFC0];
	v11 =	vand.u32 $0x1FFF8, v5;
	v5 =	vadd.s32 $0x2A0, v3  }
0xb9: {  	v13 =	vshrl.u32 v10, $0x10;
	v8 =	vadd.s32 $0x240, v8;
	v3 =	vshrl.u32 v4, $0x10;
	v14 =	vld [tilespmem:s31+$0x20]  }
0xba: {  	v15 =	vand.u32 $0x7, v13;
	v16 =	vand.u32 $0xFFFF, v4;
	v17 =	vand.u32 $0x1FFF8, v5;
	v4 =	vld [tilespmem:s31+$0x30]  }
0xbb: {  	v18 =	vand.u32 $0xFFFF, v10;
	v10 =	vadd.s32 $0x120, v13;
	v16 =	vadd.s32 $0x180, v16;
	v13 =	vld [tilespmem:s31+$0x0]  }
.Ltmp2:
0xbc: {  	v6 =	vor.u32 v6, v11;
	v11 =	vand.u32 $0x1FFF8, v10;
	v10 =	vor.u32 v12, v17;
	v5 =	vld [tilespmem:s31+$0xFFFFFFD0];
	(pc) =	sbr.rel @p0 .LBB2_7-.Ltmp2, $4  }
0xbd: {  	[tilespmem:v7+s21+$0x0] =	vst.idx.add.f32.msk $0xffff, v9;
	v9 =	vadd.s32 $0xC0, v18;
	v7 =	vor.u32 v15, v11;
	v11 =	vadd.s32 $0x1E0, v3  }
0xbe: {  	v11 =	vand.u32 $0x1FFF8, v11;
	[tilespmem:v8+s21+$0x0] =	vst.idx.add.f32.msk $0xffff, v14  }
0xbf: {  	v8 =	vld [tilespmem:s31+$0x10]  }
0xc0: {  	s4 =	simm.s32 $0x60;
	[tilespmem:v16+s21+$0x0] =	vst.idx.add.f32.msk $0xffff, v13  }
0xc1: {  	_ =	sdelay $0x1  }
0xc2: {  	v3 =	vand.u32 $0x7, v3  }
0xc3: {  	v3 =	vor.u32 v3, v11  }
0xc4: {  	[tilespmem:v10+s21+$0x0] =	vst.idx.add.f32.msk $0xffff, v4  }
0xc5: {  	[tilespmem:v6+s21+$0x0] =	vst.idx.add.f32.msk $0xffff, v5  }
0xc6: {  	[tilespmem:v9+s21+$0x0] =	vst.idx.add.f32.msk $0xffff, v2  }
0xc7: {  	[tilespmem:v7+s21+$0x0] =	vst.idx.add.f32.msk $0xffff, v1  }
0xc8: {  	[tilespmem:v3+s21+$0x0] =	vst.idx.add.f32.msk $0xffff, v8  }
.LBB2_9:
0xc9: {  	v1 =	vld [tilespmem:s2+$0x0];
	_ =	sdelay $0x4  }
0xca: {  	s3 =	sadd.s32 $0xFFFFFFA0, s4;
	v2 =	vand.u32 $0xFFF8, v1;
	v3 =	vshrl.u32 v1, $0x10  }
0xcb: {  	v1 =	vand.u32 $0x7, v1;
	v2 =	vadd.s32 s3, v2;
	v4 =	vadd.s32 s4, v3  }
0xcc: {  	v5 =	vld [tilespmem:s0+$0x0];
	v3 =	vand.u32 $0x7, v3;
	v1 =	vor.u32 v1, v2;
	v2 =	vand.u32 $0x1FFF8, v4  }
0xcd: {  	v63 =	vld [tilespmem:s0+$0x10];
	p0 =	sne.s32 s4, $0x1E0;
	v2 =	vor.u32 v3, v2  }
.Ltmp3:
0xce: {  	_ = 	snop;
	(pc) =	sbr.rel @p0 .LBB2_9-.Ltmp3, $3  }
0xcf: {  	_ =	sdelay $0x1  }
0xd0: {  	[tilespmem:v1+s21+$0x0] =	vst.idx.add.f32.msk $0xffff, v5  }
0xd1: {  	s2 =	sadd.s32 $0x10, s2;
	s0 =	sadd.s32 $0x20, s0;
	s4 =	sadd.s32 $0xC0, s4;
	[tilespmem:v2+s21+$0x0] =	vst.idx.add.f32.msk $0xffff, v63  }
0xd2: {  	s0 =	sadd.s32 $0x1B24, s29;
	s2 =	simm.s32 $0xD920  }
0xd3: {  	[tilespmem:s2], [sflag:$0x2] =	stream.linear.gather [hbm4b:s0+s1], $0x4860, $0x38;
	[tilespmem:$0x130D0] =	vst v63  }
0xd4: {  	_ =	swait.ge [sflag:s18], $0x4860  }
0xd5: {  	[sflag:s18] =	ssyncset.done $0x0  }
0xd6: {  	s29 =	simm.s32 $0x4860;
	[sflag:s18] =	ssyncadd.s32 $0xFFFFB7A0  }
0xd7: {  	v3 =	vld [tilespmem:s29+$0x30]  }
0xd8: {  	v4 =	vld [tilespmem:s29+$0x0]  }
0xd9: {  	v7 =	vld [tilespmem:s29+$0x20]  }
0xda: {  	v6 =	vld [tilespmem:s29+$0x10]  }
0xdb: {  	s30 =	simm.s32 $0x9100  }
0xdc: {  	v1 =	vld [tilespmem:s30+$0xFFFFFFF0]  }
0xdd: {  	v9 =	vld [tilespmem:s30+$0xFFFFFFC0];
	v8 =	vand.u32 $0xFFFF, v4;
	v5 =	vand.u32 $0xFFFF, v3  }
0xde: {  	v11 =	vld [tilespmem:s30+$0x20];
	v10 =	vshrl.u32 v4, $0x10;
	v3 =	vshrl.u32 v3, $0x10;
	v13 =	vand.u32 $0xFFFF, v7  }
0xdf: {  	v15 =	vld [tilespmem:s30+$0x0];
	v18 =	vshrl.u32 v6, $0x10;
	v12 =	vadd.s32 $0x240, v5;
	v5 =	vadd.s32 $0x60, v10  }
0xe0: {  	v4 =	vld [tilespmem:s30+$0x30];
	v10 =	vand.u32 $0x7, v10;
	v13 =	vadd.s32 $0x180, v13;
	v16 =	vadd.s32 $0x2A0, v3  }
0xe1: {  	v17 =	vand.u32 $0x7, v3;
	v14 =	vand.u32 $0x1FFF8, v5;
	v5 =	vld [tilespmem:s30+$0xFFFFFFD0];
	v16 =	vand.u32 $0x1FFF8, v16  }
0xe2: {  	[tilespmem:v8+s21+$0x0] =	vst.idx.add.f32.msk $0xffff, v9;
	v9 =	vand.u32 $0xFFFF, v6;
	v6 =	vor.u32 v10, v14;
	v10 =	vor.u32 v17, v16  }
0xe3: {  	v2 =	vld [tilespmem:s30+$0xFFFFFFE0]  }
0xe4: {  	v3 =	vshrl.u32 v7, $0x10;
	v8 =	vadd.s32 $0x120, v18;
	[tilespmem:v12+s21+$0x0] =	vst.idx.add.f32.msk $0xffff, v11  }
0xe5: {  	v7 =	vand.u32 $0x7, v18;
	v63 =	vadd.s32 $0x1E0, v3;
	v11 =	vand.u32 $0x1FFF8, v8;
	v8 =	vld [tilespmem:s30+$0x10]  }
0xe6: {  	s0 =	simm.s32 $0x0;
	s2 =	simm.s32 $0x6C60;
	v9 =	vadd.s32 $0xC0, v9;
	[tilespmem:v13+s21+$0x0] =	vst.idx.add.f32.msk $0xffff, v15;
	v7 =	vor.u32 v7, v11;
	v11 =	vand.u32 $0x1FFF8, v63  }
.LBB2_11:
0xe7: {  	s0 =	sadd.s32 $0x4, s0;
	[tilespmem:v10+s21+$0x0] =	vst.idx.add.f32.msk $0xffff, v4;
	s29 =	sadd.s32 $0x40, s29;
	s30 =	sadd.s32 $0x80, s30  }
0xe8: {  	v3 =	vand.u32 $0x7, v3;
	v10 =	vld [tilespmem:s29+$0x10];
	p0 =	slt.u32 s0, $0x23C  }
0xe9: {  	v3 =	vor.u32 v3, v11;
	v4 =	vld [tilespmem:s29+$0x20]  }
0xea: {  	v11 =	vld [tilespmem:s29+$0x30]  }
0xeb: {  	v12 =	vld [tilespmem:s29+$0x0]  }
0xec: {  	[tilespmem:v6+s21+$0x0] =	vst.idx.add.f32.msk $0xffff, v5  }
0xed: {  	[tilespmem:v9+s21+$0x0] =	vst.idx.add.f32.msk $0xffff, v2  }
0xee: {  	[tilespmem:v7+s21+$0x0] =	vst.idx.add.f32.msk $0xffff, v1  }
0xef: {  	[tilespmem:v3+s21+$0x0] =	vst.idx.add.f32.msk $0xffff, v8  }
0xf0: {  	v3 =	vshrl.u32 v11, $0x10;
	v2 =	vshrl.u32 v12, $0x10;
	v7 =	vand.u32 $0xFFFF, v12;
	v1 =	vld [tilespmem:s30+$0xFFFFFFF0]  }
0xf1: {  	v8 =	vand.u32 $0xFFFF, v11;
	v5 =	vadd.s32 $0x60, v2;
	v6 =	vand.u32 $0x7, v2;
	v2 =	vld [tilespmem:s30+$0xFFFFFFE0]  }
0xf2: {  	v12 =	vand.u32 $0x7, v3;
	v9 =	vld [tilespmem:s30+$0xFFFFFFC0];
	v11 =	vand.u32 $0x1FFF8, v5;
	v5 =	vadd.s32 $0x2A0, v3  }
0xf3: {  	v13 =	vshrl.u32 v10, $0x10;
	v8 =	vadd.s32 $0x240, v8;
	v3 =	vshrl.u32 v4, $0x10;
	v14 =	vld [tilespmem:s30+$0x20]  }
0xf4: {  	v15 =	vand.u32 $0x7, v13;
	v16 =	vand.u32 $0xFFFF, v4;
	v17 =	vand.u32 $0x1FFF8, v5;
	v4 =	vld [tilespmem:s30+$0x30]  }
0xf5: {  	v18 =	vand.u32 $0xFFFF, v10;
	v10 =	vadd.s32 $0x120, v13;
	v16 =	vadd.s32 $0x180, v16;
	v13 =	vld [tilespmem:s30+$0x0]  }
.Ltmp4:
0xf6: {  	v6 =	vor.u32 v6, v11;
	v11 =	vand.u32 $0x1FFF8, v10;
	v10 =	vor.u32 v12, v17;
	v5 =	vld [tilespmem:s30+$0xFFFFFFD0];
	(pc) =	sbr.rel @p0 .LBB2_11-.Ltmp4, $4  }
0xf7: {  	[tilespmem:v7+s21+$0x0] =	vst.idx.add.f32.msk $0xffff, v9;
	v9 =	vadd.s32 $0xC0, v18;
	v7 =	vor.u32 v15, v11;
	v11 =	vadd.s32 $0x1E0, v3  }
0xf8: {  	v11 =	vand.u32 $0x1FFF8, v11;
	[tilespmem:v8+s21+$0x0] =	vst.idx.add.f32.msk $0xffff, v14  }
0xf9: {  	v8 =	vld [tilespmem:s30+$0x10]  }
0xfa: {  	s3 =	simm.s32 $0x60;
	s4 =	simm.s32 $0xD8C0;
	[tilespmem:v16+s21+$0x0] =	vst.idx.add.f32.msk $0xffff, v13  }
0xfb: {  	_ =	sdelay $0x1  }
0xfc: {  	v3 =	vand.u32 $0x7, v3  }
0xfd: {  	v3 =	vor.u32 v3, v11  }
0xfe: {  	[tilespmem:v10+s21+$0x0] =	vst.idx.add.f32.msk $0xffff, v4  }
0xff: {  	[tilespmem:v6+s21+$0x0] =	vst.idx.add.f32.msk $0xffff, v5  }
0x100: {  	[tilespmem:v9+s21+$0x0] =	vst.idx.add.f32.msk $0xffff, v2  }
0x101: {  	[tilespmem:v7+s21+$0x0] =	vst.idx.add.f32.msk $0xffff, v1  }
0x102: {  	[tilespmem:v3+s21+$0x0] =	vst.idx.add.f32.msk $0xffff, v8  }
.LBB2_13:
0x103: {  	v1 =	vld [tilespmem:s2+$0x0];
	_ =	sdelay $0x4  }
0x104: {  	s0 =	sadd.s32 $0xFFFFFFA0, s3;
	v2 =	vand.u32 $0xFFF8, v1;
	v3 =	vshrl.u32 v1, $0x10  }
0x105: {  	v1 =	vand.u32 $0x7, v1;
	v2 =	vadd.s32 s0, v2;
	v4 =	vadd.s32 s3, v3  }
0x106: {  	v5 =	vld [tilespmem:s4+$0x0];
	v3 =	vand.u32 $0x7, v3;
	v1 =	vor.u32 v1, v2;
	v2 =	vand.u32 $0x1FFF8, v4  }
0x107: {  	v63 =	vld [tilespmem:s4+$0x10];
	p0 =	sne.s32 s3, $0x1E0;
	v2 =	vor.u32 v3, v2  }
.Ltmp5:
0x108: {  	_ = 	snop;
	(pc) =	sbr.rel @p0 .LBB2_13-.Ltmp5, $3  }
0x109: {  	_ =	sdelay $0x1  }
0x10a: {  	[tilespmem:v1+s21+$0x0] =	vst.idx.add.f32.msk $0xffff, v5  }
0x10b: {  	s2 =	sadd.s32 $0x10, s2;
	s4 =	sadd.s32 $0x20, s4;
	s3 =	sadd.s32 $0xC0, s3;
	[tilespmem:v2+s21+$0x0] =	vst.idx.add.f32.msk $0xffff, v63  }
0x10c: {  	p0 =	seq.s32 s26, $0xB  }
0x10d: {  	s0 =	sshrl.u32 @!p0 s28, $0x3  }
0x10e: {  	s28 =	sadd.s32 @!p0 s5, s0  }
0x10f: {  	s2 =	simm.s32 @!p0 $0x0;
	s3 =	simm.s32 @!p0 $0x90C0;
	s0 =	sadd.s32 @!p0 $0x2430, s28  }
0x110: {  	[tilespmem:s3], [sflag:$0x1] =	stream.linear.gather @!p0 [hbm4b:s0+s2], $0x4860, $0x38;
	[tilespmem:$0x130D0] =	vst v63  }
0x111: {  	_ =	swait.ge [sflag:s22], $0x4860  }
0x112: {  	[sflag:s22] =	ssyncset.done $0x0  }
0x113: {  	s29 =	simm.s32 $0x6C90;
	[sflag:s22] =	ssyncadd.s32 $0xFFFFB7A0  }
0x114: {  	v3 =	vld [tilespmem:s29+$0x30]  }
0x115: {  	v4 =	vld [tilespmem:s29+$0x0]  }
0x116: {  	v7 =	vld [tilespmem:s29+$0x20]  }
0x117: {  	v6 =	vld [tilespmem:s29+$0x10]  }
0x118: {  	s30 =	simm.s32 $0xD960  }
0x119: {  	v1 =	vld [tilespmem:s30+$0xFFFFFFF0]  }
0x11a: {  	v9 =	vld [tilespmem:s30+$0xFFFFFFC0];
	v8 =	vand.u32 $0xFFFF, v4;
	v5 =	vand.u32 $0xFFFF, v3  }
0x11b: {  	v11 =	vld [tilespmem:s30+$0x20];
	v10 =	vshrl.u32 v4, $0x10;
	v3 =	vshrl.u32 v3, $0x10;
	v13 =	vand.u32 $0xFFFF, v7  }
0x11c: {  	v15 =	vld [tilespmem:s30+$0x0];
	v18 =	vshrl.u32 v6, $0x10;
	v12 =	vadd.s32 $0x240, v5;
	v5 =	vadd.s32 $0x60, v10  }
0x11d: {  	v4 =	vld [tilespmem:s30+$0x30];
	v10 =	vand.u32 $0x7, v10;
	v13 =	vadd.s32 $0x180, v13;
	v16 =	vadd.s32 $0x2A0, v3  }
0x11e: {  	v17 =	vand.u32 $0x7, v3;
	v14 =	vand.u32 $0x1FFF8, v5;
	v5 =	vld [tilespmem:s30+$0xFFFFFFD0];
	v16 =	vand.u32 $0x1FFF8, v16  }
0x11f: {  	[tilespmem:v8+s21+$0x0] =	vst.idx.add.f32.msk $0xffff, v9;
	v9 =	vand.u32 $0xFFFF, v6;
	v6 =	vor.u32 v10, v14;
	v10 =	vor.u32 v17, v16  }
0x120: {  	v2 =	vld [tilespmem:s30+$0xFFFFFFE0]  }
0x121: {  	v3 =	vshrl.u32 v7, $0x10;
	v8 =	vadd.s32 $0x120, v18;
	[tilespmem:v12+s21+$0x0] =	vst.idx.add.f32.msk $0xffff, v11  }
0x122: {  	v7 =	vand.u32 $0x7, v18;
	v63 =	vadd.s32 $0x1E0, v3;
	v11 =	vand.u32 $0x1FFF8, v8;
	v8 =	vld [tilespmem:s30+$0x10]  }
0x123: {  	s0 =	simm.s32 $0x0;
	s2 =	simm.s32 $0x9090;
	v9 =	vadd.s32 $0xC0, v9;
	[tilespmem:v13+s21+$0x0] =	vst.idx.add.f32.msk $0xffff, v15;
	v7 =	vor.u32 v7, v11;
	v11 =	vand.u32 $0x1FFF8, v63  }
.LBB2_15:
0x124: {  	s0 =	sadd.s32 $0x4, s0;
	[tilespmem:v10+s21+$0x0] =	vst.idx.add.f32.msk $0xffff, v4;
	s29 =	sadd.s32 $0x40, s29;
	s30 =	sadd.s32 $0x80, s30  }
0x125: {  	v3 =	vand.u32 $0x7, v3;
	v10 =	vld [tilespmem:s29+$0x10];
	p1 =	slt.u32 s0, $0x23C  }
0x126: {  	v3 =	vor.u32 v3, v11;
	v4 =	vld [tilespmem:s29+$0x20]  }
0x127: {  	v11 =	vld [tilespmem:s29+$0x30]  }
0x128: {  	v12 =	vld [tilespmem:s29+$0x0]  }
0x129: {  	[tilespmem:v6+s21+$0x0] =	vst.idx.add.f32.msk $0xffff, v5  }
0x12a: {  	[tilespmem:v9+s21+$0x0] =	vst.idx.add.f32.msk $0xffff, v2  }
0x12b: {  	[tilespmem:v7+s21+$0x0] =	vst.idx.add.f32.msk $0xffff, v1  }
0x12c: {  	[tilespmem:v3+s21+$0x0] =	vst.idx.add.f32.msk $0xffff, v8  }
0x12d: {  	v3 =	vshrl.u32 v11, $0x10;
	v2 =	vshrl.u32 v12, $0x10;
	v7 =	vand.u32 $0xFFFF, v12;
	v1 =	vld [tilespmem:s30+$0xFFFFFFF0]  }
0x12e: {  	v8 =	vand.u32 $0xFFFF, v11;
	v5 =	vadd.s32 $0x60, v2;
	v6 =	vand.u32 $0x7, v2;
	v2 =	vld [tilespmem:s30+$0xFFFFFFE0]  }
0x12f: {  	v12 =	vand.u32 $0x7, v3;
	v9 =	vld [tilespmem:s30+$0xFFFFFFC0];
	v11 =	vand.u32 $0x1FFF8, v5;
	v5 =	vadd.s32 $0x2A0, v3  }
0x130: {  	v13 =	vshrl.u32 v10, $0x10;
	v8 =	vadd.s32 $0x240, v8;
	v3 =	vshrl.u32 v4, $0x10;
	v14 =	vld [tilespmem:s30+$0x20]  }
0x131: {  	v15 =	vand.u32 $0x7, v13;
	v16 =	vand.u32 $0xFFFF, v4;
	v17 =	vand.u32 $0x1FFF8, v5;
	v4 =	vld [tilespmem:s30+$0x30]  }
0x132: {  	v18 =	vand.u32 $0xFFFF, v10;
	v10 =	vadd.s32 $0x120, v13;
	v16 =	vadd.s32 $0x180, v16;
	v13 =	vld [tilespmem:s30+$0x0]  }
.Ltmp6:
0x133: {  	v6 =	vor.u32 v6, v11;
	v11 =	vand.u32 $0x1FFF8, v10;
	v10 =	vor.u32 v12, v17;
	v5 =	vld [tilespmem:s30+$0xFFFFFFD0];
	(pc) =	sbr.rel @p1 .LBB2_15-.Ltmp6, $4  }
0x134: {  	[tilespmem:v7+s21+$0x0] =	vst.idx.add.f32.msk $0xffff, v9;
	v9 =	vadd.s32 $0xC0, v18;
	v7 =	vor.u32 v15, v11;
	v11 =	vadd.s32 $0x1E0, v3  }
0x135: {  	v11 =	vand.u32 $0x1FFF8, v11;
	[tilespmem:v8+s21+$0x0] =	vst.idx.add.f32.msk $0xffff, v14  }
0x136: {  	v8 =	vld [tilespmem:s30+$0x10]  }
0x137: {  	s3 =	simm.s32 $0x60;
	s4 =	simm.s32 $0x12120;
	[tilespmem:v16+s21+$0x0] =	vst.idx.add.f32.msk $0xffff, v13  }
0x138: {  	_ =	sdelay $0x1  }
0x139: {  	v3 =	vand.u32 $0x7, v3  }
0x13a: {  	v3 =	vor.u32 v3, v11  }
0x13b: {  	[tilespmem:v10+s21+$0x0] =	vst.idx.add.f32.msk $0xffff, v4  }
0x13c: {  	[tilespmem:v6+s21+$0x0] =	vst.idx.add.f32.msk $0xffff, v5  }
0x13d: {  	[tilespmem:v9+s21+$0x0] =	vst.idx.add.f32.msk $0xffff, v2  }
0x13e: {  	[tilespmem:v7+s21+$0x0] =	vst.idx.add.f32.msk $0xffff, v1  }
0x13f: {  	[tilespmem:v3+s21+$0x0] =	vst.idx.add.f32.msk $0xffff, v8  }
.LBB2_17:
0x140: {  	v1 =	vld [tilespmem:s2+$0x0];
	_ =	sdelay $0x4  }
0x141: {  	s0 =	sadd.s32 $0xFFFFFFA0, s3;
	v2 =	vand.u32 $0xFFF8, v1;
	v3 =	vshrl.u32 v1, $0x10  }
0x142: {  	v1 =	vand.u32 $0x7, v1;
	v2 =	vadd.s32 s0, v2;
	v4 =	vadd.s32 s3, v3  }
0x143: {  	v5 =	vld [tilespmem:s4+$0x0];
	v3 =	vand.u32 $0x7, v3;
	v1 =	vor.u32 v1, v2;
	v2 =	vand.u32 $0x1FFF8, v4  }
0x144: {  	v63 =	vld [tilespmem:s4+$0x10];
	p1 =	sne.s32 s3, $0x1E0;
	v2 =	vor.u32 v3, v2  }
.Ltmp7:
0x145: {  	_ = 	snop;
	(pc) =	sbr.rel @p1 .LBB2_17-.Ltmp7, $3  }
0x146: {  	_ =	sdelay $0x1  }
0x147: {  	[tilespmem:v1+s21+$0x0] =	vst.idx.add.f32.msk $0xffff, v5  }
0x148: {  	s2 =	sadd.s32 $0x10, s2;
	s4 =	sadd.s32 $0x20, s4;
	s3 =	sadd.s32 $0xC0, s3;
	[tilespmem:v2+s21+$0x0] =	vst.idx.add.f32.msk $0xffff, v63  }
0x149: {  	s0 =	sadd.s32 @!p0 $0x2D3C, s28;
	s2 =	simm.s32 @!p0 $0x0;
	s3 =	simm.s32 @!p0 $0xD920  }
0x14a: {  	[tilespmem:s3], [sflag:$0x2] =	stream.linear.gather @!p0 [hbm4b:s0+s2], $0x4860, $0x38;
	[tilespmem:$0x130D0] =	vst v63  }
0x14b: {  	v1 =	vld [tilespmem:$0x12180]  }
0x14c: {  	v2 =	vld [tilespmem:$0x121E0];
	_ =	sdelay $0x1  }
0x14d: {  	v3 =	vld [tilespmem:$0x12240];
	_ =	sdelay $0x1  }
0x14e: {  	v4 =	vld [tilespmem:$0x122A0]  }
0x14f: {  	v1 =	vadd.f32 v2, v1  }
0x150: {  	v2 =	vld [tilespmem:$0x12300]  }
0x151: {  	v1 =	vadd.f32 v3, v1  }
0x152: {  	v3 =	vld [tilespmem:$0x12360]  }
0x153: {  	v1 =	vadd.f32 v4, v1  }
0x154: {  	v27 =	vld [tilespmem:$0x123C0]  }
0x155: {  	v1 =	vadd.f32 v2, v1  }
0x156: {  	v2 =	vld [tilespmem:$0x12420]  }
0x157: {  	v1 =	vadd.f32 v3, v1;
	_ =	sdelay $0x1  }
0x158: {  	v28 =	vld [tilespmem:$0x121F0];
	v1 =	vadd.f32 v27, v1  }
0x159: {  	v3 =	vld [tilespmem:$0x12190]  }
0x15a: {  	v1 =	vadd.f32 v2, v1  }
0x15b: {  	v2 =	vld [tilespmem:$0x12250]  }
0x15c: {  	(v2sf) =	vpush v1, $0x0  }
0x15d: {  	v5 =	vld [tilespmem:$0x122B0];
	(v2sf) =	vpush v1, $0x1  }
0x15e: {  	v3 =	vadd.f32 v28, v3;
	(v2sf) =	vpush v1, $0x2  }
0x15f: {  	v29 =	vld [tilespmem:$0x12310];
	(v2sf) =	vpush v1, $0x3  }
0x160: {  	v2 =	vadd.f32 v2, v3;
	(v2sf) =	vpush v1, $0x4  }
0x161: {  	v3 =	vld [tilespmem:$0x12370];
	(v2sf) =	vpush v1, $0x5  }
0x162: {  	v2 =	vadd.f32 v5, v2;
	(v2sf) =	vpush v1, $0x6  }
0x163: {  	v30 =	vld [tilespmem:$0x123D0];
	(v2sf) =	vpush v1, $0x7  }
0x164: {  	v2 =	vadd.f32 v29, v2;
	(v2sf) =	vpush v1, $0x8  }
0x165: {  	v31 =	vld [tilespmem:$0x12430];
	(v2sf) =	vpush v1, $0x9  }
0x166: {  	v2 =	vadd.f32 v3, v2;
	(v2sf) =	vpush v1, $0xA  }
0x167: {  	(v2sf) =	vpush v1, $0xB  }
0x168: {  	v32 =	vld [tilespmem:$0x12200];
	v2 =	vadd.f32 v30, v2;
	(v2sf) =	vpush v1, $0xC  }
0x169: {  	v3 =	vld [tilespmem:$0x121A0];
	(v2sf) =	vpush v1, $0xD  }
0x16a: {  	v2 =	vadd.f32 v31, v2;
	(v2sf) =	vpush v1, $0xE  }
0x16b: {  	s7 =	spop (v2sf);
	(v2sf) =	vpush v1, $0xF;
	v1 =	vld [tilespmem:$0x12260]  }
0x16c: {  	s8 =	spop (v2sf);
	(v2sf) =	vpush v2, $0x0  }
0x16d: {  	v33 =	vld [tilespmem:$0x122C0];
	s11 =	spop (v2sf);
	(v2sf) =	vpush v2, $0x1  }
0x16e: {  	v3 =	vadd.f32 v32, v3;
	s16 =	spop (v2sf);
	(v2sf) =	vpush v2, $0x2  }
0x16f: {  	v34 =	vld [tilespmem:$0x12320];
	s17 =	spop (v2sf);
	(v2sf) =	vpush v2, $0x3  }
0x170: {  	s6 =	spop (v2sf);
	(v2sf) =	vpush v2, $0x4;
	v1 =	vadd.f32 v1, v3  }
0x171: {  	v3 =	vld [tilespmem:$0x12380];
	s15 =	spop (v2sf);
	(v2sf) =	vpush v2, $0x5  }
0x172: {  	s14 =	spop (v2sf);
	(v2sf) =	vpush v2, $0x6;
	v1 =	vadd.f32 v33, v1  }
0x173: {  	v35 =	vld [tilespmem:$0x123E0];
	s4 =	spop (v2sf);
	(v2sf) =	vpush v2, $0x7  }
0x174: {  	s20 =	spop (v2sf);
	(v2sf) =	vpush v2, $0x8;
	v1 =	vadd.f32 v34, v1  }
0x175: {  	v36 =	vld [tilespmem:$0x12440];
	s31 =	spop (v2sf);
	(v2sf) =	vpush v2, $0x9  }
0x176: {  	s30 =	spop (v2sf);
	(v2sf) =	vpush v2, $0xA;
	v1 =	vadd.f32 v3, v1  }
0x177: {  	s29 =	spop (v2sf);
	(v2sf) =	vpush v2, $0xB  }
0x178: {  	v37 =	vld [tilespmem:$0x12210];
	s0 =	spop (v2sf);
	(v2sf) =	vpush v2, $0xC;
	v1 =	vadd.f32 v35, v1  }
0x179: {  	s7 =	sadd.f32 s8, s7;
	v3 =	vld [tilespmem:$0x121B0];
	s28 =	spop (v2sf);
	(v2sf) =	vpush v2, $0xD  }
0x17a: {  	s2 =	spop (v2sf);
	(v2sf) =	vpush v2, $0xE;
	v1 =	vadd.f32 v36, v1  }
0x17b: {  	s7 =	sadd.f32 s7, s11;
	s23 =	spop (v2sf);
	(v2sf) =	vpush v2, $0xF;
	v2 =	vld [tilespmem:$0x12270]  }
0x17c: {  	s24 =	spop (v2sf);
	(v2sf) =	vpush v1, $0x0  }
0x17d: {  	v38 =	vld [tilespmem:$0x122D0];
	s7 =	sadd.f32 s7, s16;
	s12 =	spop (v2sf);
	(v2sf) =	vpush v1, $0x1  }
0x17e: {  	v3 =	vadd.f32 v37, v3;
	s25 =	spop (v2sf);
	(v2sf) =	vpush v1, $0x2  }
0x17f: {  	v39 =	vld [tilespmem:$0x12330];
	s7 =	sadd.f32 s7, s17;
	s13 =	spop (v2sf);
	(v2sf) =	vpush v1, $0x3  }
0x180: {  	s8 =	sadd.f32 s24, s23;
	s1 =	spop (v2sf);
	(v2sf) =	vpush v1, $0x4;
	v2 =	vadd.f32 v2, v3  }
0x181: {  	s6 =	sadd.f32 s7, s6;
	v3 =	vld [tilespmem:$0x12390];
	s10 =	spop (v2sf);
	(v2sf) =	vpush v1, $0x5  }
0x182: {  	s8 =	sadd.f32 s8, s12;
	s9 =	spop (v2sf);
	(v2sf) =	vpush v1, $0x6;
	v2 =	vadd.f32 v38, v2  }
0x183: {  	v40 =	vld [tilespmem:$0x123F0];
	s6 =	sadd.f32 s6, s15;
	s12 =	spop (v2sf);
	(v2sf) =	vpush v1, $0x7  }
0x184: {  	s11 =	sadd.f32 s8, s25;
	s24 =	spop (v2sf);
	(v2sf) =	vpush v1, $0x8;
	v2 =	vadd.f32 v39, v2  }
0x185: {  	v41 =	vld [tilespmem:$0x12450];
	s15 =	sadd.f32 s6, s14;
	s25 =	spop (v2sf);
	(v2sf) =	vpush v1, $0x9  }
0x186: {  	s7 =	sadd.f32 s11, s13;
	s19 =	spop (v2sf);
	(v2sf) =	vpush v1, $0xA;
	v2 =	vadd.f32 v3, v2  }
0x187: {  	s4 =	sadd.f32 s15, s4;
	s13 =	spop (v2sf);
	(v2sf) =	vpush v1, $0xB  }
0x188: {  	v42 =	vld [tilespmem:$0x12220];
	s7 =	sadd.f32 s7, s1;
	s8 =	spop (v2sf);
	(v2sf) =	vpush v1, $0xC;
	v2 =	vadd.f32 v40, v2  }
0x189: {  	s3 =	sadd.f32 s4, s20;
	v3 =	vld [tilespmem:$0x121C0];
	s6 =	spop (v2sf);
	(v2sf) =	vpush v1, $0xD  }
0x18a: {  	s7 =	sadd.f32 s7, s10;
	s23 =	spop (v2sf);
	(v2sf) =	vpush v1, $0xE;
	v2 =	vadd.f32 v41, v2  }
0x18b: {  	s3 =	sadd.f32 s3, s31;
	s10 =	spop (v2sf);
	(v2sf) =	vpush v1, $0xF;
	v1 =	vld [tilespmem:$0x12280]  }
0x18c: {  	s17 =	sadd.f32 s7, s9;
	s20 =	spop (v2sf);
	(v2sf) =	vpush v2, $0x0  }
0x18d: {  	v43 =	vld [tilespmem:$0x122E0];
	s3 =	sadd.f32 s3, s30;
	s1 =	spop (v2sf);
	(v2sf) =	vpush v2, $0x1  }
0x18e: {  	v3 =	vadd.f32 v42, v3;
	s4 =	sadd.f32 s17, s12;
	s9 =	spop (v2sf);
	(v2sf) =	vpush v2, $0x2  }
0x18f: {  	v44 =	vld [tilespmem:$0x12340];
	s3 =	sadd.f32 s3, s29;
	s11 =	spop (v2sf);
	(v2sf) =	vpush v2, $0x3  }
0x190: {  	s4 =	sadd.f32 s4, s24;
	s7 =	spop (v2sf);
	(v2sf) =	vpush v2, $0x4;
	v1 =	vadd.f32 v1, v3  }
0x191: {  	s0 =	sadd.f32 s3, s0;
	v3 =	vld [tilespmem:$0x123A0];
	s17 =	spop (v2sf);
	(v2sf) =	vpush v2, $0x5  }
0x192: {  	s4 =	sadd.f32 s4, s25;
	s16 =	spop (v2sf);
	(v2sf) =	vpush v2, $0x6;
	v1 =	vadd.f32 v43, v1  }
0x193: {  	v45 =	vld [tilespmem:$0x12400];
	s0 =	sadd.f32 s0, s28;
	s15 =	spop (v2sf);
	(v2sf) =	vpush v2, $0x7  }
0x194: {  	s31 =	sadd.f32 s4, s19;
	s14 =	spop (v2sf);
	(v2sf) =	vpush v2, $0x8;
	v1 =	vadd.f32 v44, v1  }
0x195: {  	v46 =	vld [tilespmem:$0x12460];
	s28 =	sadd.f32 s0, s2;
	s4 =	spop (v2sf);
	(v2sf) =	vpush v2, $0x9  }
0x196: {  	s12 =	sadd.f32 s31, s13;
	s3 =	spop (v2sf);
	(v2sf) =	vpush v2, $0xA;
	v1 =	vadd.f32 v3, v1  }
0x197: {  	s10 =	sadd.f32 s20, s10;
	s31 =	spop (v2sf);
	(v2sf) =	vpush v2, $0xB  }
0x198: {  	v47 =	vld [tilespmem:$0x12230];
	s8 =	sadd.f32 s12, s8;
	s2 =	spop (v2sf);
	(v2sf) =	vpush v2, $0xC;
	v1 =	vadd.f32 v45, v1  }
0x199: {  	s1 =	sadd.f32 s10, s1;
	v3 =	vld [tilespmem:$0x121D0];
	s30 =	spop (v2sf);
	(v2sf) =	vpush v2, $0xD  }
0x19a: {  	s6 =	sadd.f32 s8, s6;
	s0 =	spop (v2sf);
	(v2sf) =	vpush v2, $0xE;
	v1 =	vadd.f32 v46, v1  }
0x19b: {  	s1 =	sadd.f32 s1, s9;
	s19 =	spop (v2sf);
	(v2sf) =	vpush v2, $0xF;
	v2 =	vld [tilespmem:$0x12290]  }
0x19c: {  	s29 =	sadd.f32 s6, s23;
	s20 =	spop (v2sf);
	(v2sf) =	vpush v1, $0x0  }
0x19d: {  	v48 =	vld [tilespmem:$0x122F0];
	s23 =	spop (v2sf);
	(v2sf) =	vpush v1, $0x1;
	s8 =	sadd.f32 s20, s19  }
0x19e: {  	s1 =	sadd.f32 s1, s11;
	v3 =	vadd.f32 v47, v3;
	s24 =	spop (v2sf);
	(v2sf) =	vpush v1, $0x2  }
0x19f: {  	v49 =	vld [tilespmem:$0x12350];
	s25 =	spop (v2sf);
	(v2sf) =	vpush v1, $0x3;
	s6 =	sadd.f32 s8, s23  }
0x1a0: {  	s1 =	sadd.f32 s1, s7;
	s12 =	spop (v2sf);
	(v2sf) =	vpush v1, $0x4;
	v2 =	vadd.f32 v2, v3  }
0x1a1: {  	v3 =	vld [tilespmem:$0x123B0];
	s13 =	spop (v2sf);
	(v2sf) =	vpush v1, $0x5;
	s6 =	sadd.f32 s6, s24  }
0x1a2: {  	s1 =	sadd.f32 s1, s17;
	s19 =	spop (v2sf);
	(v2sf) =	vpush v1, $0x6;
	v2 =	vadd.f32 v48, v2  }
0x1a3: {  	v50 =	vld [tilespmem:$0x12410];
	s20 =	spop (v2sf);
	(v2sf) =	vpush v1, $0x7;
	s6 =	sadd.f32 s6, s25  }
0x1a4: {  	s1 =	sadd.f32 s1, s16;
	s23 =	spop (v2sf);
	(v2sf) =	vpush v1, $0x8;
	v2 =	vadd.f32 v49, v2  }
0x1a5: {  	v51 =	vld [tilespmem:$0x12470];
	s24 =	spop (v2sf);
	(v2sf) =	vpush v1, $0x9;
	s6 =	sadd.f32 s6, s12  }
0x1a6: {  	s1 =	sadd.f32 s1, s15;
	s25 =	spop (v2sf);
	(v2sf) =	vpush v1, $0xA;
	v2 =	vadd.f32 v3, v2  }
0x1a7: {  	s11 =	spop (v2sf);
	(v2sf) =	vpush v1, $0xB;
	s6 =	sadd.f32 s6, s13  }
0x1a8: {  	s1 =	sadd.f32 s1, s14;
	s15 =	spop (v2sf);
	(v2sf) =	vpush v1, $0xC;
	v2 =	vadd.f32 v50, v2  }
0x1a9: {  	s16 =	spop (v2sf);
	(v2sf) =	vpush v1, $0xD;
	s6 =	sadd.f32 s6, s19  }
0x1aa: {  	s1 =	sadd.f32 s1, s4;
	s17 =	spop (v2sf);
	(v2sf) =	vpush v1, $0xE;
	v2 =	vadd.f32 v51, v2  }
0x1ab: {  	s14 =	spop (v2sf);
	(v2sf) =	vpush v1, $0xF;
	s6 =	sadd.f32 s6, s20  }
0x1ac: {  	v52 =	vld [tilespmem:$0x125C0];
	s1 =	sadd.f32 s1, s3;
	s4 =	spop (v2sf);
	(v2sf) =	vpush v2, $0x0  }
0x1ad: {  	v53 =	vld [tilespmem:$0x12640];
	s9 =	spop (v2sf);
	(v2sf) =	vpush v2, $0x1;
	s8 =	sadd.f32 s6, s23  }
0x1ae: {  	v6 =	vld [tilespmem:$0x126C0];
	s1 =	sadd.f32 s1, s31;
	s19 =	spop (v2sf)  }
0x1af: {  	v7 =	vld [tilespmem:$0x12740];
	(v2sf) =	vpush v2, $0x2;
	s12 =	spop (v2sf);
	s3 =	sadd.f32 s8, s24  }
0x1b0: {  	v8 =	vld [tilespmem:$0x127C0];
	s1 =	sadd.f32 s1, s2;
	s20 =	spop (v2sf)  }
0x1b1: {  	v9 =	vld [tilespmem:$0x12850];
	(v2sf) =	vpush v2, $0x3;
	s23 =	spop (v2sf);
	s24 =	sadd.f32 s3, s25  }
0x1b2: {  	v10 =	vld [tilespmem:$0x12550];
	s1 =	sadd.f32 s1, s30;
	s8 =	spop (v2sf)  }
0x1b3: {  	v11 =	vld [tilespmem:$0x125D0];
	(v2sf) =	vpush v2, $0x4;
	s25 =	spop (v2sf);
	s2 =	sadd.f32 s24, s11  }
0x1b4: {  	v12 =	vld [tilespmem:$0x12650];
	s11 =	sadd.f32 s4, s14;
	s30 =	spop (v2sf)  }
0x1b5: {  	v13 =	vld [tilespmem:$0x126D0];
	s0 =	sadd.f32 s1, s0;
	(v2sf) =	vpush v2, $0x5;
	s31 =	spop (v2sf)  }
0x1b6: {  	v14 =	vld [tilespmem:$0x12750];
	s9 =	sadd.f32 s11, s9;
	s7 =	spop (v2sf)  }
0x1b7: {  	v15 =	vld [tilespmem:$0x127D0];
	s3 =	sadd.f32 s2, s15;
	(v2sf) =	vpush v2, $0x6;
	s6 =	spop (v2sf)  }
0x1b8: {  	v16 =	vld [tilespmem:$0x12860];
	s9 =	sadd.f32 s9, s19;
	s14 =	spop (v2sf)  }
0x1b9: {  	v17 =	vld [tilespmem:$0x12560];
	s1 =	sadd.f32 s3, s16;
	(v2sf) =	vpush v2, $0x7;
	s4 =	spop (v2sf)  }
0x1ba: {  	v18 =	vld [tilespmem:$0x125E0];
	s9 =	sadd.f32 s9, s12;
	s3 =	spop (v2sf)  }
0x1bb: {  	v19 =	vld [tilespmem:$0x126E0];
	(v2sf) =	vpush v2, $0x8;
	s2 =	sadd.f32 s1, s17;
	s15 =	spop (v2sf)  }
0x1bc: {  	v20 =	vld [tilespmem:$0x12760];
	s9 =	sadd.f32 s9, s20;
	s16 =	spop (v2sf)  }
0x1bd: {  	v21 =	vld [tilespmem:$0x127E0];
	(v2sf) =	vpush v2, $0x9;
	s1 =	sadd.f32 s16, s15  }
0x1be: {  	v22 =	vld [tilespmem:$0x12870];
	s17 =	spop (v2sf);
	s9 =	sadd.f32 s9, s23  }
0x1bf: {  	v23 =	vld [tilespmem:$0x12570];
	(v2sf) =	vpush v2, $0xA;
	s1 =	sadd.f32 s1, s17  }
0x1c0: {  	v24 =	vld [tilespmem:$0x125F0];
	s19 =	spop (v2sf);
	s9 =	sadd.f32 s9, s8  }
0x1c1: {  	v25 =	vld [tilespmem:$0x12670];
	(v2sf) =	vpush v2, $0xB;
	s1 =	sadd.f32 s1, s19  }
0x1c2: {  	v26 =	vld [tilespmem:$0x126F0];
	s20 =	spop (v2sf);
	s9 =	sadd.f32 s9, s25  }
0x1c3: {  	v54 =	vld [tilespmem:$0x127F0];
	(v2sf) =	vpush v2, $0xC;
	s1 =	sadd.f32 s1, s20  }
0x1c4: {  	v55 =	vld [tilespmem:$0x12580];
	s23 =	spop (v2sf);
	s9 =	sadd.f32 s9, s30  }
0x1c5: {  	v3 =	vld [tilespmem:$0x12540];
	(v2sf) =	vpush v2, $0xD;
	s1 =	sadd.f32 s1, s23  }
0x1c6: {  	v57 =	vld [tilespmem:$0x12600];
	s25 =	spop (v2sf);
	s8 =	sadd.f32 s9, s31  }
0x1c7: {  	v60 =	vld [tilespmem:$0x12700];
	s12 =	smul.f32 $3.051571550e-04, s28;
	(v2sf) =	vpush v2, $0xE;
	s1 =	sadd.f32 s1, s25  }
0x1c8: {  	v33 =	vld [tilespmem:$0x12590];
	s30 =	spop (v2sf);
	s7 =	sadd.f32 s8, s7  }
0x1c9: {  	v58 =	vld [tilespmem:$0x12680];
	s20 =	smul.f32 $4.437541430e-05, s2;
	(v2sf) =	vpush v2, $0xF;
	s1 =	sadd.f32 s1, s30  }
0x1ca: {  	v1 =	vld [tilespmem:$0x12840];
	v3 =	vmul.f32 s12, v3;
	s31 =	spop (v2sf);
	s6 =	sadd.f32 s7, s6  }
0x1cb: {  	v61 =	vld [tilespmem:$0x12780];
	v10 =	vmul.f32 s12, v10;
	v63 =	vmul.f32 s12, v17;
	s16 =	smul.f32 $6.210023280e-05, s0;
	s1 =	sadd.f32 s1, s31  }
0x1cc: {  	v5 =	vmul.f32 s12, v55;
	v55 =	vmul.f32 s20, v60;
	v60 =	vld [tilespmem:$0x126B0];
	s10 =	spop (v2sf);
	s6 =	sadd.f32 s6, s14  }
0x1cd: {  	v49 =	vmul.f32 s12, v33;
	v59 =	vmul.f32 s16, v12;
	v2 =	vld [tilespmem:$0x12660];
	s14 =	smul.f32 $1.031565920e-04, s29;
	s1 =	sadd.f32 s1, s10  }
0x1ce: {  	v27 =	vld [tilespmem:$0x12770];
	v37 =	vmul.f32 s16, v25;
	v51 =	vmul.f32 s16, v58;
	s11 =	spop (v2sf);
	s4 =	sadd.f32 s6, s4  }
0x1cf: {  	v28 =	vld [tilespmem:$0x12880];
	v1 =	vadd.f32 v3, v1;
	v62 =	vmul.f32 s20, v13;
	v3 =	vmul.f32 s14, v52;
	s1 =	sadd.f32 s1, s11  }
0x1d0: {  	v35 =	vld [tilespmem:$0x12610];
	v9 =	vadd.f32 v10, v9;
	v39 =	vmul.f32 s20, v19;
	v41 =	vmul.f32 s20, v26;
	s13 =	spop (v2sf);
	s17 =	sadd.f32 s4, s3  }
0x1d1: {  	v50 =	vld [tilespmem:$0x126A0];
	v13 =	vmul.f32 s16, v60;
	v1 =	vadd.f32 v3, v1;
	v3 =	vmul.f32 s16, v53;
	s1 =	sadd.f32 s1, s13  }
0x1d2: {  	v29 =	vld [tilespmem:$0x12800];
	v31 =	vadd.f32 v63, v16;
	s15 =	spop (v2sf);
	v2 =	vmul.f32 s16, v2;
	v56 =	vmul.f32 s14, v11  }
0x1d3: {  	v46 =	vld [tilespmem:$0x125A0];
	v32 =	vmul.f32 s14, v18;
	s24 =	smul.f32 $5.560188950e-05, s17;
	v1 =	vadd.f32 v3, v1;
	v3 =	vmul.f32 s20, v6;
	s1 =	sadd.f32 s1, s15  }
0x1d4: {  	v40 =	vld [tilespmem:$0x12790];
	v5 =	vadd.f32 v5, v28;
	s19 =	spop (v2sf);
	v34 =	vmul.f32 s14, v24;
	v47 =	vmul.f32 s14, v57  }
0x1d5: {  	v25 =	vld [tilespmem:$0x127B0];
	v9 =	vadd.f32 v56, v9;
	v1 =	vadd.f32 v3, v1;
	v3 =	vmul.f32 s24, v7;
	s1 =	sadd.f32 s1, s19  }
0x1d6: {  	v52 =	vld [tilespmem:$0x125B0];
	v24 =	vmul.f32 s16, v50;
	v10 =	vadd.f32 v32, v31;
	v53 =	vmul.f32 s14, v35;
	s23 =	spop (v2sf)  }
0x1d7: {  	v48 =	vld [tilespmem:$0x12620];
	v9 =	vadd.f32 v59, v9;
	v1 =	vadd.f32 v3, v1;
	v3 =	vmul.f32 s12, v23;
	s1 =	sadd.f32 s1, s23  }
0x1d8: {  	v2 =	vadd.f32 v2, v10;
	v10 =	vadd.f32 v47, v5;
	v59 =	vmul.f32 s12, v46;
	s25 =	spop (v2sf);
	v23 =	vld [tilespmem:$0x12730]  }
0x1d9: {  	v30 =	vld [tilespmem:$0x12890];
	v14 =	vmul.f32 s24, v14;
	v43 =	vmul.f32 s24, v20;
	v3 =	vadd.f32 v3, v22;
	s0 =	sadd.f32 s1, s25  }
0x1da: {  	v42 =	vld [tilespmem:$0x12810];
	v9 =	vadd.f32 v62, v9;
	v45 =	vmul.f32 s24, v27;
	v58 =	vmul.f32 s24, v61  }
0x1db: {  	v61 =	vld [tilespmem:$0x127A0];
	v62 =	vmul.f32 s12, v52;
	v31 =	vmul.f32 s24, v25;
	v3 =	vadd.f32 v34, v3;
	s0 =	smul.f32 $2.213368720e-04, s0  }
0x1dc: {  	v26 =	vld [tilespmem:$0x12830];
	v9 =	vadd.f32 v14, v9;
	v14 =	vmul.f32 s24, v40;
	v22 =	vmul.f32 s14, v48  }
0x1dd: {  	v57 =	vld [tilespmem:$0x12720];
	v11 =	vmul.f32 s20, v23;
	v3 =	vadd.f32 v37, v3;
	v8 =	vmul.f32 s0, v8  }
0x1de: {  	v36 =	vld [tilespmem:$0x12690];
	v2 =	vadd.f32 v39, v2;
	v15 =	vmul.f32 s0, v15;
	v21 =	vmul.f32 s0, v21  }
0x1df: {  	v56 =	vld [tilespmem:$0x12630];
	v3 =	vadd.f32 v41, v3;
	v4 =	vmul.f32 s0, v54;
	v17 =	vmul.f32 s0, v29  }
0x1e0: {  	v2 =	vadd.f32 v43, v2;
	v19 =	vmul.f32 s0, v42;
	v29 =	vmul.f32 s24, v61  }
0x1e1: {  	v35 =	vmul.f32 s0, v26;
	v1 =	vadd.f32 v8, v1;
	v3 =	vadd.f32 v45, v3  }
0x1e2: {  	v44 =	vld [tilespmem:$0x128A0];
	v6 =	vadd.f32 v21, v2;
	v2 =	vadd.f32 v49, v30;
	v8 =	vmul.f32 s20, v57  }
0x1e3: {  	v5 =	vadd.f32 v4, v3;
	v3 =	vadd.f32 v51, v10;
	v12 =	vmax.f32 v1, $0.0e+00  }
0x1e4: {  	v38 =	vld [tilespmem:$0x12710];
	v1 =	vadd.f32 v53, v2;
	v2 =	vmul.f32 s16, v36;
	v10 =	vmul.f32 s14, v56  }
0x1e5: {  	v28 =	vld [tilespmem:$0x128C0];
	v33 =	vbroadcast v12, $0x0;
	v36 =	vbroadcast v12, $0x1  }
0x1e6: {  	v43 =	vld [tilespmem:$0x12920];
	v39 =	vbroadcast v12, $0x2;
	v42 =	vbroadcast v12, $0x3  }
0x1e7: {  	v63 =	vadd.f32 v59, v44;
	v34 =	vld [tilespmem:$0x128F0];
	v44 =	vbroadcast v12, $0x4;
	v46 =	vbroadcast v12, $0x5  }
0x1e8: {  	v9 =	vadd.f32 v15, v9;
	v30 =	vld [tilespmem:$0x128D0];
	v48 =	vbroadcast v12, $0x6;
	v50 =	vbroadcast v12, $0x7  }
0x1e9: {  	v45 =	vld [tilespmem:$0x12930];
	v4 =	vadd.f32 v22, v63;
	v53 =	vbroadcast v12, $0x8;
	v56 =	vbroadcast v12, $0x9  }
0x1ea: {  	v54 =	vld [tilespmem:$0x128B0];
	v6 =	vmax.f32 v6, $0.0e+00;
	v59 =	vbroadcast v12, $0xA;
	v61 =	vbroadcast v12, $0xB  }
0x1eb: {  	v60 =	vld [tilespmem:$0x12990];
	v22 =	vbroadcast v6, $0xB;
	v1 =	vadd.f32 v2, v1;
	v2 =	vmul.f32 s20, v38  }
0x1ec: {  	v32 =	vld [tilespmem:$0x128E0];
	v7 =	vadd.f32 v24, v4;
	v24 =	vbroadcast v12, $0xC;
	v38 =	vmul.f32 v28, v33  }
0x1ed: {  	v47 =	vld [tilespmem:$0x12940];
	v9 =	vmax.f32 v9, $0.0e+00;
	v41 =	vmul.f32 v30, v36;
	v15 =	vmul.f32 v34, v42  }
0x1ee: {  	v40 =	vld [tilespmem:$0x12910];
	v3 =	vadd.f32 v55, v3;
	v52 =	vmul.f32 v43, v48;
	v55 =	vmul.f32 v45, v50  }
0x1ef: {  	v49 =	vld [tilespmem:$0x12950];
	v18 =	vadd.f32 v62, v54;
	v30 =	vbroadcast v12, $0xE;
	v34 =	vbroadcast v9, $0x0  }
0x1f0: {  	v51 =	vld [tilespmem:$0x12960];
	v5 =	vmax.f32 v5, $0.0e+00;
	v42 =	vbroadcast v9, $0x3;
	v45 =	vbroadcast v9, $0x4  }
0x1f1: {  	v57 =	vld [tilespmem:$0x12980];
	v10 =	vadd.f32 v10, v18;
	v50 =	vbroadcast v9, $0x6;
	v20 =	vbroadcast v5, $0xA  }
0x1f2: {  	v54 =	vld [tilespmem:$0x12970];
	v3 =	vadd.f32 v58, v3;
	v7 =	vadd.f32 v8, v7;
	v8 =	vmul.f32 v32, v39  }
0x1f3: {  	v62 =	vld [tilespmem:$0x129A0];
	v1 =	vadd.f32 v2, v1;
	v58 =	vmul.f32 v47, v53;
	v47 =	vbroadcast v9, $0x5  }
0x1f4: {  	v37 =	vld [tilespmem:$0x12900];
	v53 =	vbroadcast v9, $0x7;
	v10 =	vadd.f32 v13, v10;
	v13 =	vmul.f32 v40, v46  }
0x1f5: {  	v28 =	vld [tilespmem:$0x129C0];
	v15 =	vadd.f32 $0.0e+00, v15;
	v63 =	vmul.f32 v51, v59;
	v40 =	vbroadcast v9, $0x2  }
0x1f6: {  	v48 =	vld [tilespmem:$0x12A40];
	v59 =	vbroadcast v9, $0x9;
	v1 =	vadd.f32 v14, v1;
	v14 =	vmul.f32 v49, v56  }
0x1f7: {  	v2 =	vld [tilespmem:$0x12820];
	v7 =	vadd.f32 v29, v7;
	v26 =	vmul.f32 v54, v61;
	v29 =	vmul.f32 v57, v24  }
0x1f8: {  	v32 =	vld [tilespmem:$0x129E0];
	v4 =	vadd.f32 v17, v3;
	v33 =	vmul.f32 v62, v30;
	v56 =	vbroadcast v9, $0x8  }
0x1f9: {  	v43 =	vld [tilespmem:$0x12A20];
	v8 =	vadd.f32 $0.0e+00, v8;
	v62 =	vbroadcast v9, $0xA;
	v30 =	vbroadcast v9, $0xC  }
0x1fa: {  	v51 =	vld [tilespmem:$0x12A50];
	v3 =	vadd.f32 v19, v1;
	v1 =	vadd.f32 v11, v10;
	v11 =	vmul.f32 v37, v44  }
0x1fb: {  	v27 =	vld [tilespmem:$0x130C0];
	v10 =	vadd.f32 $0.0e+00, v41;
	v37 =	vbroadcast v9, $0x1;
	v39 =	vmul.f32 v28, v34  }
0x1fc: {  	v25 =	vld [tilespmem:$0x129B0];
	v8 =	vadd.f32 v52, v8;
	v61 =	vmul.f32 v48, v56;
	v2 =	vmul.f32 s0, v2  }
0x1fd: {  	v46 =	vld [tilespmem:$0x12A30];
	v44 =	vmul.f32 v32, v40;
	v32 =	vbroadcast v9, $0xD;
	v1 =	vadd.f32 v31, v1  }
0x1fe: {  	v54 =	vld [tilespmem:$0x12A60];
	v40 =	vbroadcast v6, $0x1;
	v10 =	vadd.f32 v13, v10;
	v13 =	vadd.f32 v55, v15  }
0x1ff: {  	v41 =	vld [tilespmem:$0x12A10];
	v8 =	vadd.f32 v63, v8;
	v55 =	vmul.f32 v43, v50;
	v24 =	vmul.f32 v51, v59  }
0x200: {  	v57 =	vld [tilespmem:$0x12A70];
	v43 =	vbroadcast v6, $0x3;
	v51 =	vbroadcast v6, $0x5;
	v2 =	vadd.f32 v2, v7  }
0x201: {  	v28 =	vld [tilespmem:$0x12AB0];
	v7 =	vadd.f32 v38, v27;
	v27 =	vbroadcast v12, $0xD;
	v12 =	vbroadcast v12, $0xF  }
0x202: {  	v31 =	vld [tilespmem:$0x129D0];
	v1 =	vadd.f32 v35, v1;
	v8 =	vadd.f32 v33, v8;
	v33 =	vbroadcast v9, $0xE  }
0x203: {  	v38 =	vld [tilespmem:$0x12A00];
	v10 =	vadd.f32 v14, v10;
	v15 =	vmul.f32 v60, v27;
	v36 =	vmul.f32 v25, v12  }
0x204: {  	v34 =	vld [tilespmem:$0x12AD0];
	v13 =	vadd.f32 v26, v13;
	v52 =	vmul.f32 v41, v47;
	v25 =	vbroadcast v9, $0xB  }
0x205: {  	v63 =	vld [tilespmem:$0x12A90];
	v7 =	vadd.f32 v11, v7;
	v27 =	vmul.f32 v54, v62;
	v9 =	vbroadcast v9, $0xF  }
0x206: {  	v35 =	vld [tilespmem:$0x129F0];
	v41 =	vbroadcast v6, $0x2;
	v62 =	vbroadcast v6, $0xA;
	v8 =	vadd.f32 v44, v8  }
0x207: {  	v26 =	vld [tilespmem:$0x12AA0];
	v7 =	vadd.f32 v58, v7;
	v12 =	vmul.f32 v31, v37;
	v58 =	vmul.f32 v46, v53  }
0x208: {  	v60 =	vld [tilespmem:$0x12A80];
	v10 =	vadd.f32 v15, v10;
	v9 =	vmul.f32 v28, v9;
	v49 =	vmul.f32 v38, v45  }
0x209: {  	v47 =	vld [tilespmem:$0x12B30];
	v11 =	vadd.f32 v36, v13;
	v38 =	vbroadcast v6, $0x0;
	v45 =	vmul.f32 v34, v40  }
0x20a: {  	v50 =	vld [tilespmem:$0x12B40];
	v8 =	vadd.f32 v55, v8;
	v55 =	vbroadcast v6, $0x7;
	v40 =	vbroadcast v5, $0x2  }
0x20b: {  	v31 =	vld [tilespmem:$0x12AC0];
	v7 =	vadd.f32 v29, v7;
	v14 =	vmul.f32 v35, v42;
	v29 =	vmul.f32 v57, v25  }
0x20c: {  	v37 =	vld [tilespmem:$0x12AF0];
	v10 =	vadd.f32 v12, v10;
	v12 =	vmul.f32 v63, v32;
	v36 =	vmul.f32 v26, v33  }
0x20d: {  	v56 =	vld [tilespmem:$0x12B60];
	v32 =	vbroadcast v6, $0xE;
	v15 =	vmul.f32 v60, v30  }
0x20e: {  	v44 =	vld [tilespmem:$0x12B20];
	v8 =	vadd.f32 v27, v8;
	v59 =	vmul.f32 v47, v55;
	v60 =	vbroadcast v6, $0x8  }
0x20f: {  	v35 =	vld [tilespmem:$0x12AE0];
	v27 =	vbroadcast v6, $0xC;
	v55 =	vbroadcast v5, $0x7;
	v7 =	vadd.f32 v39, v7  }
0x210: {  	v63 =	vld [tilespmem:$0x12B80];
	v10 =	vadd.f32 v52, v10;
	v52 =	vbroadcast v6, $0x6;
	v13 =	vmul.f32 v31, v38  }
0x211: {  	v25 =	vld [tilespmem:$0x12BA0];
	v11 =	vadd.f32 v14, v11;
	v48 =	vmul.f32 v37, v43;
	v21 =	vmul.f32 v50, v60  }
0x212: {  	v28 =	vld [tilespmem:$0x12BB0];
	v8 =	vadd.f32 v36, v8;
	v36 =	vbroadcast v5, $0x0;
	v38 =	vbroadcast v5, $0x1  }
0x213: {  	v30 =	vld [tilespmem:$0x12BC0];
	v43 =	vbroadcast v5, $0x3;
	v7 =	vadd.f32 v49, v7;
	v49 =	vbroadcast v6, $0x4  }
0x214: {  	v47 =	vld [tilespmem:$0x12C30];
	v10 =	vadd.f32 v24, v10;
	v57 =	vmul.f32 v44, v52;
	v24 =	vmul.f32 v56, v62  }
0x215: {  	v4 =	vmax.f32 v4, $0.0e+00;
	v34 =	vld [tilespmem:$0x12BE0];
	v52 =	vbroadcast v5, $0x6;
	v46 =	vmul.f32 v35, v41  }
0x216: {  	v39 =	vld [tilespmem:$0x12B00];
	v11 =	vadd.f32 v58, v11;
	v31 =	vmul.f32 v63, v27;
	v35 =	vmul.f32 v25, v32  }
0x217: {  	v42 =	vld [tilespmem:$0x12B10];
	v32 =	vbroadcast v5, $0xE;
	v7 =	vadd.f32 v61, v7;
	v61 =	vbroadcast v6, $0x9  }
0x218: {  	v33 =	vld [tilespmem:$0x12BD0];
	v11 =	vadd.f32 v29, v11;
	v29 =	vbroadcast v6, $0xD;
	v6 =	vbroadcast v6, $0xF  }
0x219: {  	v58 =	vld [tilespmem:$0x12B70];
	v10 =	vadd.f32 v12, v10;
	v12 =	vmul.f32 v30, v36;
	v60 =	vmul.f32 v47, v55  }
0x21a: {  	v44 =	vld [tilespmem:$0x12C20];
	v36 =	vbroadcast v4, $0x0;
	v47 =	vbroadcast v4, $0x4  }
0x21b: {  	v56 =	vld [tilespmem:$0x12C60];
	v8 =	vadd.f32 v46, v8;
	v54 =	vmul.f32 v39, v49;
	v46 =	vbroadcast v5, $0x4  }
0x21c: {  	v23 =	vld [tilespmem:$0x12B90];
	v49 =	vbroadcast v5, $0x5;
	v9 =	vadd.f32 v9, v11;
	v11 =	vmul.f32 v42, v51  }
0x21d: {  	v3 =	vmax.f32 v3, $0.0e+00;
	v53 =	vld [tilespmem:$0x12B50];
	v6 =	vmul.f32 v28, v6;
	v42 =	vmul.f32 v33, v38  }
0x21e: {  	v37 =	vld [tilespmem:$0x12BF0];
	v10 =	vadd.f32 v45, v10;
	v45 =	vmul.f32 v34, v40;
	v38 =	vbroadcast v4, $0x1  }
0x21f: {  	v50 =	vld [tilespmem:$0x12C40];
	v8 =	vadd.f32 v57, v8;
	v26 =	vmul.f32 v58, v22;
	v57 =	vmul.f32 v44, v52  }
0x220: {  	v30 =	vld [tilespmem:$0x12CC0];
	v7 =	vadd.f32 v15, v7;
	v58 =	vbroadcast v5, $0x8;
	v25 =	vmul.f32 v56, v20  }
0x221: {  	v2 =	vmax.f32 v2, $0.0e+00;
	v39 =	vld [tilespmem:$0x12C00];
	v44 =	vbroadcast v4, $0x3;
	v56 =	vbroadcast v4, $0x7  }
0x222: {  	v41 =	vld [tilespmem:$0x12C10];
	v20 =	vbroadcast v4, $0x9;
	v7 =	vadd.f32 v13, v7;
	v9 =	vadd.f32 v48, v9  }
0x223: {  	v62 =	vld [tilespmem:$0x12C80];
	v10 =	vadd.f32 v11, v10;
	v11 =	vmul.f32 v53, v61;
	v48 =	vmul.f32 v37, v43  }
0x224: {  	v33 =	vld [tilespmem:$0x12CD0];
	v61 =	vbroadcast v5, $0x9;
	v8 =	vadd.f32 v24, v8;
	v63 =	vmul.f32 v50, v58  }
0x225: {  	v34 =	vld [tilespmem:$0x12CE0];
	v40 =	vmul.f32 v30, v36;
	v50 =	vbroadcast v4, $0x5;
	v7 =	vadd.f32 v54, v7  }
0x226: {  	v53 =	vld [tilespmem:$0x12C50];
	v10 =	vadd.f32 v11, v10;
	v11 =	vmul.f32 v23, v29;
	v51 =	vmul.f32 v39, v46  }
0x227: {  	v37 =	vld [tilespmem:$0x12CF0];
	v9 =	vadd.f32 v59, v9;
	v54 =	vmul.f32 v41, v49;
	v23 =	vbroadcast v5, $0xB  }
0x228: {  	v27 =	vld [tilespmem:$0x12CB0];
	v29 =	vbroadcast v5, $0xD;
	v41 =	vbroadcast v4, $0x2;
	v8 =	vadd.f32 v35, v8  }
0x229: {  	v24 =	vld [tilespmem:$0x12CA0];
	v43 =	vmul.f32 v33, v38;
	v33 =	vbroadcast v3, $0x0;
	v7 =	vadd.f32 v21, v7  }
0x22a: {  	v59 =	vld [tilespmem:$0x12C70];
	v9 =	vadd.f32 v26, v9;
	v26 =	vbroadcast v5, $0xC;
	v5 =	vbroadcast v5, $0xF  }
0x22b: {  	v39 =	vld [tilespmem:$0x12D00];
	v10 =	vadd.f32 v11, v10;
	v46 =	vmul.f32 v34, v41;
	v22 =	vmul.f32 v53, v61  }
0x22c: {  	v30 =	vld [tilespmem:$0x12DD0];
	v8 =	vadd.f32 v45, v8;
	v49 =	vmul.f32 v37, v44;
	v53 =	vbroadcast v4, $0x6  }
0x22d: {  	v21 =	vld [tilespmem:$0x12C90];
	v37 =	vbroadcast v3, $0x1;
	v7 =	vadd.f32 v31, v7;
	v31 =	vmul.f32 v62, v26  }
0x22e: {  	v45 =	vld [tilespmem:$0x12D20];
	v6 =	vadd.f32 v6, v9;
	v35 =	vmul.f32 v24, v32;
	v5 =	vmul.f32 v27, v5  }
0x22f: {  	v9 =	vadd.f32 v42, v10;
	v42 =	vld [tilespmem:$0x12D10];
	v26 =	vbroadcast v4, $0xC;
	v28 =	vmul.f32 v59, v23  }
0x230: {  	v62 =	vld [tilespmem:$0x12D80];
	v8 =	vadd.f32 v57, v8;
	v52 =	vmul.f32 v39, v47;
	v59 =	vbroadcast v4, $0x8  }
0x231: {  	v34 =	vld [tilespmem:$0x12DF0];
	v23 =	vbroadcast v4, $0xB;
	v39 =	vbroadcast v3, $0x2;
	v7 =	vadd.f32 v12, v7  }
0x232: {  	v41 =	vld [tilespmem:$0x12E20];
	v6 =	vadd.f32 v48, v6;
	v9 =	vadd.f32 v54, v9;
	v11 =	vmul.f32 v21, v29  }
0x233: {  	v48 =	vld [tilespmem:$0x12D30];
	v8 =	vadd.f32 v25, v8;
	v29 =	vbroadcast v4, $0xD;
	v58 =	vmul.f32 v45, v53  }
0x234: {  	v54 =	vld [tilespmem:$0x12D50];
	v9 =	vadd.f32 v22, v9;
	v22 =	vbroadcast v4, $0xA;
	v53 =	vbroadcast v3, $0x8  }
0x235: {  	v44 =	vld [tilespmem:$0x12E30];
	v7 =	vadd.f32 v51, v7;
	v55 =	vmul.f32 v42, v50;
	v10 =	vmul.f32 v62, v26  }
0x236: {  	v21 =	vld [tilespmem:$0x12D90];
	v6 =	vadd.f32 v60, v6;
	v42 =	vmul.f32 v30, v37;
	v50 =	vbroadcast v3, $0x6  }
0x237: {  	v51 =	vld [tilespmem:$0x12D40];
	v8 =	vadd.f32 v35, v8;
	v62 =	vbroadcast v3, $0xB;
	v26 =	vbroadcast v3, $0xD  }
0x238: {  	v60 =	vld [tilespmem:$0x12D70];
	v37 =	vbroadcast v2, $0x2;
	v7 =	vadd.f32 v63, v7;
	v6 =	vadd.f32 v28, v6  }
0x239: {  	v57 =	vld [tilespmem:$0x12D60];
	v9 =	vadd.f32 v11, v9;
	v61 =	vmul.f32 v48, v56;
	v25 =	vmul.f32 v54, v20  }
0x23a: {  	v27 =	vld [tilespmem:$0x12DB0];
	v48 =	vbroadcast v3, $0x5;
	v7 =	vadd.f32 v31, v7;
	v31 =	vbroadcast v4, $0xE  }
0x23b: {  	v35 =	vld [tilespmem:$0x12E00];
	v5 =	vadd.f32 v5, v6;
	v4 =	vbroadcast v4, $0xF;
	v11 =	vmul.f32 v21, v29  }
0x23c: {  	v24 =	vld [tilespmem:$0x12DA0];
	v9 =	vadd.f32 v43, v9;
	v43 =	vbroadcast v3, $0x4;
	v63 =	vmul.f32 v51, v59  }
0x23d: {  	v32 =	vld [tilespmem:$0x12DE0];
	v6 =	vadd.f32 v46, v8;
	v15 =	vmul.f32 v60, v23;
	v51 =	vbroadcast v3, $0x7  }
0x23e: {  	v28 =	vld [tilespmem:$0x12DC0];
	v59 =	vbroadcast v3, $0x9;
	v8 =	vadd.f32 v55, v9;
	v9 =	vmul.f32 v57, v22  }
0x23f: {  	v54 =	vld [tilespmem:$0x12E70];
	v7 =	vadd.f32 v40, v7;
	v4 =	vmul.f32 v27, v4;
	v40 =	vbroadcast v3, $0x3  }
0x240: {  	v46 =	vld [tilespmem:$0x12E40];
	v47 =	vmul.f32 v35, v43;
	v55 =	vmul.f32 v41, v50  }
0x241: {  	v29 =	vld [tilespmem:$0x12EE0];
	v22 =	vbroadcast v3, $0xC;
	v35 =	vbroadcast v2, $0x1  }
0x242: {  	v60 =	vld [tilespmem:$0x12E90];
	v6 =	vadd.f32 v58, v6;
	v41 =	vbroadcast v2, $0x4;
	v50 =	vbroadcast v2, $0x7  }
0x243: {  	v23 =	vld [tilespmem:$0x12EB0];
	v5 =	vadd.f32 v49, v5;
	v36 =	vmul.f32 v28, v33;
	v56 =	vmul.f32 v44, v51  }
0x244: {  	v49 =	vld [tilespmem:$0x12E50];
	v28 =	vbroadcast v3, $0xE;
	v6 =	vadd.f32 v9, v6;
	v9 =	vmul.f32 v24, v31  }
0x245: {  	v57 =	vld [tilespmem:$0x12E80];
	v5 =	vadd.f32 v61, v5;
	v45 =	vmul.f32 v34, v40;
	v61 =	vbroadcast v3, $0xA  }
0x246: {  	v27 =	vld [tilespmem:$0x12ED0];
	v14 =	vmul.f32 v54, v62;
	v3 =	vbroadcast v3, $0xF  }
0x247: {  	v1 =	vmax.f32 v1, $0.0e+00;
	v31 =	vbroadcast v2, $0x0;
	v58 =	vmul.f32 v46, v53  }
0x248: {  	v43 =	vmul.f32 v29, v37;
	v6 =	vadd.f32 v9, v6;
	v9 =	vmul.f32 v32, v39  }
0x249: {  	v38 =	vld [tilespmem:$0x12E10];
	v7 =	vadd.f32 v52, v7;
	v30 =	vmul.f32 v60, v26;
	v3 =	vmul.f32 v23, v3  }
0x24a: {  	v33 =	vld [tilespmem:$0x12F00];
	v8 =	vadd.f32 v25, v8;
	v60 =	vbroadcast v2, $0xB;
	v21 =	vmul.f32 v49, v59  }
0x24b: {  	v52 =	vld [tilespmem:$0x12E60];
	v7 =	vadd.f32 v63, v7;
	v25 =	vmul.f32 v57, v22;
	v40 =	vmul.f32 v27, v35  }
0x24c: {  	v24 =	vld [tilespmem:$0x12EC0];
	v5 =	vadd.f32 v15, v5;
	v49 =	vbroadcast v2, $0x6;
	v57 =	vbroadcast v2, $0x9  }
0x24d: {  	v8 =	vadd.f32 v11, v8;
	v59 =	vbroadcast v2, $0xA;
	v22 =	vbroadcast v2, $0xD  }
0x24e: {  	v63 =	vld [tilespmem:$0x12EA0];
	v7 =	vadd.f32 v10, v7;
	v10 =	vmul.f32 v38, v48;
	v38 =	vbroadcast v2, $0x3  }
0x24f: {  	v32 =	vld [tilespmem:$0x12EF0];
	v4 =	vadd.f32 v4, v5;
	v46 =	vmul.f32 v33, v41;
	v33 =	vbroadcast v1, $0x2  }
0x250: {  	v53 =	vld [tilespmem:$0x12F70];
	v5 =	vadd.f32 v42, v8;
	v41 =	vbroadcast v1, $0x5;
	v8 =	vmul.f32 v52, v61  }
0x251: {  	v39 =	vld [tilespmem:$0x12F20];
	v6 =	vadd.f32 v9, v6;
	v34 =	vmul.f32 v24, v31;
	v24 =	vbroadcast v2, $0xE  }
0x252: {  	v42 =	vld [tilespmem:$0x12F30];
	v31 =	vbroadcast v1, $0x1;
	v7 =	vadd.f32 v36, v7;
	v4 =	vadd.f32 v45, v4  }
0x253: {  	v48 =	vld [tilespmem:$0x12F50];
	v5 =	vadd.f32 v10, v5;
	v6 =	vadd.f32 v55, v6;
	v9 =	vmul.f32 v63, v28  }
0x254: {  	v61 =	vld [tilespmem:$0x12FA0];
	v44 =	vmul.f32 v32, v38;
	v7 =	vadd.f32 v47, v7;
	v4 =	vadd.f32 v56, v4  }
0x255: {  	v62 =	vld [tilespmem:$0x12FB0];
	v5 =	vadd.f32 v21, v5;
	v47 =	vbroadcast v2, $0x5;
	v56 =	vbroadcast v2, $0x8  }
0x256: {  	v23 =	vld [tilespmem:$0x12FD0];
	v6 =	vadd.f32 v8, v6;
	v8 =	vmul.f32 v53, v60;
	v21 =	vbroadcast v2, $0xC  }
0x257: {  	v36 =	vld [tilespmem:$0x12F10];
	v2 =	vbroadcast v2, $0xF;
	v60 =	vbroadcast v1, $0xC  }
0x258: {  	v45 =	vld [tilespmem:$0x12F40];
	v54 =	vmul.f32 v42, v50;
	v12 =	vmul.f32 v48, v57;
	v7 =	vadd.f32 v58, v7  }
0x259: {  	v51 =	vld [tilespmem:$0x12F60];
	v6 =	vadd.f32 v9, v6;
	v9 =	vmul.f32 v39, v49;
	v28 =	vmul.f32 v61, v24  }
0x25a: {  	v32 =	vld [tilespmem:$0x13010];
	v5 =	vadd.f32 v30, v5;
	v2 =	vmul.f32 v62, v2;
	v30 =	vbroadcast v1, $0x0  }
0x25b: {  	v29 =	vld [tilespmem:$0x13000];
	v4 =	vadd.f32 v14, v4;
	v61 =	vbroadcast v1, $0xD;
	v62 =	vbroadcast v1, $0xE  }
0x25c: {  	v37 =	vld [tilespmem:$0x13030];
	v52 =	vmul.f32 v36, v47;
	v36 =	vmul.f32 v23, v31;
	v7 =	vadd.f32 v25, v7  }
0x25d: {  	v58 =	vld [tilespmem:$0x12F90];
	v3 =	vadd.f32 v3, v4;
	v4 =	vadd.f32 v43, v6;
	v6 =	vmul.f32 v45, v56  }
0x25e: {  	v27 =	vld [tilespmem:$0x12FF0];
	v5 =	vadd.f32 v40, v5;
	v40 =	vbroadcast v1, $0x4;
	v43 =	vbroadcast v1, $0x6  }
0x25f: {  	v35 =	vld [tilespmem:$0x13020];
	v47 =	vmul.f32 v32, v41;
	v7 =	vadd.f32 v34, v7;
	v3 =	vadd.f32 v44, v3  }
0x260: {  	v42 =	vld [tilespmem:$0x13050];
	v4 =	vadd.f32 v9, v4;
	v9 =	vmul.f32 v51, v59;
	v34 =	vbroadcast v1, $0x3  }
0x261: {  	[tilespmem:$0x12180] =	vst v0;
	v55 =	vld [tilespmem:$0x12F80];
	v5 =	vadd.f32 v52, v5;
	v44 =	vbroadcast v1, $0x7;
	v51 =	vbroadcast v1, $0x8  }
0x262: {  	[tilespmem:$0x121E0] =	vst v0;
	v63 =	vld [tilespmem:$0x12FC0];
	v52 =	vbroadcast v1, $0x9;
	v26 =	vmul.f32 v58, v22;
	v7 =	vadd.f32 v46, v7  }
0x263: {  	[tilespmem:$0x121F0] =	vst v0;
	v53 =	vld [tilespmem:$0x13090];
	v3 =	vadd.f32 v54, v3;
	v5 =	vadd.f32 v12, v5;
	v38 =	vmul.f32 v27, v34  }
0x264: {  	[tilespmem:$0x12200] =	vst v0;
	v25 =	vld [tilespmem:$0x12FE0];
	v4 =	vadd.f32 v9, v4;
	v46 =	vmul.f32 v29, v40;
	v49 =	vmul.f32 v37, v44  }
0x265: {  	[tilespmem:$0x12210] =	vst v0;
	v48 =	vld [tilespmem:$0x13070];
	v54 =	vbroadcast v1, $0xA;
	v57 =	vmul.f32 v42, v52;
	v6 =	vadd.f32 v6, v7  }
0x266: {  	[tilespmem:$0x12220] =	vst v0;
	v58 =	vld [tilespmem:$0x130B0];
	v7 =	vmul.f32 v55, v21;
	v3 =	vadd.f32 v8, v3;
	v5 =	vadd.f32 v26, v5  }
0x267: {  	[tilespmem:$0x12230] =	vst v0;
	v39 =	vld [tilespmem:$0x13040];
	v4 =	vadd.f32 v28, v4;
	v8 =	vmul.f32 v35, v43;
	v55 =	vbroadcast v1, $0xB  }
0x268: {  	[tilespmem:$0x12240] =	vst v0;
	v45 =	vld [tilespmem:$0x13060];
	v1 =	vbroadcast v1, $0xF;
	v6 =	vadd.f32 v7, v6;
	v7 =	vmul.f32 v63, v30  }
0x269: {  	[tilespmem:$0x122A0] =	vst v0;
	v50 =	vld [tilespmem:$0x13080];
	v2 =	vadd.f32 v2, v3;
	v3 =	vmul.f32 v25, v33;
	v5 =	vadd.f32 v36, v5  }
0x26a: {  	[tilespmem:$0x122B0] =	vst v0;
	v56 =	vld [tilespmem:$0x130A0];
	v59 =	vmul.f32 v48, v55;
	v63 =	vmul.f32 v53, v61;
	v6 =	vadd.f32 v7, v6  }
0x26b: {  	[tilespmem:$0x122C0] =	vst v0;
	v1 =	vmul.f32 v58, v1;
	v3 =	vadd.f32 v3, v4;
	v2 =	vadd.f32 v38, v2  }
0x26c: {  	[tilespmem:$0x122D0] =	vst v0;
	v5 =	vadd.f32 v47, v5;
	v4 =	vadd.f32 v46, v6;
	v6 =	vmul.f32 v39, v51  }
0x26d: {  	[tilespmem:$0x122E0] =	vst v0;
	v7 =	vmul.f32 v45, v54;
	v3 =	vadd.f32 v8, v3;
	v2 =	vadd.f32 v49, v2  }
0x26e: {  	[tilespmem:$0x122F0] =	vst v0;
	v5 =	vadd.f32 v57, v5;
	v4 =	vadd.f32 v6, v4;
	v6 =	vmul.f32 v50, v60  }
0x26f: {  	[tilespmem:$0x12310] =	vst v0;
	v8 =	vmul.f32 v56, v62;
	v3 =	vadd.f32 v7, v3;
	v2 =	vadd.f32 v59, v2  }
0x270: {  	[tilespmem:$0x12320] =	vst v0;
	v5 =	vadd.f32 v63, v5;
	v4 =	vadd.f32 v6, v4  }
0x271: {  	[tilespmem:$0x12330] =	vst v0;
	v3 =	vadd.f32 v8, v3;
	v1 =	vadd.f32 v1, v2  }
0x272: {  	[tilespmem:$0x12340] =	vst v0  }
0x273: {  	[tilespmem:$0x12350] =	vst v0;
	v2 =	vadd.f32 v5, v4;
	v1 =	vadd.f32 v1, v3  }
0x274: {  	[tilespmem:$0x123C0] =	vst v0  }
0x275: {  	[tilespmem:$0x123D0] =	vst v0;
	v1 =	vadd.f32 v1, v2  }
0x276: {  	[tilespmem:$0x123E0] =	vst v0  }
0x277: {  	[tilespmem:$0x123F0] =	vst v0;
	v1 =	vsub.f32 $0.0e+00, v1  }
0x278: {  	[tilespmem:$0x12400] =	vst v0  }
0x279: {  	[tilespmem:$0x12410] =	vst v0;
	v1 =	vmul.f32 $1.442695020e+00, v1  }
0x27a: {  	[tilespmem:$0x12430] =	vst v0  }
0x27b: {  	[tilespmem:$0x12440] =	vst v0;
	(erf) = vpow2.f32 v1  }
0x27c: {  	[tilespmem:$0x12450] =	vst v0  }
0x27d: {  	[tilespmem:$0x12460] =	vst v0  }
0x27e: {  	[tilespmem:$0x12470] =	vst v0  }
0x27f: {  	[tilespmem:$0x12300] =	vst v0  }
0x280: {  	[tilespmem:$0x12360] =	vst v0  }
0x281: {  	[tilespmem:$0x12420] =	vst v0  }
0x282: {  	[tilespmem:$0x12190] =	vst v0  }
0x283: {  	[tilespmem:$0x12250] =	vst v0  }
0x284: {  	[tilespmem:$0x12370] =	vst v0;
	v1 =	vpop (erf)  }
0x285: {  	[tilespmem:$0x121A0] =	vst v0;
	v1 =	vadd.f32 $1.000000000e+00, v1  }
0x286: {  	[tilespmem:$0x12260] =	vst v0  }
0x287: {  	[tilespmem:$0x12380] =	vst v0;
	(erf) = vrcp.f32 v1  }
0x288: {  	[tilespmem:$0x121B0] =	vst v0  }
0x289: {  	[tilespmem:$0x12270] =	vst v0  }
0x28a: {  	[tilespmem:$0x12390] =	vst v0  }
0x28b: {  	[tilespmem:$0x121C0] =	vst v0;
	s31 =	sshll.u32 s26, $0x4;
	s26 =	sadd.s32 $0x1, s26  }
0x28c: {  	[tilespmem:$0x12280] =	vst v0;
	p0 =	sne.s32 s26, $0xC  }
.Ltmp8:
0x28d: {  	[tilespmem:$0x123A0] =	vst v0;
	(pc) =	sbr.rel @p0 .LBB2_2-.Ltmp8, $4  }
0x28e: {  	[tilespmem:$0x121D0] =	vst v0  }
0x28f: {  	[tilespmem:$0x12290] =	vst v0  }
0x290: {  	[tilespmem:$0x123B0] =	vst v0;
	s0 =	sand.u32 $0x3FFFFFF0, s31;
	v1 =	vpop (erf)  }
0x291: {  	s1 =	simm.s32 $0x0;
	[tilespmem:s0+$0x12480] =	vst v1  }
0x292: {  	s0 =	rddreg [dreg:$0xb];
	s2 =	simm.s32 $0x12480;
	s30 =	simm.s32 $0x3  }
0x293: {  	[hbm4b:s0+s1] =	stream.linear.scatter [tilespmem:s2], [sflag:$0x3], $0xC0, $0x38;
	[tilespmem:$0x130D0] =	vst v63  }
0x294: {  	_ =	swait.ge [sflag:s30], $0xC0  }
0x295: {  	s3 =	rddreg [dreg:$0xd]  }
0x296: {  	s31 =	rddreg [dreg:$0xc];
	s3 =	sadd.s32 $0x1, s3  }
0x297: {  	p0 =	sne.s32 s3, s31  }
.Ltmp9:
0x298: {  	_ = 	snop;
	(pc) =	sbr.rel @p0 .LBB2_1-.Ltmp9, $3  }
0x299: {  	_ =	sdelay $0x1  }
0x29a: {  	[sflag:s30] =	ssyncset.done $0x0  }
0x29b: {  	[sflag:s30] =	ssyncadd.s32 $0xFFFFFF40  }
0x29c: {  	_ =	sfence.sel $0x180000  }
0x29d: {  	[bflag:$0x0] =	sbarrier.arrive $0xFFFF  }
0x29e: {  	_ =	strace $0x90000047  }
0x29f: {  	s0 =	stileid.u32;
	[bflag:$0x2] =	sbarrier.arrive $0xFFFF  }
0x2a0: {  	p0 =	sne.s32 s0, $0x0;
	s0 =	rddreg [dreg:$0x4]  }
0x2a1: {  	s0 =	sadd.s32 @!p0 $0x100000, s0  }
0x2a2: {  	[sflag:s0] =	ssyncadd.tile.s32 @!p0 $0x1;
	_ =	shalt  }
.Lfunc_end2:
_tile_overlayer_lowered:
.L_overlay_start_2:
0x2a3: {  	(tag) =	ssettag $0x2  }
0x2a4: {  	s0 =	rddreg [dreg:$0x0];
	s2 =	stileid.u32  }
0x2a5: {  	s1 =	rddreg [dreg:$0x1];
	p0 =	sne.s32 s2, $0x0  }
0x2a6: {  	s3 =	rddreg [dreg:$0x2];
	[bflag:$0x3] =	sbarrier.arrive $0xFFFF;
	s2 =	simm.s32 @!p0 $0x1C03  }
0x2a7: {  	[timem:s3], [sflag:s2] =	dma.local @!p0 [hbm:s0], s1  }
0x2a8: {  	s0 =	simm.s32 @!p0 $0x3  }
0x2a9: {  	_ =	swait.ge @!p0 [sflag:s0], s1  }
0x2aa: {  	s1 =	ssub.s32 @!p0 $0x0, s1;
	[sflag:s0] =	ssyncset.done @!p0 $0x0  }
0x2ab: {  	[sflag:s0] =	ssyncadd.s32 @!p0 s1  }
0x2ac: {  	[bflag:$0x3] =	sbarrier.arrive $0xFFFF  }
0x2ad: {  	_ =	shalt  }

</sc_bundles>
